<compile_context>
chip_gen: v7x
topology: tpu7x:2x2x1
jax: 0.10.2.dev20260603
libtpu: 0.0.44.dev20260713+nightly
codegen_flags: <defaults>
</compile_context>

<pallas_src>
import functools

import jax
import jax.numpy as jnp
from jax import lax
from jax.experimental import pallas as pl
from jax.experimental.pallas import tpu as pltpu
from jax.experimental.pallas import tpu_sc as plsc

N = 100000
D = 128
G = 256
EPS = 1e-5

R = 1000
NBLK = N // R
KSEG = 4
CSZ = 200
NCHK = R // CSZ



Q = 4
QR = R // Q


def _issue_x(x_hbm, xbuf, xsem, blk):
    slot = blk % 2
    for q in range(Q):
        pltpu.make_async_copy(
            x_hbm.at[pl.ds(blk * R + q * QR, QR), :],
            xbuf.at[slot, pl.ds(q * QR, QR), :],
            xsem.at[slot, q]).start()


def _wait_x(x_hbm, xbuf, xsem, blk):
    slot = blk % 2
    for q in range(Q):
        pltpu.make_async_copy(
            x_hbm.at[pl.ds(blk * R + q * QR, QR), :],
            xbuf.at[slot, pl.ds(q * QR, QR), :],
            xsem.at[slot, q]).wait()


def _tc_body(firsts_ref, lasts_ref, x_hbm, w_ref, b_ref, gamma_ref, beta_ref,
             batch_ref, pooled_ref, xbuf, pool_acc, h_scr, sum_acc, sq_acc,
             xsem):
    i = pl.program_id(0)

    @pl.when(i == 0)
    def _init():
        pool_acc[...] = jnp.full((G, D), -jnp.inf, jnp.float32)
        sum_acc[...] = jnp.zeros((8, D), jnp.float32)
        sq_acc[...] = jnp.zeros((8, D), jnp.float32)
        _issue_x(x_hbm, xbuf, xsem, 0)

    @pl.when(i + 1 < NBLK)
    def _prefetch():
        _issue_x(x_hbm, xbuf, xsem, i + 1)

    _wait_x(x_hbm, xbuf, xsem, i)
    slot = i % 2
    w = w_ref[...]
    bias = b_ref[...]
    s0 = firsts_ref[i]
    s1 = lasts_ref[i]

    rs = jnp.zeros((8, D), jnp.float32)
    rq = jnp.zeros((8, D), jnp.float32)
    cm = [jnp.full((1, D), -jnp.inf, jnp.float32) for _ in range(KSEG)]
    for c in range(NCHK):
        xc = xbuf[slot, pl.ds(c * CSZ, CSZ), :]
        hc = jnp.dot(xc, w, preferred_element_type=jnp.float32) + bias
        h_scr[pl.ds(c * CSZ, CSZ), :] = hc
        rs = rs + jnp.sum(hc.reshape(CSZ // 8, 8, D), axis=0)
        rq = rq + jnp.sum((hc * hc).reshape(CSZ // 8, 8, D), axis=0)
        bc = batch_ref[pl.ds(c * CSZ, CSZ), :]
        for k in range(KSEG):
            cmk = jnp.max(jnp.where(bc == s0 + k, hc, -jnp.inf), axis=0,
                          keepdims=True)
            cm[k] = jnp.maximum(cm[k], cmk)
    sum_acc[...] += rs
    sq_acc[...] += rq
    for k in range(KSEG):
        idx = jnp.minimum(s0 + k, G - 1)
        cur = pool_acc[pl.ds(idx, 1), :]
        pool_acc[pl.ds(idx, 1), :] = jnp.maximum(cur, cm[k])

    bcol = batch_ref[...]
    def seg_body(seg, carry):
        colmax = jnp.max(jnp.where(bcol == seg, h_scr[...], -jnp.inf), axis=0,
                         keepdims=True)
        cur = pool_acc[pl.ds(seg, 1), :]
        pool_acc[pl.ds(seg, 1), :] = jnp.maximum(cur, colmax)
        return carry

    lax.fori_loop(s0 + KSEG, s1 + 1, seg_body, 0)

    @pl.when(i == NBLK - 1)
    def _finalize():
        tot = jnp.sum(sum_acc[...], axis=0, keepdims=True)
        tot2 = jnp.sum(sq_acc[...], axis=0, keepdims=True)
        mean = tot * (1.0 / N)
        var = tot2 * (1.0 / N) - mean * mean
        scale = gamma_ref[...] * lax.rsqrt(var + EPS)
        shift = beta_ref[...] - mean * scale
        pooled_ref[...] = jnp.maximum(pool_acc[...] * scale + shift, 0.0)


def _tc_pass(x, batch_col, firsts, lasts, W, b, gamma, beta):
    return pl.pallas_call(
        _tc_body,
        grid=(NBLK,),
        in_specs=[
            pl.BlockSpec(memory_space=pltpu.SMEM),
            pl.BlockSpec(memory_space=pltpu.SMEM),
            pl.BlockSpec(memory_space=pltpu.MemorySpace.HBM),
            pl.BlockSpec((D, D), lambda i: (0, 0)),
            pl.BlockSpec((1, D), lambda i: (0, 0)),
            pl.BlockSpec((1, D), lambda i: (0, 0)),
            pl.BlockSpec((1, D), lambda i: (0, 0)),
            pl.BlockSpec((R, 1), lambda i: (i, 0)),
        ],
        out_specs=pl.BlockSpec((G, D), lambda i: (0, 0)),
        out_shape=jax.ShapeDtypeStruct((G, D), jnp.float32),
        scratch_shapes=[
            pltpu.VMEM((2, R, D), jnp.float32),
            pltpu.VMEM((G, D), jnp.float32),
            pltpu.VMEM((R, D), jnp.float32),
            pltpu.VMEM((8, D), jnp.float32),
            pltpu.VMEM((8, D), jnp.float32),
            pltpu.SemaphoreType.DMA((2, Q)),
        ],
        compiler_params=pltpu.CompilerParams(
            dimension_semantics=("arbitrary",),
        ),
    )(firsts, lasts, x, W, b.reshape(1, D), gamma.reshape(1, D),
      beta.reshape(1, D), batch_col)



CH = 128
NW = 32
NCH = 25
WROWS = NCH * CH
IB = 6
_MAXOFF = N - CH
_MAXBASE = N - WROWS


def _sc_expand(pooled, batch):
    mesh = plsc.VectorSubcoreMesh(core_axis_name="c", subcore_axis_name="s")

    @functools.partial(
        pl.kernel,
        mesh=mesh,
        out_type=jax.ShapeDtypeStruct((N, D), jnp.float32),
        scratch_types=[
            pltpu.VMEM((WROWS,), jnp.int32),
            pltpu.VMEM((IB, CH, D), jnp.float32),
            pltpu.VMEM_SHARED((G, D), jnp.float32),
            pltpu.SemaphoreType.DMA,
            pltpu.SemaphoreType.DMA,
        ],
    )
    def expand(pooled_hbm, batch_hbm, out_hbm, idx_all, row_bufs, pooled_sh,
               sem_g, sem_w):
        c = lax.axis_index("c")
        s = lax.axis_index("s")
        wid = s * 2 + c
        base = wid * WROWS
        lbase = pl.multiple_of(jnp.minimum(base, _MAXBASE), 8)
        @pl.when(s == 0)
        def _stage():
            pltpu.sync_copy(pooled_hbm, pooled_sh)
        plsc.subcore_barrier()
        pltpu.sync_copy(batch_hbm.at[pl.ds(lbase, WROWS)], idx_all)

        offs = [pl.multiple_of(jnp.minimum(base + j * CH, _MAXOFF), 8)
                for j in range(NCH)]
        loffs = [pl.multiple_of(offs[j] - lbase, 8) for j in range(NCH)]

        gh = [None] * NCH
        wh = [None] * NCH

        def gather(j):
            return pltpu.async_copy(
                pooled_sh.at[idx_all.at[pl.ds(loffs[j], CH)]],
                row_bufs.at[j % IB], sem_g)

        def write(j):
            return pltpu.async_copy(
                row_bufs.at[j % IB], out_hbm.at[pl.ds(offs[j], CH)], sem_w)

        for k in range(IB - 1):
            gh[k] = gather(k)
        for j in range(NCH):
            nxt = j + IB - 1
            if nxt < NCH:
                if nxt - IB >= 0:
                    wh[nxt - IB].wait()
                gh[nxt] = gather(nxt)
            gh[j].wait()
            wh[j] = write(j)
        for j in range(max(0, NCH - IB), NCH):
            wh[j].wait()

    return expand(pooled, batch)


def kernel(x, stroke_idx, batch, W, b, gamma, beta):
    del stroke_idx
    batch = batch.astype(jnp.int32)
    batch_col = batch.reshape(N, 1)
    firsts = batch[::R]
    lasts = batch[R - 1::R]
    pooled = _tc_pass(x, batch_col, firsts, lasts, W, b, gamma, beta)
    return _sc_expand(pooled, batch)

# --- scband reference (transcript-rebuilt; emitter-appended) ---
"""Pipeline reference for scband-max-pool-10703058501945 (READ-ONLY COPY).

The authoritative reference and input builder live on the scoring server;
editing this copy changes nothing except your own understanding.
"""

import jax, jax.numpy as jnp
import numpy as np

NUM_GRAPHS = 256
EPS = 1e-5


def setup_inputs(seed: int = 0) -> dict:
    key = jax.random.key(seed)
    k1, k2, k3, k4, k5, k6 = jax.random.split(key, 6)
    x = jax.random.normal(k1, (100000, 128), dtype=jnp.float32)
    stroke_idx = jax.random.randint(k2, (2, 100000), 0, 100000, dtype=jnp.int32)
    batch = jnp.sort(jax.random.randint(k3, (100000,), 0, NUM_GRAPHS, dtype=jnp.int32))
    W = jax.random.normal(k4, (128, 128), dtype=jnp.float32) * (1.0 / np.sqrt(128.0))
    b = jnp.zeros((128,), dtype=jnp.float32)
    gamma = jnp.ones((128,), dtype=jnp.float32)
    beta = jnp.zeros((128,), dtype=jnp.float32)
    return {"x": x, "stroke_idx": stroke_idx, "batch": batch, "W": W, "b": b, "gamma": gamma, "beta": beta}


def reference(x, stroke_idx, batch, W, b, gamma, beta):
    # MLPLinear([in, out], norm='batch', act='relu'): Linear -> BatchNorm1d (batch stats) -> ReLU
    h = x @ W + b
    mean = jnp.mean(h, axis=0)
    var = jnp.var(h, axis=0)
    h = (h - mean) * jax.lax.rsqrt(var + EPS) * gamma + beta
    h = jax.nn.relu(h)
    # global_max_pool over graphs, then broadcast back to nodes via index_select(batch)
    pooled = jax.ops.segment_max(h, batch, num_segments=NUM_GRAPHS)
    out = pooled[batch]
    return out

if __name__ == "__main__":
    import jax
    _d = setup_inputs()
    print(jax.jit(kernel)(*tuple(_d.values())))

</pallas_src>

<mosaic_0001>
#map = affine_map<(d0, d1) -> (0, 0)>
#map1 = affine_map<(d0, d1) -> (0)>
module attributes {stable_mosaic.version = 14 : i64} {
  func.func @expand(%arg0: i32, %arg1: i32, %arg2: memref<256x128xf32, #tpu.memory_space<hbm>>, %arg3: memref<100000xi32, #tpu.memory_space<hbm>>, %arg4: memref<100000x128xf32, #tpu.memory_space<hbm>>, %arg5: memref<3200xi32, #tpu.memory_space<vmem>>, %arg6: memref<6x128x128xf32, #tpu.memory_space<vmem>>, %arg7: memref<256x128xf32, #tpu.memory_space<vmem_shared>>, %arg8: memref<!tpu.dma_semaphore, #tpu.memory_space<semaphore_mem>>, %arg9: memref<!tpu.dma_semaphore, #tpu.memory_space<semaphore_mem>>) attributes {dimension_semantics = [#tpu.dimension_semantics<core_parallel>, #tpu.dimension_semantics<subcore_parallel>], iteration_bounds = array<i64: 2, 16>, scalar_prefetch = 0 : i64, scratch_operands = 5 : i64, tpu.core_type = #tpu.core_type<sc_vector_subcore>, window_params = [{transform_indices = #map}, {transform_indices = #map1}, {transform_indices = #map}]} {
    %mul3A = arith.constant 2 : i32
    %mul3A_0 = arith.muli %arg1, %mul3A : i32
    %add3A = arith.addi %mul3A_0, %arg0 : i32
    %mul3A_1 = arith.constant 3200 : i32
    %mul3A_2 = arith.muli %add3A, %mul3A_1 : i32
    %min3A = arith.constant 96800 : i32
    %min3A_3 = arith.minsi %mul3A_2, %min3A : i32
    %multiple_of3A = tpu.assume_multiple %min3A_3, 8 : i32
    %eq3A = arith.constant 0 : i32
    %eq3A_4 = arith.cmpi eq, %arg1, %eq3A : i32
    %convert_element_type3A = arith.extui %eq3A_4 : i1 to i32
    %cond3A = arith.constant 0 : i32
    %cond3A_5 = arith.cmpi ne, %convert_element_type3A, %cond3A : i32
    scf.if %cond3A_5 {
      "tpu.region"() ({
        %run_scoped3A = tpu.sem_alloc : memref<!tpu.dma_semaphore, #tpu.memory_space<semaphore_mem>>
        tpu.enqueue_dma source(%arg2 : memref<256x128xf32, #tpu.memory_space<hbm>>) target(%arg7 : memref<256x128xf32, #tpu.memory_space<vmem_shared>>) target_semaphore(%run_scoped3A : memref<!tpu.dma_semaphore, #tpu.memory_space<semaphore_mem>>)
        tpu.wait_dma2 semaphore(%run_scoped3A : memref<!tpu.dma_semaphore, #tpu.memory_space<semaphore_mem>>) src(%arg2 : memref<256x128xf32, #tpu.memory_space<hbm>>) dst(%arg7 : memref<256x128xf32, #tpu.memory_space<vmem_shared>>)
        tpu.yield
      }) : () -> ()
    } else {
    }
    %barrier3A = arith.constant 0 : index
    tpu.barrier barrier_id(%barrier3A)
    "tpu.region"() ({
      %run_scoped3A = tpu.sem_alloc : memref<!tpu.dma_semaphore, #tpu.memory_space<semaphore_mem>>
      %dma_start3A_1278 = tpu.memref_slice %arg3[%multiple_of3A] : memref<100000xi32, #tpu.memory_space<hbm>> -> memref<3200xi32, #tpu.memory_space<hbm>>
      %dma_start3A_1279 = tpu.memref_slice %arg3[%multiple_of3A] : memref<100000xi32, #tpu.memory_space<hbm>> -> memref<3200xi32, #tpu.memory_space<hbm>>
      tpu.enqueue_dma source(%dma_start3A_1279 : memref<3200xi32, #tpu.memory_space<hbm>>) target(%arg5 : memref<3200xi32, #tpu.memory_space<vmem>>) target_semaphore(%run_scoped3A : memref<!tpu.dma_semaphore, #tpu.memory_space<semaphore_mem>>)
      %dma_wait3A_1280 = tpu.memref_slice %arg3[%multiple_of3A] : memref<100000xi32, #tpu.memory_space<hbm>> -> memref<3200xi32, #tpu.memory_space<hbm>>
      %dma_wait3A_1281 = tpu.memref_slice %arg3[%multiple_of3A] : memref<100000xi32, #tpu.memory_space<hbm>> -> memref<3200xi32, #tpu.memory_space<hbm>>
      tpu.wait_dma2 semaphore(%run_scoped3A : memref<!tpu.dma_semaphore, #tpu.memory_space<semaphore_mem>>) src(%dma_wait3A_1281 : memref<3200xi32, #tpu.memory_space<hbm>>) dst(%arg5 : memref<3200xi32, #tpu.memory_space<vmem>>)
      tpu.yield
    }) : () -> ()
    %add3A_6 = arith.constant 0 : i32
    %add3A_7 = arith.addi %mul3A_2, %add3A_6 : i32
    %min3A_8 = arith.constant 99872 : i32
    %min3A_9 = arith.minsi %add3A_7, %min3A_8 : i32
    %multiple_of3A_10 = tpu.assume_multiple %min3A_9, 8 : i32
    %add3A_11 = arith.constant 128 : i32
    %add3A_12 = arith.addi %mul3A_2, %add3A_11 : i32
    %min3A_13 = arith.constant 99872 : i32
    %min3A_14 = arith.minsi %add3A_12, %min3A_13 : i32
    %multiple_of3A_15 = tpu.assume_multiple %min3A_14, 8 : i32
    %add3A_16 = arith.constant 256 : i32
    %add3A_17 = arith.addi %mul3A_2, %add3A_16 : i32
    %min3A_18 = arith.constant 99872 : i32
    %min3A_19 = arith.minsi %add3A_17, %min3A_18 : i32
    %multiple_of3A_20 = tpu.assume_multiple %min3A_19, 8 : i32
    %add3A_21 = arith.constant 384 : i32
    %add3A_22 = arith.addi %mul3A_2, %add3A_21 : i32
    %min3A_23 = arith.constant 99872 : i32
    %min3A_24 = arith.minsi %add3A_22, %min3A_23 : i32
    %multiple_of3A_25 = tpu.assume_multiple %min3A_24, 8 : i32
    %add3A_26 = arith.constant 512 : i32
    %add3A_27 = arith.addi %mul3A_2, %add3A_26 : i32
    %min3A_28 = arith.constant 99872 : i32
    %min3A_29 = arith.minsi %add3A_27, %min3A_28 : i32
    %multiple_of3A_30 = tpu.assume_multiple %min3A_29, 8 : i32
    %add3A_31 = arith.constant 640 : i32
    %add3A_32 = arith.addi %mul3A_2, %add3A_31 : i32
    %min3A_33 = arith.constant 99872 : i32
    %min3A_34 = arith.minsi %add3A_32, %min3A_33 : i32
    %multiple_of3A_35 = tpu.assume_multiple %min3A_34, 8 : i32
    %add3A_36 = arith.constant 768 : i32
    %add3A_37 = arith.addi %mul3A_2, %add3A_36 : i32
    %min3A_38 = arith.constant 99872 : i32
    %min3A_39 = arith.minsi %add3A_37, %min3A_38 : i32
    %multiple_of3A_40 = tpu.assume_multiple %min3A_39, 8 : i32
    %add3A_41 = arith.constant 896 : i32
    %add3A_42 = arith.addi %mul3A_2, %add3A_41 : i32
    %min3A_43 = arith.constant 99872 : i32
    %min3A_44 = arith.minsi %add3A_42, %min3A_43 : i32
    %multiple_of3A_45 = tpu.assume_multiple %min3A_44, 8 : i32
    %add3A_46 = arith.constant 1024 : i32
    %add3A_47 = arith.addi %mul3A_2, %add3A_46 : i32
    %min3A_48 = arith.constant 99872 : i32
    %min3A_49 = arith.minsi %add3A_47, %min3A_48 : i32
    %multiple_of3A_50 = tpu.assume_multiple %min3A_49, 8 : i32
    %add3A_51 = arith.constant 1152 : i32
    %add3A_52 = arith.addi %mul3A_2, %add3A_51 : i32
    %min3A_53 = arith.constant 99872 : i32
    %min3A_54 = arith.minsi %add3A_52, %min3A_53 : i32
    %multiple_of3A_55 = tpu.assume_multiple %min3A_54, 8 : i32
    %add3A_56 = arith.constant 1280 : i32
    %add3A_57 = arith.addi %mul3A_2, %add3A_56 : i32
    %min3A_58 = arith.constant 99872 : i32
    %min3A_59 = arith.minsi %add3A_57, %min3A_58 : i32
    %multiple_of3A_60 = tpu.assume_multiple %min3A_59, 8 : i32
    %add3A_61 = arith.constant 1408 : i32
    %add3A_62 = arith.addi %mul3A_2, %add3A_61 : i32
    %min3A_63 = arith.constant 99872 : i32
    %min3A_64 = arith.minsi %add3A_62, %min3A_63 : i32
    %multiple_of3A_65 = tpu.assume_multiple %min3A_64, 8 : i32
    %add3A_66 = arith.constant 1536 : i32
    %add3A_67 = arith.addi %mul3A_2, %add3A_66 : i32
    %min3A_68 = arith.constant 99872 : i32
    %min3A_69 = arith.minsi %add3A_67, %min3A_68 : i32
    %multiple_of3A_70 = tpu.assume_multiple %min3A_69, 8 : i32
    %add3A_71 = arith.constant 1664 : i32
    %add3A_72 = arith.addi %mul3A_2, %add3A_71 : i32
    %min3A_73 = arith.constant 99872 : i32
    %min3A_74 = arith.minsi %add3A_72, %min3A_73 : i32
    %multiple_of3A_75 = tpu.assume_multiple %min3A_74, 8 : i32
    %add3A_76 = arith.constant 1792 : i32
    %add3A_77 = arith.addi %mul3A_2, %add3A_76 : i32
    %min3A_78 = arith.constant 99872 : i32
    %min3A_79 = arith.minsi %add3A_77, %min3A_78 : i32
    %multiple_of3A_80 = tpu.assume_multiple %min3A_79, 8 : i32
    %add3A_81 = arith.constant 1920 : i32
    %add3A_82 = arith.addi %mul3A_2, %add3A_81 : i32
    %min3A_83 = arith.constant 99872 : i32
    %min3A_84 = arith.minsi %add3A_82, %min3A_83 : i32
    %multiple_of3A_85 = tpu.assume_multiple %min3A_84, 8 : i32
    %add3A_86 = arith.constant 2048 : i32
    %add3A_87 = arith.addi %mul3A_2, %add3A_86 : i32
    %min3A_88 = arith.constant 99872 : i32
    %min3A_89 = arith.minsi %add3A_87, %min3A_88 : i32
    %multiple_of3A_90 = tpu.assume_multiple %min3A_89, 8 : i32
    %add3A_91 = arith.constant 2176 : i32
    %add3A_92 = arith.addi %mul3A_2, %add3A_91 : i32
    %min3A_93 = arith.constant 99872 : i32
    %min3A_94 = arith.minsi %add3A_92, %min3A_93 : i32
    %multiple_of3A_95 = tpu.assume_multiple %min3A_94, 8 : i32
    %add3A_96 = arith.constant 2304 : i32
    %add3A_97 = arith.addi %mul3A_2, %add3A_96 : i32
    %min3A_98 = arith.constant 99872 : i32
    %min3A_99 = arith.minsi %add3A_97, %min3A_98 : i32
    %multiple_of3A_100 = tpu.assume_multiple %min3A_99, 8 : i32
    %add3A_101 = arith.constant 2432 : i32
    %add3A_102 = arith.addi %mul3A_2, %add3A_101 : i32
    %min3A_103 = arith.constant 99872 : i32
    %min3A_104 = arith.minsi %add3A_102, %min3A_103 : i32
    %multiple_of3A_105 = tpu.assume_multiple %min3A_104, 8 : i32
    %add3A_106 = arith.constant 2560 : i32
    %add3A_107 = arith.addi %mul3A_2, %add3A_106 : i32
    %min3A_108 = arith.constant 99872 : i32
    %min3A_109 = arith.minsi %add3A_107, %min3A_108 : i32
    %multiple_of3A_110 = tpu.assume_multiple %min3A_109, 8 : i32
    %add3A_111 = arith.constant 2688 : i32
    %add3A_112 = arith.addi %mul3A_2, %add3A_111 : i32
    %min3A_113 = arith.constant 99872 : i32
    %min3A_114 = arith.minsi %add3A_112, %min3A_113 : i32
    %multiple_of3A_115 = tpu.assume_multiple %min3A_114, 8 : i32
    %add3A_116 = arith.constant 2816 : i32
    %add3A_117 = arith.addi %mul3A_2, %add3A_116 : i32
    %min3A_118 = arith.constant 99872 : i32
    %min3A_119 = arith.minsi %add3A_117, %min3A_118 : i32
    %multiple_of3A_120 = tpu.assume_multiple %min3A_119, 8 : i32
    %add3A_121 = arith.constant 2944 : i32
    %add3A_122 = arith.addi %mul3A_2, %add3A_121 : i32
    %min3A_123 = arith.constant 99872 : i32
    %min3A_124 = arith.minsi %add3A_122, %min3A_123 : i32
    %multiple_of3A_125 = tpu.assume_multiple %min3A_124, 8 : i32
    %add3A_126 = arith.constant 3072 : i32
    %add3A_127 = arith.addi %mul3A_2, %add3A_126 : i32
    %min3A_128 = arith.constant 99872 : i32
    %min3A_129 = arith.minsi %add3A_127, %min3A_128 : i32
    %multiple_of3A_130 = tpu.assume_multiple %min3A_129, 8 : i32
    %sub3A = arith.subi %multiple_of3A_10, %multiple_of3A : i32
    %multiple_of3A_131 = tpu.assume_multiple %sub3A, 8 : i32
    %sub3A_132 = arith.subi %multiple_of3A_15, %multiple_of3A : i32
    %multiple_of3A_133 = tpu.assume_multiple %sub3A_132, 8 : i32
    %sub3A_134 = arith.subi %multiple_of3A_20, %multiple_of3A : i32
    %multiple_of3A_135 = tpu.assume_multiple %sub3A_134, 8 : i32
    %sub3A_136 = arith.subi %multiple_of3A_25, %multiple_of3A : i32
    %multiple_of3A_137 = tpu.assume_multiple %sub3A_136, 8 : i32
    %sub3A_138 = arith.subi %multiple_of3A_30, %multiple_of3A : i32
    %multiple_of3A_139 = tpu.assume_multiple %sub3A_138, 8 : i32
    %sub3A_140 = arith.subi %multiple_of3A_35, %multiple_of3A : i32
    %multiple_of3A_141 = tpu.assume_multiple %sub3A_140, 8 : i32
    %sub3A_142 = arith.subi %multiple_of3A_40, %multiple_of3A : i32
    %multiple_of3A_143 = tpu.assume_multiple %sub3A_142, 8 : i32
    %sub3A_144 = arith.subi %multiple_of3A_45, %multiple_of3A : i32
    %multiple_of3A_145 = tpu.assume_multiple %sub3A_144, 8 : i32
    %sub3A_146 = arith.subi %multiple_of3A_50, %multiple_of3A : i32
    %multiple_of3A_147 = tpu.assume_multiple %sub3A_146, 8 : i32
    %sub3A_148 = arith.subi %multiple_of3A_55, %multiple_of3A : i32
    %multiple_of3A_149 = tpu.assume_multiple %sub3A_148, 8 : i32
    %sub3A_150 = arith.subi %multiple_of3A_60, %multiple_of3A : i32
    %multiple_of3A_151 = tpu.assume_multiple %sub3A_150, 8 : i32
    %sub3A_152 = arith.subi %multiple_of3A_65, %multiple_of3A : i32
    %multiple_of3A_153 = tpu.assume_multiple %sub3A_152, 8 : i32
    %sub3A_154 = arith.subi %multiple_of3A_70, %multiple_of3A : i32
    %multiple_of3A_155 = tpu.assume_multiple %sub3A_154, 8 : i32
    %sub3A_156 = arith.subi %multiple_of3A_75, %multiple_of3A : i32
    %multiple_of3A_157 = tpu.assume_multiple %sub3A_156, 8 : i32
    %sub3A_158 = arith.subi %multiple_of3A_80, %multiple_of3A : i32
    %multiple_of3A_159 = tpu.assume_multiple %sub3A_158, 8 : i32
    %sub3A_160 = arith.subi %multiple_of3A_85, %multiple_of3A : i32
    %multiple_of3A_161 = tpu.assume_multiple %sub3A_160, 8 : i32
    %sub3A_162 = arith.subi %multiple_of3A_90, %multiple_of3A : i32
    %multiple_of3A_163 = tpu.assume_multiple %sub3A_162, 8 : i32
    %sub3A_164 = arith.subi %multiple_of3A_95, %multiple_of3A : i32
    %multiple_of3A_165 = tpu.assume_multiple %sub3A_164, 8 : i32
    %sub3A_166 = arith.subi %multiple_of3A_100, %multiple_of3A : i32
    %multiple_of3A_167 = tpu.assume_multiple %sub3A_166, 8 : i32
    %sub3A_168 = arith.subi %multiple_of3A_105, %multiple_of3A : i32
    %multiple_of3A_169 = tpu.assume_multiple %sub3A_168, 8 : i32
    %sub3A_170 = arith.subi %multiple_of3A_110, %multiple_of3A : i32
    %multiple_of3A_171 = tpu.assume_multiple %sub3A_170, 8 : i32
    %sub3A_172 = arith.subi %multiple_of3A_115, %multiple_of3A : i32
    %multiple_of3A_173 = tpu.assume_multiple %sub3A_172, 8 : i32
    %sub3A_174 = arith.subi %multiple_of3A_120, %multiple_of3A : i32
    %multiple_of3A_175 = tpu.assume_multiple %sub3A_174, 8 : i32
    %sub3A_176 = arith.subi %multiple_of3A_125, %multiple_of3A : i32
    %multiple_of3A_177 = tpu.assume_multiple %sub3A_176, 8 : i32
    %sub3A_178 = arith.subi %multiple_of3A_130, %multiple_of3A : i32
    %multiple_of3A_179 = tpu.assume_multiple %sub3A_178, 8 : i32
    %dma_start3A = arith.constant 0 : i32
    %dma_start3A_180 = arith.constant 0 : i32
    %dma_start3A_181 = arith.constant 0 : i32
    %dma_start3A_182 = tpu.memref_slice %arg6[%dma_start3A, %dma_start3A_180, %dma_start3A_181] : memref<6x128x128xf32, #tpu.memory_space<vmem>> -> memref<1x128x128xf32, #tpu.memory_space<vmem>>
    %dma_start3A_183 = tpu.memref_squeeze %dma_start3A_182 : memref<1x128x128xf32, #tpu.memory_space<vmem>> -> memref<128x128xf32, #tpu.memory_space<vmem>>
    %dma_start3A_184 = tpu.memref_slice %arg5[%multiple_of3A_131] : memref<3200xi32, #tpu.memory_space<vmem>> -> memref<128xi32, #tpu.memory_space<vmem>>
    %dma_start3A_185 = arith.constant 0 : i32
    %dma_start3A_186 = arith.constant 0 : i32
    %dma_start3A_187 = tpu.memref_slice %arg7[%dma_start3A_185, %dma_start3A_186] : memref<256x128xf32, #tpu.memory_space<vmem_shared>> -> memref<256x128xf32, #tpu.memory_space<vmem_shared>>
    tpu.enqueue_indirect_dma source(%dma_start3A_187 : memref<256x128xf32, #tpu.memory_space<vmem_shared>>) target(%dma_start3A_183 : memref<128x128xf32, #tpu.memory_space<vmem>>) offsets(%dma_start3A_184 : memref<128xi32, #tpu.memory_space<vmem>>) semaphore(%arg8 : memref<!tpu.dma_semaphore, #tpu.memory_space<semaphore_mem>>)
    %dma_start3A_188 = arith.constant 1 : i32
    %dma_start3A_189 = arith.constant 0 : i32
    %dma_start3A_190 = arith.constant 0 : i32
    %dma_start3A_191 = tpu.memref_slice %arg6[%dma_start3A_188, %dma_start3A_189, %dma_start3A_190] : memref<6x128x128xf32, #tpu.memory_space<vmem>> -> memref<1x128x128xf32, #tpu.memory_space<vmem>>
    %dma_start3A_192 = tpu.memref_squeeze %dma_start3A_191 : memref<1x128x128xf32, #tpu.memory_space<vmem>> -> memref<128x128xf32, #tpu.memory_space<vmem>>
    %dma_start3A_193 = tpu.memref_slice %arg5[%multiple_of3A_133] : memref<3200xi32, #tpu.memory_space<vmem>> -> memref<128xi32, #tpu.memory_space<vmem>>
    %dma_start3A_194 = arith.constant 0 : i32
    %dma_start3A_195 = arith.constant 0 : i32
    %dma_start3A_196 = tpu.memref_slice %arg7[%dma_start3A_194, %dma_start3A_195] : memref<256x128xf32, #tpu.memory_space<vmem_shared>> -> memref<256x128xf32, #tpu.memory_space<vmem_shared>>
    tpu.enqueue_indirect_dma source(%dma_start3A_196 : memref<256x128xf32, #tpu.memory_space<vmem_shared>>) target(%dma_start3A_192 : memref<128x128xf32, #tpu.memory_space<vmem>>) offsets(%dma_start3A_193 : memref<128xi32, #tpu.memory_space<vmem>>) semaphore(%arg8 : memref<!tpu.dma_semaphore, #tpu.memory_space<semaphore_mem>>)
    %dma_start3A_197 = arith.constant 2 : i32
    %dma_start3A_198 = arith.constant 0 : i32
    %dma_start3A_199 = arith.constant 0 : i32
    %dma_start3A_200 = tpu.memref_slice %arg6[%dma_start3A_197, %dma_start3A_198, %dma_start3A_199] : memref<6x128x128xf32, #tpu.memory_space<vmem>> -> memref<1x128x128xf32, #tpu.memory_space<vmem>>
    %dma_start3A_201 = tpu.memref_squeeze %dma_start3A_200 : memref<1x128x128xf32, #tpu.memory_space<vmem>> -> memref<128x128xf32, #tpu.memory_space<vmem>>
    %dma_start3A_202 = tpu.memref_slice %arg5[%multiple_of3A_135] : memref<3200xi32, #tpu.memory_space<vmem>> -> memref<128xi32, #tpu.memory_space<vmem>>
    %dma_start3A_203 = arith.constant 0 : i32
    %dma_start3A_204 = arith.constant 0 : i32
    %dma_start3A_205 = tpu.memref_slice %arg7[%dma_start3A_203, %dma_start3A_204] : memref<256x128xf32, #tpu.memory_space<vmem_shared>> -> memref<256x128xf32, #tpu.memory_space<vmem_shared>>
    tpu.enqueue_indirect_dma source(%dma_start3A_205 : memref<256x128xf32, #tpu.memory_space<vmem_shared>>) target(%dma_start3A_201 : memref<128x128xf32, #tpu.memory_space<vmem>>) offsets(%dma_start3A_202 : memref<128xi32, #tpu.memory_space<vmem>>) semaphore(%arg8 : memref<!tpu.dma_semaphore, #tpu.memory_space<semaphore_mem>>)
    %dma_start3A_206 = arith.constant 3 : i32
    %dma_start3A_207 = arith.constant 0 : i32
    %dma_start3A_208 = arith.constant 0 : i32
    %dma_start3A_209 = tpu.memref_slice %arg6[%dma_start3A_206, %dma_start3A_207, %dma_start3A_208] : memref<6x128x128xf32, #tpu.memory_space<vmem>> -> memref<1x128x128xf32, #tpu.memory_space<vmem>>
    %dma_start3A_210 = tpu.memref_squeeze %dma_start3A_209 : memref<1x128x128xf32, #tpu.memory_space<vmem>> -> memref<128x128xf32, #tpu.memory_space<vmem>>
    %dma_start3A_211 = tpu.memref_slice %arg5[%multiple_of3A_137] : memref<3200xi32, #tpu.memory_space<vmem>> -> memref<128xi32, #tpu.memory_space<vmem>>
    %dma_start3A_212 = arith.constant 0 : i32
    %dma_start3A_213 = arith.constant 0 : i32
    %dma_start3A_214 = tpu.memref_slice %arg7[%dma_start3A_212, %dma_start3A_213] : memref<256x128xf32, #tpu.memory_space<vmem_shared>> -> memref<256x128xf32, #tpu.memory_space<vmem_shared>>
    tpu.enqueue_indirect_dma source(%dma_start3A_214 : memref<256x128xf32, #tpu.memory_space<vmem_shared>>) target(%dma_start3A_210 : memref<128x128xf32, #tpu.memory_space<vmem>>) offsets(%dma_start3A_211 : memref<128xi32, #tpu.memory_space<vmem>>) semaphore(%arg8 : memref<!tpu.dma_semaphore, #tpu.memory_space<semaphore_mem>>)
    %dma_start3A_215 = arith.constant 4 : i32
    %dma_start3A_216 = arith.constant 0 : i32
    %dma_start3A_217 = arith.constant 0 : i32
    %dma_start3A_218 = tpu.memref_slice %arg6[%dma_start3A_215, %dma_start3A_216, %dma_start3A_217] : memref<6x128x128xf32, #tpu.memory_space<vmem>> -> memref<1x128x128xf32, #tpu.memory_space<vmem>>
    %dma_start3A_219 = tpu.memref_squeeze %dma_start3A_218 : memref<1x128x128xf32, #tpu.memory_space<vmem>> -> memref<128x128xf32, #tpu.memory_space<vmem>>
    %dma_start3A_220 = tpu.memref_slice %arg5[%multiple_of3A_139] : memref<3200xi32, #tpu.memory_space<vmem>> -> memref<128xi32, #tpu.memory_space<vmem>>
    %dma_start3A_221 = arith.constant 0 : i32
    %dma_start3A_222 = arith.constant 0 : i32
    %dma_start3A_223 = tpu.memref_slice %arg7[%dma_start3A_221, %dma_start3A_222] : memref<256x128xf32, #tpu.memory_space<vmem_shared>> -> memref<256x128xf32, #tpu.memory_space<vmem_shared>>
    tpu.enqueue_indirect_dma source(%dma_start3A_223 : memref<256x128xf32, #tpu.memory_space<vmem_shared>>) target(%dma_start3A_219 : memref<128x128xf32, #tpu.memory_space<vmem>>) offsets(%dma_start3A_220 : memref<128xi32, #tpu.memory_space<vmem>>) semaphore(%arg8 : memref<!tpu.dma_semaphore, #tpu.memory_space<semaphore_mem>>)
    %dma_start3A_224 = arith.constant 5 : i32
    %dma_start3A_225 = arith.constant 0 : i32
    %dma_start3A_226 = arith.constant 0 : i32
    %dma_start3A_227 = tpu.memref_slice %arg6[%dma_start3A_224, %dma_start3A_225, %dma_start3A_226] : memref<6x128x128xf32, #tpu.memory_space<vmem>> -> memref<1x128x128xf32, #tpu.memory_space<vmem>>
    %dma_start3A_228 = tpu.memref_squeeze %dma_start3A_227 : memref<1x128x128xf32, #tpu.memory_space<vmem>> -> memref<128x128xf32, #tpu.memory_space<vmem>>
    %dma_start3A_229 = tpu.memref_slice %arg5[%multiple_of3A_141] : memref<3200xi32, #tpu.memory_space<vmem>> -> memref<128xi32, #tpu.memory_space<vmem>>
    %dma_start3A_230 = arith.constant 0 : i32
    %dma_start3A_231 = arith.constant 0 : i32
    %dma_start3A_232 = tpu.memref_slice %arg7[%dma_start3A_230, %dma_start3A_231] : memref<256x128xf32, #tpu.memory_space<vmem_shared>> -> memref<256x128xf32, #tpu.memory_space<vmem_shared>>
    tpu.enqueue_indirect_dma source(%dma_start3A_232 : memref<256x128xf32, #tpu.memory_space<vmem_shared>>) target(%dma_start3A_228 : memref<128x128xf32, #tpu.memory_space<vmem>>) offsets(%dma_start3A_229 : memref<128xi32, #tpu.memory_space<vmem>>) semaphore(%arg8 : memref<!tpu.dma_semaphore, #tpu.memory_space<semaphore_mem>>)
    %dma_wait3A = arith.constant 0 : i32
    %dma_wait3A_233 = arith.constant 0 : i32
    %dma_wait3A_234 = arith.constant 0 : i32
    %dma_wait3A_235 = tpu.memref_slice %arg6[%dma_wait3A, %dma_wait3A_233, %dma_wait3A_234] : memref<6x128x128xf32, #tpu.memory_space<vmem>> -> memref<1x128x128xf32, #tpu.memory_space<vmem>>
    %dma_wait3A_236 = tpu.memref_squeeze %dma_wait3A_235 : memref<1x128x128xf32, #tpu.memory_space<vmem>> -> memref<128x128xf32, #tpu.memory_space<vmem>>
    %dma_wait3A_237 = tpu.memref_slice %arg5[%multiple_of3A_131] : memref<3200xi32, #tpu.memory_space<vmem>> -> memref<128xi32, #tpu.memory_space<vmem>>
    %dma_wait3A_238 = arith.constant 0 : i32
    %dma_wait3A_239 = arith.constant 0 : i32
    %dma_wait3A_240 = tpu.memref_slice %arg7[%dma_wait3A_238, %dma_wait3A_239] : memref<256x128xf32, #tpu.memory_space<vmem_shared>> -> memref<256x128xf32, #tpu.memory_space<vmem_shared>>
    tpu.wait_indirect_dma semaphore(%arg8 : memref<!tpu.dma_semaphore, #tpu.memory_space<semaphore_mem>>) src(%dma_wait3A_240 : memref<256x128xf32, #tpu.memory_space<vmem_shared>>) dst(%dma_wait3A_236 : memref<128x128xf32, #tpu.memory_space<vmem>>)
    %dma_start3A_241 = arith.constant 0 : i32
    %dma_start3A_242 = arith.constant 0 : i32
    %dma_start3A_243 = arith.constant 0 : i32
    %dma_start3A_244 = tpu.memref_slice %arg6[%dma_start3A_241, %dma_start3A_242, %dma_start3A_243] : memref<6x128x128xf32, #tpu.memory_space<vmem>> -> memref<1x128x128xf32, #tpu.memory_space<vmem>>
    %dma_start3A_245 = tpu.memref_squeeze %dma_start3A_244 : memref<1x128x128xf32, #tpu.memory_space<vmem>> -> memref<128x128xf32, #tpu.memory_space<vmem>>
    %dma_start3A_246 = arith.constant 0 : i32
    %dma_start3A_247 = tpu.memref_slice %arg4[%multiple_of3A_10, %dma_start3A_246] : memref<100000x128xf32, #tpu.memory_space<hbm>> -> memref<128x128xf32, #tpu.memory_space<hbm>>
    %dma_start3A_248 = arith.constant 0 : i32
    %dma_start3A_249 = tpu.memref_slice %arg4[%multiple_of3A_10, %dma_start3A_248] : memref<100000x128xf32, #tpu.memory_space<hbm>> -> memref<128x128xf32, #tpu.memory_space<hbm>>
    %dma_start3A_250 = arith.constant 0 : i32
    %dma_start3A_251 = arith.constant 0 : i32
    %dma_start3A_252 = tpu.memref_slice %arg6[%dma_start3A_241, %dma_start3A_250, %dma_start3A_251] : memref<6x128x128xf32, #tpu.memory_space<vmem>> -> memref<1x128x128xf32, #tpu.memory_space<vmem>>
    %dma_start3A_253 = tpu.memref_squeeze %dma_start3A_252 : memref<1x128x128xf32, #tpu.memory_space<vmem>> -> memref<128x128xf32, #tpu.memory_space<vmem>>
    tpu.enqueue_dma source(%dma_start3A_253 : memref<128x128xf32, #tpu.memory_space<vmem>>) target(%dma_start3A_249 : memref<128x128xf32, #tpu.memory_space<hbm>>) target_semaphore(%arg9 : memref<!tpu.dma_semaphore, #tpu.memory_space<semaphore_mem>>)
    %dma_wait3A_254 = arith.constant 0 : i32
    %dma_wait3A_255 = arith.constant 0 : i32
    %dma_wait3A_256 = arith.constant 0 : i32
    %dma_wait3A_257 = tpu.memref_slice %arg6[%dma_wait3A_254, %dma_wait3A_255, %dma_wait3A_256] : memref<6x128x128xf32, #tpu.memory_space<vmem>> -> memref<1x128x128xf32, #tpu.memory_space<vmem>>
    %dma_wait3A_258 = tpu.memref_squeeze %dma_wait3A_257 : memref<1x128x128xf32, #tpu.memory_space<vmem>> -> memref<128x128xf32, #tpu.memory_space<vmem>>
    %dma_wait3A_259 = arith.constant 0 : i32
    %dma_wait3A_260 = tpu.memref_slice %arg4[%multiple_of3A_10, %dma_wait3A_259] : memref<100000x128xf32, #tpu.memory_space<hbm>> -> memref<128x128xf32, #tpu.memory_space<hbm>>
    %dma_wait3A_261 = arith.constant 0 : i32
    %dma_wait3A_262 = tpu.memref_slice %arg4[%multiple_of3A_10, %dma_wait3A_261] : memref<100000x128xf32, #tpu.memory_space<hbm>> -> memref<128x128xf32, #tpu.memory_space<hbm>>
    %dma_wait3A_263 = arith.constant 0 : i32
    %dma_wait3A_264 = arith.constant 0 : i32
    %dma_wait3A_265 = tpu.memref_slice %arg6[%dma_wait3A_254, %dma_wait3A_263, %dma_wait3A_264] : memref<6x128x128xf32, #tpu.memory_space<vmem>> -> memref<1x128x128xf32, #tpu.memory_space<vmem>>
    %dma_wait3A_266 = tpu.memref_squeeze %dma_wait3A_265 : memref<1x128x128xf32, #tpu.memory_space<vmem>> -> memref<128x128xf32, #tpu.memory_space<vmem>>
    tpu.wait_dma2 semaphore(%arg9 : memref<!tpu.dma_semaphore, #tpu.memory_space<semaphore_mem>>) src(%dma_wait3A_266 : memref<128x128xf32, #tpu.memory_space<vmem>>) dst(%dma_wait3A_262 : memref<128x128xf32, #tpu.memory_space<hbm>>)
    %dma_start3A_267 = arith.constant 0 : i32
    %dma_start3A_268 = arith.constant 0 : i32
    %dma_start3A_269 = arith.constant 0 : i32
    %dma_start3A_270 = tpu.memref_slice %arg6[%dma_start3A_267, %dma_start3A_268, %dma_start3A_269] : memref<6x128x128xf32, #tpu.memory_space<vmem>> -> memref<1x128x128xf32, #tpu.memory_space<vmem>>
    %dma_start3A_271 = tpu.memref_squeeze %dma_start3A_270 : memref<1x128x128xf32, #tpu.memory_space<vmem>> -> memref<128x128xf32, #tpu.memory_space<vmem>>
    %dma_start3A_272 = tpu.memref_slice %arg5[%multiple_of3A_143] : memref<3200xi32, #tpu.memory_space<vmem>> -> memref<128xi32, #tpu.memory_space<vmem>>
    %dma_start3A_273 = arith.constant 0 : i32
    %dma_start3A_274 = arith.constant 0 : i32
    %dma_start3A_275 = tpu.memref_slice %arg7[%dma_start3A_273, %dma_start3A_274] : memref<256x128xf32, #tpu.memory_space<vmem_shared>> -> memref<256x128xf32, #tpu.memory_space<vmem_shared>>
    tpu.enqueue_indirect_dma source(%dma_start3A_275 : memref<256x128xf32, #tpu.memory_space<vmem_shared>>) target(%dma_start3A_271 : memref<128x128xf32, #tpu.memory_space<vmem>>) offsets(%dma_start3A_272 : memref<128xi32, #tpu.memory_space<vmem>>) semaphore(%arg8 : memref<!tpu.dma_semaphore, #tpu.memory_space<semaphore_mem>>)
    %dma_wait3A_276 = arith.constant 1 : i32
    %dma_wait3A_277 = arith.constant 0 : i32
    %dma_wait3A_278 = arith.constant 0 : i32
    %dma_wait3A_279 = tpu.memref_slice %arg6[%dma_wait3A_276, %dma_wait3A_277, %dma_wait3A_278] : memref<6x128x128xf32, #tpu.memory_space<vmem>> -> memref<1x128x128xf32, #tpu.memory_space<vmem>>
    %dma_wait3A_280 = tpu.memref_squeeze %dma_wait3A_279 : memref<1x128x128xf32, #tpu.memory_space<vmem>> -> memref<128x128xf32, #tpu.memory_space<vmem>>
    %dma_wait3A_281 = tpu.memref_slice %arg5[%multiple_of3A_133] : memref<3200xi32, #tpu.memory_space<vmem>> -> memref<128xi32, #tpu.memory_space<vmem>>
    %dma_wait3A_282 = arith.constant 0 : i32
    %dma_wait3A_283 = arith.constant 0 : i32
    %dma_wait3A_284 = tpu.memref_slice %arg7[%dma_wait3A_282, %dma_wait3A_283] : memref<256x128xf32, #tpu.memory_space<vmem_shared>> -> memref<256x128xf32, #tpu.memory_space<vmem_shared>>
    tpu.wait_indirect_dma semaphore(%arg8 : memref<!tpu.dma_semaphore, #tpu.memory_space<semaphore_mem>>) src(%dma_wait3A_284 : memref<256x128xf32, #tpu.memory_space<vmem_shared>>) dst(%dma_wait3A_280 : memref<128x128xf32, #tpu.memory_space<vmem>>)
    %dma_start3A_285 = arith.constant 1 : i32
    %dma_start3A_286 = arith.constant 0 : i32
    %dma_start3A_287 = arith.constant 0 : i32
    %dma_start3A_288 = tpu.memref_slice %arg6[%dma_start3A_285, %dma_start3A_286, %dma_start3A_287] : memref<6x128x128xf32, #tpu.memory_space<vmem>> -> memref<1x128x128xf32, #tpu.memory_space<vmem>>
    %dma_start3A_289 = tpu.memref_squeeze %dma_start3A_288 : memref<1x128x128xf32, #tpu.memory_space<vmem>> -> memref<128x128xf32, #tpu.memory_space<vmem>>
    %dma_start3A_290 = arith.constant 0 : i32
    %dma_start3A_291 = tpu.memref_slice %arg4[%multiple_of3A_15, %dma_start3A_290] : memref<100000x128xf32, #tpu.memory_space<hbm>> -> memref<128x128xf32, #tpu.memory_space<hbm>>
    %dma_start3A_292 = arith.constant 0 : i32
    %dma_start3A_293 = tpu.memref_slice %arg4[%multiple_of3A_15, %dma_start3A_292] : memref<100000x128xf32, #tpu.memory_space<hbm>> -> memref<128x128xf32, #tpu.memory_space<hbm>>
    %dma_start3A_294 = arith.constant 0 : i32
    %dma_start3A_295 = arith.constant 0 : i32
    %dma_start3A_296 = tpu.memref_slice %arg6[%dma_start3A_285, %dma_start3A_294, %dma_start3A_295] : memref<6x128x128xf32, #tpu.memory_space<vmem>> -> memref<1x128x128xf32, #tpu.memory_space<vmem>>
    %dma_start3A_297 = tpu.memref_squeeze %dma_start3A_296 : memref<1x128x128xf32, #tpu.memory_space<vmem>> -> memref<128x128xf32, #tpu.memory_space<vmem>>
    tpu.enqueue_dma source(%dma_start3A_297 : memref<128x128xf32, #tpu.memory_space<vmem>>) target(%dma_start3A_293 : memref<128x128xf32, #tpu.memory_space<hbm>>) target_semaphore(%arg9 : memref<!tpu.dma_semaphore, #tpu.memory_space<semaphore_mem>>)
    %dma_wait3A_298 = arith.constant 1 : i32
    %dma_wait3A_299 = arith.constant 0 : i32
    %dma_wait3A_300 = arith.constant 0 : i32
    %dma_wait3A_301 = tpu.memref_slice %arg6[%dma_wait3A_298, %dma_wait3A_299, %dma_wait3A_300] : memref<6x128x128xf32, #tpu.memory_space<vmem>> -> memref<1x128x128xf32, #tpu.memory_space<vmem>>
    %dma_wait3A_302 = tpu.memref_squeeze %dma_wait3A_301 : memref<1x128x128xf32, #tpu.memory_space<vmem>> -> memref<128x128xf32, #tpu.memory_space<vmem>>
    %dma_wait3A_303 = arith.constant 0 : i32
    %dma_wait3A_304 = tpu.memref_slice %arg4[%multiple_of3A_15, %dma_wait3A_303] : memref<100000x128xf32, #tpu.memory_space<hbm>> -> memref<128x128xf32, #tpu.memory_space<hbm>>
    %dma_wait3A_305 = arith.constant 0 : i32
    %dma_wait3A_306 = tpu.memref_slice %arg4[%multiple_of3A_15, %dma_wait3A_305] : memref<100000x128xf32, #tpu.memory_space<hbm>> -> memref<128x128xf32, #tpu.memory_space<hbm>>
    %dma_wait3A_307 = arith.constant 0 : i32
    %dma_wait3A_308 = arith.constant 0 : i32
    %dma_wait3A_309 = tpu.memref_slice %arg6[%dma_wait3A_298, %dma_wait3A_307, %dma_wait3A_308] : memref<6x128x128xf32, #tpu.memory_space<vmem>> -> memref<1x128x128xf32, #tpu.memory_space<vmem>>
    %dma_wait3A_310 = tpu.memref_squeeze %dma_wait3A_309 : memref<1x128x128xf32, #tpu.memory_space<vmem>> -> memref<128x128xf32, #tpu.memory_space<vmem>>
    tpu.wait_dma2 semaphore(%arg9 : memref<!tpu.dma_semaphore, #tpu.memory_space<semaphore_mem>>) src(%dma_wait3A_310 : memref<128x128xf32, #tpu.memory_space<vmem>>) dst(%dma_wait3A_306 : memref<128x128xf32, #tpu.memory_space<hbm>>)
    %dma_start3A_311 = arith.constant 1 : i32
    %dma_start3A_312 = arith.constant 0 : i32
    %dma_start3A_313 = arith.constant 0 : i32
    %dma_start3A_314 = tpu.memref_slice %arg6[%dma_start3A_311, %dma_start3A_312, %dma_start3A_313] : memref<6x128x128xf32, #tpu.memory_space<vmem>> -> memref<1x128x128xf32, #tpu.memory_space<vmem>>
    %dma_start3A_315 = tpu.memref_squeeze %dma_start3A_314 : memref<1x128x128xf32, #tpu.memory_space<vmem>> -> memref<128x128xf32, #tpu.memory_space<vmem>>
    %dma_start3A_316 = tpu.memref_slice %arg5[%multiple_of3A_145] : memref<3200xi32, #tpu.memory_space<vmem>> -> memref<128xi32, #tpu.memory_space<vmem>>
    %dma_start3A_317 = arith.constant 0 : i32
    %dma_start3A_318 = arith.constant 0 : i32
    %dma_start3A_319 = tpu.memref_slice %arg7[%dma_start3A_317, %dma_start3A_318] : memref<256x128xf32, #tpu.memory_space<vmem_shared>> -> memref<256x128xf32, #tpu.memory_space<vmem_shared>>
    tpu.enqueue_indirect_dma source(%dma_start3A_319 : memref<256x128xf32, #tpu.memory_space<vmem_shared>>) target(%dma_start3A_315 : memref<128x128xf32, #tpu.memory_space<vmem>>) offsets(%dma_start3A_316 : memref<128xi32, #tpu.memory_space<vmem>>) semaphore(%arg8 : memref<!tpu.dma_semaphore, #tpu.memory_space<semaphore_mem>>)
    %dma_wait3A_320 = arith.constant 2 : i32
    %dma_wait3A_321 = arith.constant 0 : i32
    %dma_wait3A_322 = arith.constant 0 : i32
    %dma_wait3A_323 = tpu.memref_slice %arg6[%dma_wait3A_320, %dma_wait3A_321, %dma_wait3A_322] : memref<6x128x128xf32, #tpu.memory_space<vmem>> -> memref<1x128x128xf32, #tpu.memory_space<vmem>>
    %dma_wait3A_324 = tpu.memref_squeeze %dma_wait3A_323 : memref<1x128x128xf32, #tpu.memory_space<vmem>> -> memref<128x128xf32, #tpu.memory_space<vmem>>
    %dma_wait3A_325 = tpu.memref_slice %arg5[%multiple_of3A_135] : memref<3200xi32, #tpu.memory_space<vmem>> -> memref<128xi32, #tpu.memory_space<vmem>>
    %dma_wait3A_326 = arith.constant 0 : i32
    %dma_wait3A_327 = arith.constant 0 : i32
    %dma_wait3A_328 = tpu.memref_slice %arg7[%dma_wait3A_326, %dma_wait3A_327] : memref<256x128xf32, #tpu.memory_space<vmem_shared>> -> memref<256x128xf32, #tpu.memory_space<vmem_shared>>
    tpu.wait_indirect_dma semaphore(%arg8 : memref<!tpu.dma_semaphore, #tpu.memory_space<semaphore_mem>>) src(%dma_wait3A_328 : memref<256x128xf32, #tpu.memory_space<vmem_shared>>) dst(%dma_wait3A_324 : memref<128x128xf32, #tpu.memory_space<vmem>>)
    %dma_start3A_329 = arith.constant 2 : i32
    %dma_start3A_330 = arith.constant 0 : i32
    %dma_start3A_331 = arith.constant 0 : i32
    %dma_start3A_332 = tpu.memref_slice %arg6[%dma_start3A_329, %dma_start3A_330, %dma_start3A_331] : memref<6x128x128xf32, #tpu.memory_space<vmem>> -> memref<1x128x128xf32, #tpu.memory_space<vmem>>
    %dma_start3A_333 = tpu.memref_squeeze %dma_start3A_332 : memref<1x128x128xf32, #tpu.memory_space<vmem>> -> memref<128x128xf32, #tpu.memory_space<vmem>>
    %dma_start3A_334 = arith.constant 0 : i32
    %dma_start3A_335 = tpu.memref_slice %arg4[%multiple_of3A_20, %dma_start3A_334] : memref<100000x128xf32, #tpu.memory_space<hbm>> -> memref<128x128xf32, #tpu.memory_space<hbm>>
    %dma_start3A_336 = arith.constant 0 : i32
    %dma_start3A_337 = tpu.memref_slice %arg4[%multiple_of3A_20, %dma_start3A_336] : memref<100000x128xf32, #tpu.memory_space<hbm>> -> memref<128x128xf32, #tpu.memory_space<hbm>>
    %dma_start3A_338 = arith.constant 0 : i32
    %dma_start3A_339 = arith.constant 0 : i32
    %dma_start3A_340 = tpu.memref_slice %arg6[%dma_start3A_329, %dma_start3A_338, %dma_start3A_339] : memref<6x128x128xf32, #tpu.memory_space<vmem>> -> memref<1x128x128xf32, #tpu.memory_space<vmem>>
    %dma_start3A_341 = tpu.memref_squeeze %dma_start3A_340 : memref<1x128x128xf32, #tpu.memory_space<vmem>> -> memref<128x128xf32, #tpu.memory_space<vmem>>
    tpu.enqueue_dma source(%dma_start3A_341 : memref<128x128xf32, #tpu.memory_space<vmem>>) target(%dma_start3A_337 : memref<128x128xf32, #tpu.memory_space<hbm>>) target_semaphore(%arg9 : memref<!tpu.dma_semaphore, #tpu.memory_space<semaphore_mem>>)
    %dma_wait3A_342 = arith.constant 2 : i32
    %dma_wait3A_343 = arith.constant 0 : i32
    %dma_wait3A_344 = arith.constant 0 : i32
    %dma_wait3A_345 = tpu.memref_slice %arg6[%dma_wait3A_342, %dma_wait3A_343, %dma_wait3A_344] : memref<6x128x128xf32, #tpu.memory_space<vmem>> -> memref<1x128x128xf32, #tpu.memory_space<vmem>>
    %dma_wait3A_346 = tpu.memref_squeeze %dma_wait3A_345 : memref<1x128x128xf32, #tpu.memory_space<vmem>> -> memref<128x128xf32, #tpu.memory_space<vmem>>
    %dma_wait3A_347 = arith.constant 0 : i32
    %dma_wait3A_348 = tpu.memref_slice %arg4[%multiple_of3A_20, %dma_wait3A_347] : memref<100000x128xf32, #tpu.memory_space<hbm>> -> memref<128x128xf32, #tpu.memory_space<hbm>>
    %dma_wait3A_349 = arith.constant 0 : i32
    %dma_wait3A_350 = tpu.memref_slice %arg4[%multiple_of3A_20, %dma_wait3A_349] : memref<100000x128xf32, #tpu.memory_space<hbm>> -> memref<128x128xf32, #tpu.memory_space<hbm>>
    %dma_wait3A_351 = arith.constant 0 : i32
    %dma_wait3A_352 = arith.constant 0 : i32
    %dma_wait3A_353 = tpu.memref_slice %arg6[%dma_wait3A_342, %dma_wait3A_351, %dma_wait3A_352] : memref<6x128x128xf32, #tpu.memory_space<vmem>> -> memref<1x128x128xf32, #tpu.memory_space<vmem>>
    %dma_wait3A_354 = tpu.memref_squeeze %dma_wait3A_353 : memref<1x128x128xf32, #tpu.memory_space<vmem>> -> memref<128x128xf32, #tpu.memory_space<vmem>>
    tpu.wait_dma2 semaphore(%arg9 : memref<!tpu.dma_semaphore, #tpu.memory_space<semaphore_mem>>) src(%dma_wait3A_354 : memref<128x128xf32, #tpu.memory_space<vmem>>) dst(%dma_wait3A_350 : memref<128x128xf32, #tpu.memory_space<hbm>>)
    %dma_start3A_355 = arith.constant 2 : i32
    %dma_start3A_356 = arith.constant 0 : i32
    %dma_start3A_357 = arith.constant 0 : i32
    %dma_start3A_358 = tpu.memref_slice %arg6[%dma_start3A_355, %dma_start3A_356, %dma_start3A_357] : memref<6x128x128xf32, #tpu.memory_space<vmem>> -> memref<1x128x128xf32, #tpu.memory_space<vmem>>
    %dma_start3A_359 = tpu.memref_squeeze %dma_start3A_358 : memref<1x128x128xf32, #tpu.memory_space<vmem>> -> memref<128x128xf32, #tpu.memory_space<vmem>>
    %dma_start3A_360 = tpu.memref_slice %arg5[%multiple_of3A_147] : memref<3200xi32, #tpu.memory_space<vmem>> -> memref<128xi32, #tpu.memory_space<vmem>>
    %dma_start3A_361 = arith.constant 0 : i32
    %dma_start3A_362 = arith.constant 0 : i32
    %dma_start3A_363 = tpu.memref_slice %arg7[%dma_start3A_361, %dma_start3A_362] : memref<256x128xf32, #tpu.memory_space<vmem_shared>> -> memref<256x128xf32, #tpu.memory_space<vmem_shared>>
    tpu.enqueue_indirect_dma source(%dma_start3A_363 : memref<256x128xf32, #tpu.memory_space<vmem_shared>>) target(%dma_start3A_359 : memref<128x128xf32, #tpu.memory_space<vmem>>) offsets(%dma_start3A_360 : memref<128xi32, #tpu.memory_space<vmem>>) semaphore(%arg8 : memref<!tpu.dma_semaphore, #tpu.memory_space<semaphore_mem>>)
    %dma_wait3A_364 = arith.constant 3 : i32
    %dma_wait3A_365 = arith.constant 0 : i32
    %dma_wait3A_366 = arith.constant 0 : i32
    %dma_wait3A_367 = tpu.memref_slice %arg6[%dma_wait3A_364, %dma_wait3A_365, %dma_wait3A_366] : memref<6x128x128xf32, #tpu.memory_space<vmem>> -> memref<1x128x128xf32, #tpu.memory_space<vmem>>
    %dma_wait3A_368 = tpu.memref_squeeze %dma_wait3A_367 : memref<1x128x128xf32, #tpu.memory_space<vmem>> -> memref<128x128xf32, #tpu.memory_space<vmem>>
    %dma_wait3A_369 = tpu.memref_slice %arg5[%multiple_of3A_137] : memref<3200xi32, #tpu.memory_space<vmem>> -> memref<128xi32, #tpu.memory_space<vmem>>
    %dma_wait3A_370 = arith.constant 0 : i32
    %dma_wait3A_371 = arith.constant 0 : i32
    %dma_wait3A_372 = tpu.memref_slice %arg7[%dma_wait3A_370, %dma_wait3A_371] : memref<256x128xf32, #tpu.memory_space<vmem_shared>> -> memref<256x128xf32, #tpu.memory_space<vmem_shared>>
    tpu.wait_indirect_dma semaphore(%arg8 : memref<!tpu.dma_semaphore, #tpu.memory_space<semaphore_mem>>) src(%dma_wait3A_372 : memref<256x128xf32, #tpu.memory_space<vmem_shared>>) dst(%dma_wait3A_368 : memref<128x128xf32, #tpu.memory_space<vmem>>)
    %dma_start3A_373 = arith.constant 3 : i32
    %dma_start3A_374 = arith.constant 0 : i32
    %dma_start3A_375 = arith.constant 0 : i32
    %dma_start3A_376 = tpu.memref_slice %arg6[%dma_start3A_373, %dma_start3A_374, %dma_start3A_375] : memref<6x128x128xf32, #tpu.memory_space<vmem>> -> memref<1x128x128xf32, #tpu.memory_space<vmem>>
    %dma_start3A_377 = tpu.memref_squeeze %dma_start3A_376 : memref<1x128x128xf32, #tpu.memory_space<vmem>> -> memref<128x128xf32, #tpu.memory_space<vmem>>
    %dma_start3A_378 = arith.constant 0 : i32
    %dma_start3A_379 = tpu.memref_slice %arg4[%multiple_of3A_25, %dma_start3A_378] : memref<100000x128xf32, #tpu.memory_space<hbm>> -> memref<128x128xf32, #tpu.memory_space<hbm>>
    %dma_start3A_380 = arith.constant 0 : i32
    %dma_start3A_381 = tpu.memref_slice %arg4[%multiple_of3A_25, %dma_start3A_380] : memref<100000x128xf32, #tpu.memory_space<hbm>> -> memref<128x128xf32, #tpu.memory_space<hbm>>
    %dma_start3A_382 = arith.constant 0 : i32
    %dma_start3A_383 = arith.constant 0 : i32
    %dma_start3A_384 = tpu.memref_slice %arg6[%dma_start3A_373, %dma_start3A_382, %dma_start3A_383] : memref<6x128x128xf32, #tpu.memory_space<vmem>> -> memref<1x128x128xf32, #tpu.memory_space<vmem>>
    %dma_start3A_385 = tpu.memref_squeeze %dma_start3A_384 : memref<1x128x128xf32, #tpu.memory_space<vmem>> -> memref<128x128xf32, #tpu.memory_space<vmem>>
    tpu.enqueue_dma source(%dma_start3A_385 : memref<128x128xf32, #tpu.memory_space<vmem>>) target(%dma_start3A_381 : memref<128x128xf32, #tpu.memory_space<hbm>>) target_semaphore(%arg9 : memref<!tpu.dma_semaphore, #tpu.memory_space<semaphore_mem>>)
    %dma_wait3A_386 = arith.constant 3 : i32
    %dma_wait3A_387 = arith.constant 0 : i32
    %dma_wait3A_388 = arith.constant 0 : i32
    %dma_wait3A_389 = tpu.memref_slice %arg6[%dma_wait3A_386, %dma_wait3A_387, %dma_wait3A_388] : memref<6x128x128xf32, #tpu.memory_space<vmem>> -> memref<1x128x128xf32, #tpu.memory_space<vmem>>
    %dma_wait3A_390 = tpu.memref_squeeze %dma_wait3A_389 : memref<1x128x128xf32, #tpu.memory_space<vmem>> -> memref<128x128xf32, #tpu.memory_space<vmem>>
    %dma_wait3A_391 = arith.constant 0 : i32
    %dma_wait3A_392 = tpu.memref_slice %arg4[%multiple_of3A_25, %dma_wait3A_391] : memref<100000x128xf32, #tpu.memory_space<hbm>> -> memref<128x128xf32, #tpu.memory_space<hbm>>
    %dma_wait3A_393 = arith.constant 0 : i32
    %dma_wait3A_394 = tpu.memref_slice %arg4[%multiple_of3A_25, %dma_wait3A_393] : memref<100000x128xf32, #tpu.memory_space<hbm>> -> memref<128x128xf32, #tpu.memory_space<hbm>>
    %dma_wait3A_395 = arith.constant 0 : i32
    %dma_wait3A_396 = arith.constant 0 : i32
    %dma_wait3A_397 = tpu.memref_slice %arg6[%dma_wait3A_386, %dma_wait3A_395, %dma_wait3A_396] : memref<6x128x128xf32, #tpu.memory_space<vmem>> -> memref<1x128x128xf32, #tpu.memory_space<vmem>>
    %dma_wait3A_398 = tpu.memref_squeeze %dma_wait3A_397 : memref<1x128x128xf32, #tpu.memory_space<vmem>> -> memref<128x128xf32, #tpu.memory_space<vmem>>
    tpu.wait_dma2 semaphore(%arg9 : memref<!tpu.dma_semaphore, #tpu.memory_space<semaphore_mem>>) src(%dma_wait3A_398 : memref<128x128xf32, #tpu.memory_space<vmem>>) dst(%dma_wait3A_394 : memref<128x128xf32, #tpu.memory_space<hbm>>)
    %dma_start3A_399 = arith.constant 3 : i32
    %dma_start3A_400 = arith.constant 0 : i32
    %dma_start3A_401 = arith.constant 0 : i32
    %dma_start3A_402 = tpu.memref_slice %arg6[%dma_start3A_399, %dma_start3A_400, %dma_start3A_401] : memref<6x128x128xf32, #tpu.memory_space<vmem>> -> memref<1x128x128xf32, #tpu.memory_space<vmem>>
    %dma_start3A_403 = tpu.memref_squeeze %dma_start3A_402 : memref<1x128x128xf32, #tpu.memory_space<vmem>> -> memref<128x128xf32, #tpu.memory_space<vmem>>
    %dma_start3A_404 = tpu.memref_slice %arg5[%multiple_of3A_149] : memref<3200xi32, #tpu.memory_space<vmem>> -> memref<128xi32, #tpu.memory_space<vmem>>
    %dma_start3A_405 = arith.constant 0 : i32
    %dma_start3A_406 = arith.constant 0 : i32
    %dma_start3A_407 = tpu.memref_slice %arg7[%dma_start3A_405, %dma_start3A_406] : memref<256x128xf32, #tpu.memory_space<vmem_shared>> -> memref<256x128xf32, #tpu.memory_space<vmem_shared>>
    tpu.enqueue_indirect_dma source(%dma_start3A_407 : memref<256x128xf32, #tpu.memory_space<vmem_shared>>) target(%dma_start3A_403 : memref<128x128xf32, #tpu.memory_space<vmem>>) offsets(%dma_start3A_404 : memref<128xi32, #tpu.memory_space<vmem>>) semaphore(%arg8 : memref<!tpu.dma_semaphore, #tpu.memory_space<semaphore_mem>>)
    %dma_wait3A_408 = arith.constant 4 : i32
    %dma_wait3A_409 = arith.constant 0 : i32
    %dma_wait3A_410 = arith.constant 0 : i32
    %dma_wait3A_411 = tpu.memref_slice %arg6[%dma_wait3A_408, %dma_wait3A_409, %dma_wait3A_410] : memref<6x128x128xf32, #tpu.memory_space<vmem>> -> memref<1x128x128xf32, #tpu.memory_space<vmem>>
    %dma_wait3A_412 = tpu.memref_squeeze %dma_wait3A_411 : memref<1x128x128xf32, #tpu.memory_space<vmem>> -> memref<128x128xf32, #tpu.memory_space<vmem>>
    %dma_wait3A_413 = tpu.memref_slice %arg5[%multiple_of3A_139] : memref<3200xi32, #tpu.memory_space<vmem>> -> memref<128xi32, #tpu.memory_space<vmem>>
    %dma_wait3A_414 = arith.constant 0 : i32
    %dma_wait3A_415 = arith.constant 0 : i32
    %dma_wait3A_416 = tpu.memref_slice %arg7[%dma_wait3A_414, %dma_wait3A_415] : memref<256x128xf32, #tpu.memory_space<vmem_shared>> -> memref<256x128xf32, #tpu.memory_space<vmem_shared>>
    tpu.wait_indirect_dma semaphore(%arg8 : memref<!tpu.dma_semaphore, #tpu.memory_space<semaphore_mem>>) src(%dma_wait3A_416 : memref<256x128xf32, #tpu.memory_space<vmem_shared>>) dst(%dma_wait3A_412 : memref<128x128xf32, #tpu.memory_space<vmem>>)
    %dma_start3A_417 = arith.constant 4 : i32
    %dma_start3A_418 = arith.constant 0 : i32
    %dma_start3A_419 = arith.constant 0 : i32
    %dma_start3A_420 = tpu.memref_slice %arg6[%dma_start3A_417, %dma_start3A_418, %dma_start3A_419] : memref<6x128x128xf32, #tpu.memory_space<vmem>> -> memref<1x128x128xf32, #tpu.memory_space<vmem>>
    %dma_start3A_421 = tpu.memref_squeeze %dma_start3A_420 : memref<1x128x128xf32, #tpu.memory_space<vmem>> -> memref<128x128xf32, #tpu.memory_space<vmem>>
    %dma_start3A_422 = arith.constant 0 : i32
    %dma_start3A_423 = tpu.memref_slice %arg4[%multiple_of3A_30, %dma_start3A_422] : memref<100000x128xf32, #tpu.memory_space<hbm>> -> memref<128x128xf32, #tpu.memory_space<hbm>>
    %dma_start3A_424 = arith.constant 0 : i32
    %dma_start3A_425 = tpu.memref_slice %arg4[%multiple_of3A_30, %dma_start3A_424] : memref<100000x128xf32, #tpu.memory_space<hbm>> -> memref<128x128xf32, #tpu.memory_space<hbm>>
    %dma_start3A_426 = arith.constant 0 : i32
    %dma_start3A_427 = arith.constant 0 : i32
    %dma_start3A_428 = tpu.memref_slice %arg6[%dma_start3A_417, %dma_start3A_426, %dma_start3A_427] : memref<6x128x128xf32, #tpu.memory_space<vmem>> -> memref<1x128x128xf32, #tpu.memory_space<vmem>>
    %dma_start3A_429 = tpu.memref_squeeze %dma_start3A_428 : memref<1x128x128xf32, #tpu.memory_space<vmem>> -> memref<128x128xf32, #tpu.memory_space<vmem>>
    tpu.enqueue_dma source(%dma_start3A_429 : memref<128x128xf32, #tpu.memory_space<vmem>>) target(%dma_start3A_425 : memref<128x128xf32, #tpu.memory_space<hbm>>) target_semaphore(%arg9 : memref<!tpu.dma_semaphore, #tpu.memory_space<semaphore_mem>>)
    %dma_wait3A_430 = arith.constant 4 : i32
    %dma_wait3A_431 = arith.constant 0 : i32
    %dma_wait3A_432 = arith.constant 0 : i32
    %dma_wait3A_433 = tpu.memref_slice %arg6[%dma_wait3A_430, %dma_wait3A_431, %dma_wait3A_432] : memref<6x128x128xf32, #tpu.memory_space<vmem>> -> memref<1x128x128xf32, #tpu.memory_space<vmem>>
    %dma_wait3A_434 = tpu.memref_squeeze %dma_wait3A_433 : memref<1x128x128xf32, #tpu.memory_space<vmem>> -> memref<128x128xf32, #tpu.memory_space<vmem>>
    %dma_wait3A_435 = arith.constant 0 : i32
    %dma_wait3A_436 = tpu.memref_slice %arg4[%multiple_of3A_30, %dma_wait3A_435] : memref<100000x128xf32, #tpu.memory_space<hbm>> -> memref<128x128xf32, #tpu.memory_space<hbm>>
    %dma_wait3A_437 = arith.constant 0 : i32
    %dma_wait3A_438 = tpu.memref_slice %arg4[%multiple_of3A_30, %dma_wait3A_437] : memref<100000x128xf32, #tpu.memory_space<hbm>> -> memref<128x128xf32, #tpu.memory_space<hbm>>
    %dma_wait3A_439 = arith.constant 0 : i32
    %dma_wait3A_440 = arith.constant 0 : i32
    %dma_wait3A_441 = tpu.memref_slice %arg6[%dma_wait3A_430, %dma_wait3A_439, %dma_wait3A_440] : memref<6x128x128xf32, #tpu.memory_space<vmem>> -> memref<1x128x128xf32, #tpu.memory_space<vmem>>
    %dma_wait3A_442 = tpu.memref_squeeze %dma_wait3A_441 : memref<1x128x128xf32, #tpu.memory_space<vmem>> -> memref<128x128xf32, #tpu.memory_space<vmem>>
    tpu.wait_dma2 semaphore(%arg9 : memref<!tpu.dma_semaphore, #tpu.memory_space<semaphore_mem>>) src(%dma_wait3A_442 : memref<128x128xf32, #tpu.memory_space<vmem>>) dst(%dma_wait3A_438 : memref<128x128xf32, #tpu.memory_space<hbm>>)
    %dma_start3A_443 = arith.constant 4 : i32
    %dma_start3A_444 = arith.constant 0 : i32
    %dma_start3A_445 = arith.constant 0 : i32
    %dma_start3A_446 = tpu.memref_slice %arg6[%dma_start3A_443, %dma_start3A_444, %dma_start3A_445] : memref<6x128x128xf32, #tpu.memory_space<vmem>> -> memref<1x128x128xf32, #tpu.memory_space<vmem>>
    %dma_start3A_447 = tpu.memref_squeeze %dma_start3A_446 : memref<1x128x128xf32, #tpu.memory_space<vmem>> -> memref<128x128xf32, #tpu.memory_space<vmem>>
    %dma_start3A_448 = tpu.memref_slice %arg5[%multiple_of3A_151] : memref<3200xi32, #tpu.memory_space<vmem>> -> memref<128xi32, #tpu.memory_space<vmem>>
    %dma_start3A_449 = arith.constant 0 : i32
    %dma_start3A_450 = arith.constant 0 : i32
    %dma_start3A_451 = tpu.memref_slice %arg7[%dma_start3A_449, %dma_start3A_450] : memref<256x128xf32, #tpu.memory_space<vmem_shared>> -> memref<256x128xf32, #tpu.memory_space<vmem_shared>>
    tpu.enqueue_indirect_dma source(%dma_start3A_451 : memref<256x128xf32, #tpu.memory_space<vmem_shared>>) target(%dma_start3A_447 : memref<128x128xf32, #tpu.memory_space<vmem>>) offsets(%dma_start3A_448 : memref<128xi32, #tpu.memory_space<vmem>>) semaphore(%arg8 : memref<!tpu.dma_semaphore, #tpu.memory_space<semaphore_mem>>)
    %dma_wait3A_452 = arith.constant 5 : i32
    %dma_wait3A_453 = arith.constant 0 : i32
    %dma_wait3A_454 = arith.constant 0 : i32
    %dma_wait3A_455 = tpu.memref_slice %arg6[%dma_wait3A_452, %dma_wait3A_453, %dma_wait3A_454] : memref<6x128x128xf32, #tpu.memory_space<vmem>> -> memref<1x128x128xf32, #tpu.memory_space<vmem>>
    %dma_wait3A_456 = tpu.memref_squeeze %dma_wait3A_455 : memref<1x128x128xf32, #tpu.memory_space<vmem>> -> memref<128x128xf32, #tpu.memory_space<vmem>>
    %dma_wait3A_457 = tpu.memref_slice %arg5[%multiple_of3A_141] : memref<3200xi32, #tpu.memory_space<vmem>> -> memref<128xi32, #tpu.memory_space<vmem>>
    %dma_wait3A_458 = arith.constant 0 : i32
    %dma_wait3A_459 = arith.constant 0 : i32
    %dma_wait3A_460 = tpu.memref_slice %arg7[%dma_wait3A_458, %dma_wait3A_459] : memref<256x128xf32, #tpu.memory_space<vmem_shared>> -> memref<256x128xf32, #tpu.memory_space<vmem_shared>>
    tpu.wait_indirect_dma semaphore(%arg8 : memref<!tpu.dma_semaphore, #tpu.memory_space<semaphore_mem>>) src(%dma_wait3A_460 : memref<256x128xf32, #tpu.memory_space<vmem_shared>>) dst(%dma_wait3A_456 : memref<128x128xf32, #tpu.memory_space<vmem>>)
    %dma_start3A_461 = arith.constant 5 : i32
    %dma_start3A_462 = arith.constant 0 : i32
    %dma_start3A_463 = arith.constant 0 : i32
    %dma_start3A_464 = tpu.memref_slice %arg6[%dma_start3A_461, %dma_start3A_462, %dma_start3A_463] : memref<6x128x128xf32, #tpu.memory_space<vmem>> -> memref<1x128x128xf32, #tpu.memory_space<vmem>>
    %dma_start3A_465 = tpu.memref_squeeze %dma_start3A_464 : memref<1x128x128xf32, #tpu.memory_space<vmem>> -> memref<128x128xf32, #tpu.memory_space<vmem>>
    %dma_start3A_466 = arith.constant 0 : i32
    %dma_start3A_467 = tpu.memref_slice %arg4[%multiple_of3A_35, %dma_start3A_466] : memref<100000x128xf32, #tpu.memory_space<hbm>> -> memref<128x128xf32, #tpu.memory_space<hbm>>
    %dma_start3A_468 = arith.constant 0 : i32
    %dma_start3A_469 = tpu.memref_slice %arg4[%multiple_of3A_35, %dma_start3A_468] : memref<100000x128xf32, #tpu.memory_space<hbm>> -> memref<128x128xf32, #tpu.memory_space<hbm>>
    %dma_start3A_470 = arith.constant 0 : i32
    %dma_start3A_471 = arith.constant 0 : i32
    %dma_start3A_472 = tpu.memref_slice %arg6[%dma_start3A_461, %dma_start3A_470, %dma_start3A_471] : memref<6x128x128xf32, #tpu.memory_space<vmem>> -> memref<1x128x128xf32, #tpu.memory_space<vmem>>
    %dma_start3A_473 = tpu.memref_squeeze %dma_start3A_472 : memref<1x128x128xf32, #tpu.memory_space<vmem>> -> memref<128x128xf32, #tpu.memory_space<vmem>>
    tpu.enqueue_dma source(%dma_start3A_473 : memref<128x128xf32, #tpu.memory_space<vmem>>) target(%dma_start3A_469 : memref<128x128xf32, #tpu.memory_space<hbm>>) target_semaphore(%arg9 : memref<!tpu.dma_semaphore, #tpu.memory_space<semaphore_mem>>)
    %dma_wait3A_474 = arith.constant 5 : i32
    %dma_wait3A_475 = arith.constant 0 : i32
    %dma_wait3A_476 = arith.constant 0 : i32
    %dma_wait3A_477 = tpu.memref_slice %arg6[%dma_wait3A_474, %dma_wait3A_475, %dma_wait3A_476] : memref<6x128x128xf32, #tpu.memory_space<vmem>> -> memref<1x128x128xf32, #tpu.memory_space<vmem>>
    %dma_wait3A_478 = tpu.memref_squeeze %dma_wait3A_477 : memref<1x128x128xf32, #tpu.memory_space<vmem>> -> memref<128x128xf32, #tpu.memory_space<vmem>>
    %dma_wait3A_479 = arith.constant 0 : i32
    %dma_wait3A_480 = tpu.memref_slice %arg4[%multiple_of3A_35, %dma_wait3A_479] : memref<100000x128xf32, #tpu.memory_space<hbm>> -> memref<128x128xf32, #tpu.memory_space<hbm>>
    %dma_wait3A_481 = arith.constant 0 : i32
    %dma_wait3A_482 = tpu.memref_slice %arg4[%multiple_of3A_35, %dma_wait3A_481] : memref<100000x128xf32, #tpu.memory_space<hbm>> -> memref<128x128xf32, #tpu.memory_space<hbm>>
    %dma_wait3A_483 = arith.constant 0 : i32
    %dma_wait3A_484 = arith.constant 0 : i32
    %dma_wait3A_485 = tpu.memref_slice %arg6[%dma_wait3A_474, %dma_wait3A_483, %dma_wait3A_484] : memref<6x128x128xf32, #tpu.memory_space<vmem>> -> memref<1x128x128xf32, #tpu.memory_space<vmem>>
    %dma_wait3A_486 = tpu.memref_squeeze %dma_wait3A_485 : memref<1x128x128xf32, #tpu.memory_space<vmem>> -> memref<128x128xf32, #tpu.memory_space<vmem>>
    tpu.wait_dma2 semaphore(%arg9 : memref<!tpu.dma_semaphore, #tpu.memory_space<semaphore_mem>>) src(%dma_wait3A_486 : memref<128x128xf32, #tpu.memory_space<vmem>>) dst(%dma_wait3A_482 : memref<128x128xf32, #tpu.memory_space<hbm>>)
    %dma_start3A_487 = arith.constant 5 : i32
    %dma_start3A_488 = arith.constant 0 : i32
    %dma_start3A_489 = arith.constant 0 : i32
    %dma_start3A_490 = tpu.memref_slice %arg6[%dma_start3A_487, %dma_start3A_488, %dma_start3A_489] : memref<6x128x128xf32, #tpu.memory_space<vmem>> -> memref<1x128x128xf32, #tpu.memory_space<vmem>>
    %dma_start3A_491 = tpu.memref_squeeze %dma_start3A_490 : memref<1x128x128xf32, #tpu.memory_space<vmem>> -> memref<128x128xf32, #tpu.memory_space<vmem>>
    %dma_start3A_492 = tpu.memref_slice %arg5[%multiple_of3A_153] : memref<3200xi32, #tpu.memory_space<vmem>> -> memref<128xi32, #tpu.memory_space<vmem>>
    %dma_start3A_493 = arith.constant 0 : i32
    %dma_start3A_494 = arith.constant 0 : i32
    %dma_start3A_495 = tpu.memref_slice %arg7[%dma_start3A_493, %dma_start3A_494] : memref<256x128xf32, #tpu.memory_space<vmem_shared>> -> memref<256x128xf32, #tpu.memory_space<vmem_shared>>
    tpu.enqueue_indirect_dma source(%dma_start3A_495 : memref<256x128xf32, #tpu.memory_space<vmem_shared>>) target(%dma_start3A_491 : memref<128x128xf32, #tpu.memory_space<vmem>>) offsets(%dma_start3A_492 : memref<128xi32, #tpu.memory_space<vmem>>) semaphore(%arg8 : memref<!tpu.dma_semaphore, #tpu.memory_space<semaphore_mem>>)
    %dma_wait3A_496 = arith.constant 0 : i32
    %dma_wait3A_497 = arith.constant 0 : i32
    %dma_wait3A_498 = arith.constant 0 : i32
    %dma_wait3A_499 = tpu.memref_slice %arg6[%dma_wait3A_496, %dma_wait3A_497, %dma_wait3A_498] : memref<6x128x128xf32, #tpu.memory_space<vmem>> -> memref<1x128x128xf32, #tpu.memory_space<vmem>>
    %dma_wait3A_500 = tpu.memref_squeeze %dma_wait3A_499 : memref<1x128x128xf32, #tpu.memory_space<vmem>> -> memref<128x128xf32, #tpu.memory_space<vmem>>
    %dma_wait3A_501 = tpu.memref_slice %arg5[%multiple_of3A_143] : memref<3200xi32, #tpu.memory_space<vmem>> -> memref<128xi32, #tpu.memory_space<vmem>>
    %dma_wait3A_502 = arith.constant 0 : i32
    %dma_wait3A_503 = arith.constant 0 : i32
    %dma_wait3A_504 = tpu.memref_slice %arg7[%dma_wait3A_502, %dma_wait3A_503] : memref<256x128xf32, #tpu.memory_space<vmem_shared>> -> memref<256x128xf32, #tpu.memory_space<vmem_shared>>
    tpu.wait_indirect_dma semaphore(%arg8 : memref<!tpu.dma_semaphore, #tpu.memory_space<semaphore_mem>>) src(%dma_wait3A_504 : memref<256x128xf32, #tpu.memory_space<vmem_shared>>) dst(%dma_wait3A_500 : memref<128x128xf32, #tpu.memory_space<vmem>>)
    %dma_start3A_505 = arith.constant 0 : i32
    %dma_start3A_506 = arith.constant 0 : i32
    %dma_start3A_507 = arith.constant 0 : i32
    %dma_start3A_508 = tpu.memref_slice %arg6[%dma_start3A_505, %dma_start3A_506, %dma_start3A_507] : memref<6x128x128xf32, #tpu.memory_space<vmem>> -> memref<1x128x128xf32, #tpu.memory_space<vmem>>
    %dma_start3A_509 = tpu.memref_squeeze %dma_start3A_508 : memref<1x128x128xf32, #tpu.memory_space<vmem>> -> memref<128x128xf32, #tpu.memory_space<vmem>>
    %dma_start3A_510 = arith.constant 0 : i32
    %dma_start3A_511 = tpu.memref_slice %arg4[%multiple_of3A_40, %dma_start3A_510] : memref<100000x128xf32, #tpu.memory_space<hbm>> -> memref<128x128xf32, #tpu.memory_space<hbm>>
    %dma_start3A_512 = arith.constant 0 : i32
    %dma_start3A_513 = tpu.memref_slice %arg4[%multiple_of3A_40, %dma_start3A_512] : memref<100000x128xf32, #tpu.memory_space<hbm>> -> memref<128x128xf32, #tpu.memory_space<hbm>>
    %dma_start3A_514 = arith.constant 0 : i32
    %dma_start3A_515 = arith.constant 0 : i32
    %dma_start3A_516 = tpu.memref_slice %arg6[%dma_start3A_505, %dma_start3A_514, %dma_start3A_515] : memref<6x128x128xf32, #tpu.memory_space<vmem>> -> memref<1x128x128xf32, #tpu.memory_space<vmem>>
    %dma_start3A_517 = tpu.memref_squeeze %dma_start3A_516 : memref<1x128x128xf32, #tpu.memory_space<vmem>> -> memref<128x128xf32, #tpu.memory_space<vmem>>
    tpu.enqueue_dma source(%dma_start3A_517 : memref<128x128xf32, #tpu.memory_space<vmem>>) target(%dma_start3A_513 : memref<128x128xf32, #tpu.memory_space<hbm>>) target_semaphore(%arg9 : memref<!tpu.dma_semaphore, #tpu.memory_space<semaphore_mem>>)
    %dma_wait3A_518 = arith.constant 0 : i32
    %dma_wait3A_519 = arith.constant 0 : i32
    %dma_wait3A_520 = arith.constant 0 : i32
    %dma_wait3A_521 = tpu.memref_slice %arg6[%dma_wait3A_518, %dma_wait3A_519, %dma_wait3A_520] : memref<6x128x128xf32, #tpu.memory_space<vmem>> -> memref<1x128x128xf32, #tpu.memory_space<vmem>>
    %dma_wait3A_522 = tpu.memref_squeeze %dma_wait3A_521 : memref<1x128x128xf32, #tpu.memory_space<vmem>> -> memref<128x128xf32, #tpu.memory_space<vmem>>
    %dma_wait3A_523 = arith.constant 0 : i32
    %dma_wait3A_524 = tpu.memref_slice %arg4[%multiple_of3A_40, %dma_wait3A_523] : memref<100000x128xf32, #tpu.memory_space<hbm>> -> memref<128x128xf32, #tpu.memory_space<hbm>>
    %dma_wait3A_525 = arith.constant 0 : i32
    %dma_wait3A_526 = tpu.memref_slice %arg4[%multiple_of3A_40, %dma_wait3A_525] : memref<100000x128xf32, #tpu.memory_space<hbm>> -> memref<128x128xf32, #tpu.memory_space<hbm>>
    %dma_wait3A_527 = arith.constant 0 : i32
    %dma_wait3A_528 = arith.constant 0 : i32
    %dma_wait3A_529 = tpu.memref_slice %arg6[%dma_wait3A_518, %dma_wait3A_527, %dma_wait3A_528] : memref<6x128x128xf32, #tpu.memory_space<vmem>> -> memref<1x128x128xf32, #tpu.memory_space<vmem>>
    %dma_wait3A_530 = tpu.memref_squeeze %dma_wait3A_529 : memref<1x128x128xf32, #tpu.memory_space<vmem>> -> memref<128x128xf32, #tpu.memory_space<vmem>>
    tpu.wait_dma2 semaphore(%arg9 : memref<!tpu.dma_semaphore, #tpu.memory_space<semaphore_mem>>) src(%dma_wait3A_530 : memref<128x128xf32, #tpu.memory_space<vmem>>) dst(%dma_wait3A_526 : memref<128x128xf32, #tpu.memory_space<hbm>>)
    %dma_start3A_531 = arith.constant 0 : i32
    %dma_start3A_532 = arith.constant 0 : i32
    %dma_start3A_533 = arith.constant 0 : i32
    %dma_start3A_534 = tpu.memref_slice %arg6[%dma_start3A_531, %dma_start3A_532, %dma_start3A_533] : memref<6x128x128xf32, #tpu.memory_space<vmem>> -> memref<1x128x128xf32, #tpu.memory_space<vmem>>
    %dma_start3A_535 = tpu.memref_squeeze %dma_start3A_534 : memref<1x128x128xf32, #tpu.memory_space<vmem>> -> memref<128x128xf32, #tpu.memory_space<vmem>>
    %dma_start3A_536 = tpu.memref_slice %arg5[%multiple_of3A_155] : memref<3200xi32, #tpu.memory_space<vmem>> -> memref<128xi32, #tpu.memory_space<vmem>>
    %dma_start3A_537 = arith.constant 0 : i32
    %dma_start3A_538 = arith.constant 0 : i32
    %dma_start3A_539 = tpu.memref_slice %arg7[%dma_start3A_537, %dma_start3A_538] : memref<256x128xf32, #tpu.memory_space<vmem_shared>> -> memref<256x128xf32, #tpu.memory_space<vmem_shared>>
    tpu.enqueue_indirect_dma source(%dma_start3A_539 : memref<256x128xf32, #tpu.memory_space<vmem_shared>>) target(%dma_start3A_535 : memref<128x128xf32, #tpu.memory_space<vmem>>) offsets(%dma_start3A_536 : memref<128xi32, #tpu.memory_space<vmem>>) semaphore(%arg8 : memref<!tpu.dma_semaphore, #tpu.memory_space<semaphore_mem>>)
    %dma_wait3A_540 = arith.constant 1 : i32
    %dma_wait3A_541 = arith.constant 0 : i32
    %dma_wait3A_542 = arith.constant 0 : i32
    %dma_wait3A_543 = tpu.memref_slice %arg6[%dma_wait3A_540, %dma_wait3A_541, %dma_wait3A_542] : memref<6x128x128xf32, #tpu.memory_space<vmem>> -> memref<1x128x128xf32, #tpu.memory_space<vmem>>
    %dma_wait3A_544 = tpu.memref_squeeze %dma_wait3A_543 : memref<1x128x128xf32, #tpu.memory_space<vmem>> -> memref<128x128xf32, #tpu.memory_space<vmem>>
    %dma_wait3A_545 = tpu.memref_slice %arg5[%multiple_of3A_145] : memref<3200xi32, #tpu.memory_space<vmem>> -> memref<128xi32, #tpu.memory_space<vmem>>
    %dma_wait3A_546 = arith.constant 0 : i32
    %dma_wait3A_547 = arith.constant 0 : i32
    %dma_wait3A_548 = tpu.memref_slice %arg7[%dma_wait3A_546, %dma_wait3A_547] : memref<256x128xf32, #tpu.memory_space<vmem_shared>> -> memref<256x128xf32, #tpu.memory_space<vmem_shared>>
    tpu.wait_indirect_dma semaphore(%arg8 : memref<!tpu.dma_semaphore, #tpu.memory_space<semaphore_mem>>) src(%dma_wait3A_548 : memref<256x128xf32, #tpu.memory_space<vmem_shared>>) dst(%dma_wait3A_544 : memref<128x128xf32, #tpu.memory_space<vmem>>)
    %dma_start3A_549 = arith.constant 1 : i32
    %dma_start3A_550 = arith.constant 0 : i32
    %dma_start3A_551 = arith.constant 0 : i32
    %dma_start3A_552 = tpu.memref_slice %arg6[%dma_start3A_549, %dma_start3A_550, %dma_start3A_551] : memref<6x128x128xf32, #tpu.memory_space<vmem>> -> memref<1x128x128xf32, #tpu.memory_space<vmem>>
    %dma_start3A_553 = tpu.memref_squeeze %dma_start3A_552 : memref<1x128x128xf32, #tpu.memory_space<vmem>> -> memref<128x128xf32, #tpu.memory_space<vmem>>
    %dma_start3A_554 = arith.constant 0 : i32
    %dma_start3A_555 = tpu.memref_slice %arg4[%multiple_of3A_45, %dma_start3A_554] : memref<100000x128xf32, #tpu.memory_space<hbm>> -> memref<128x128xf32, #tpu.memory_space<hbm>>
    %dma_start3A_556 = arith.constant 0 : i32
    %dma_start3A_557 = tpu.memref_slice %arg4[%multiple_of3A_45, %dma_start3A_556] : memref<100000x128xf32, #tpu.memory_space<hbm>> -> memref<128x128xf32, #tpu.memory_space<hbm>>
    %dma_start3A_558 = arith.constant 0 : i32
    %dma_start3A_559 = arith.constant 0 : i32
    %dma_start3A_560 = tpu.memref_slice %arg6[%dma_start3A_549, %dma_start3A_558, %dma_start3A_559] : memref<6x128x128xf32, #tpu.memory_space<vmem>> -> memref<1x128x128xf32, #tpu.memory_space<vmem>>
    %dma_start3A_561 = tpu.memref_squeeze %dma_start3A_560 : memref<1x128x128xf32, #tpu.memory_space<vmem>> -> memref<128x128xf32, #tpu.memory_space<vmem>>
    tpu.enqueue_dma source(%dma_start3A_561 : memref<128x128xf32, #tpu.memory_space<vmem>>) target(%dma_start3A_557 : memref<128x128xf32, #tpu.memory_space<hbm>>) target_semaphore(%arg9 : memref<!tpu.dma_semaphore, #tpu.memory_space<semaphore_mem>>)
    %dma_wait3A_562 = arith.constant 1 : i32
    %dma_wait3A_563 = arith.constant 0 : i32
    %dma_wait3A_564 = arith.constant 0 : i32
    %dma_wait3A_565 = tpu.memref_slice %arg6[%dma_wait3A_562, %dma_wait3A_563, %dma_wait3A_564] : memref<6x128x128xf32, #tpu.memory_space<vmem>> -> memref<1x128x128xf32, #tpu.memory_space<vmem>>
    %dma_wait3A_566 = tpu.memref_squeeze %dma_wait3A_565 : memref<1x128x128xf32, #tpu.memory_space<vmem>> -> memref<128x128xf32, #tpu.memory_space<vmem>>
    %dma_wait3A_567 = arith.constant 0 : i32
    %dma_wait3A_568 = tpu.memref_slice %arg4[%multiple_of3A_45, %dma_wait3A_567] : memref<100000x128xf32, #tpu.memory_space<hbm>> -> memref<128x128xf32, #tpu.memory_space<hbm>>
    %dma_wait3A_569 = arith.constant 0 : i32
    %dma_wait3A_570 = tpu.memref_slice %arg4[%multiple_of3A_45, %dma_wait3A_569] : memref<100000x128xf32, #tpu.memory_space<hbm>> -> memref<128x128xf32, #tpu.memory_space<hbm>>
    %dma_wait3A_571 = arith.constant 0 : i32
    %dma_wait3A_572 = arith.constant 0 : i32
    %dma_wait3A_573 = tpu.memref_slice %arg6[%dma_wait3A_562, %dma_wait3A_571, %dma_wait3A_572] : memref<6x128x128xf32, #tpu.memory_space<vmem>> -> memref<1x128x128xf32, #tpu.memory_space<vmem>>
    %dma_wait3A_574 = tpu.memref_squeeze %dma_wait3A_573 : memref<1x128x128xf32, #tpu.memory_space<vmem>> -> memref<128x128xf32, #tpu.memory_space<vmem>>
    tpu.wait_dma2 semaphore(%arg9 : memref<!tpu.dma_semaphore, #tpu.memory_space<semaphore_mem>>) src(%dma_wait3A_574 : memref<128x128xf32, #tpu.memory_space<vmem>>) dst(%dma_wait3A_570 : memref<128x128xf32, #tpu.memory_space<hbm>>)
    %dma_start3A_575 = arith.constant 1 : i32
    %dma_start3A_576 = arith.constant 0 : i32
    %dma_start3A_577 = arith.constant 0 : i32
    %dma_start3A_578 = tpu.memref_slice %arg6[%dma_start3A_575, %dma_start3A_576, %dma_start3A_577] : memref<6x128x128xf32, #tpu.memory_space<vmem>> -> memref<1x128x128xf32, #tpu.memory_space<vmem>>
    %dma_start3A_579 = tpu.memref_squeeze %dma_start3A_578 : memref<1x128x128xf32, #tpu.memory_space<vmem>> -> memref<128x128xf32, #tpu.memory_space<vmem>>
    %dma_start3A_580 = tpu.memref_slice %arg5[%multiple_of3A_157] : memref<3200xi32, #tpu.memory_space<vmem>> -> memref<128xi32, #tpu.memory_space<vmem>>
    %dma_start3A_581 = arith.constant 0 : i32
    %dma_start3A_582 = arith.constant 0 : i32
    %dma_start3A_583 = tpu.memref_slice %arg7[%dma_start3A_581, %dma_start3A_582] : memref<256x128xf32, #tpu.memory_space<vmem_shared>> -> memref<256x128xf32, #tpu.memory_space<vmem_shared>>
    tpu.enqueue_indirect_dma source(%dma_start3A_583 : memref<256x128xf32, #tpu.memory_space<vmem_shared>>) target(%dma_start3A_579 : memref<128x128xf32, #tpu.memory_space<vmem>>) offsets(%dma_start3A_580 : memref<128xi32, #tpu.memory_space<vmem>>) semaphore(%arg8 : memref<!tpu.dma_semaphore, #tpu.memory_space<semaphore_mem>>)
    %dma_wait3A_584 = arith.constant 2 : i32
    %dma_wait3A_585 = arith.constant 0 : i32
    %dma_wait3A_586 = arith.constant 0 : i32
    %dma_wait3A_587 = tpu.memref_slice %arg6[%dma_wait3A_584, %dma_wait3A_585, %dma_wait3A_586] : memref<6x128x128xf32, #tpu.memory_space<vmem>> -> memref<1x128x128xf32, #tpu.memory_space<vmem>>
    %dma_wait3A_588 = tpu.memref_squeeze %dma_wait3A_587 : memref<1x128x128xf32, #tpu.memory_space<vmem>> -> memref<128x128xf32, #tpu.memory_space<vmem>>
    %dma_wait3A_589 = tpu.memref_slice %arg5[%multiple_of3A_147] : memref<3200xi32, #tpu.memory_space<vmem>> -> memref<128xi32, #tpu.memory_space<vmem>>
    %dma_wait3A_590 = arith.constant 0 : i32
    %dma_wait3A_591 = arith.constant 0 : i32
    %dma_wait3A_592 = tpu.memref_slice %arg7[%dma_wait3A_590, %dma_wait3A_591] : memref<256x128xf32, #tpu.memory_space<vmem_shared>> -> memref<256x128xf32, #tpu.memory_space<vmem_shared>>
    tpu.wait_indirect_dma semaphore(%arg8 : memref<!tpu.dma_semaphore, #tpu.memory_space<semaphore_mem>>) src(%dma_wait3A_592 : memref<256x128xf32, #tpu.memory_space<vmem_shared>>) dst(%dma_wait3A_588 : memref<128x128xf32, #tpu.memory_space<vmem>>)
    %dma_start3A_593 = arith.constant 2 : i32
    %dma_start3A_594 = arith.constant 0 : i32
    %dma_start3A_595 = arith.constant 0 : i32
    %dma_start3A_596 = tpu.memref_slice %arg6[%dma_start3A_593, %dma_start3A_594, %dma_start3A_595] : memref<6x128x128xf32, #tpu.memory_space<vmem>> -> memref<1x128x128xf32, #tpu.memory_space<vmem>>
    %dma_start3A_597 = tpu.memref_squeeze %dma_start3A_596 : memref<1x128x128xf32, #tpu.memory_space<vmem>> -> memref<128x128xf32, #tpu.memory_space<vmem>>
    %dma_start3A_598 = arith.constant 0 : i32
    %dma_start3A_599 = tpu.memref_slice %arg4[%multiple_of3A_50, %dma_start3A_598] : memref<100000x128xf32, #tpu.memory_space<hbm>> -> memref<128x128xf32, #tpu.memory_space<hbm>>
    %dma_start3A_600 = arith.constant 0 : i32
    %dma_start3A_601 = tpu.memref_slice %arg4[%multiple_of3A_50, %dma_start3A_600] : memref<100000x128xf32, #tpu.memory_space<hbm>> -> memref<128x128xf32, #tpu.memory_space<hbm>>
    %dma_start3A_602 = arith.constant 0 : i32
    %dma_start3A_603 = arith.constant 0 : i32
    %dma_start3A_604 = tpu.memref_slice %arg6[%dma_start3A_593, %dma_start3A_602, %dma_start3A_603] : memref<6x128x128xf32, #tpu.memory_space<vmem>> -> memref<1x128x128xf32, #tpu.memory_space<vmem>>
    %dma_start3A_605 = tpu.memref_squeeze %dma_start3A_604 : memref<1x128x128xf32, #tpu.memory_space<vmem>> -> memref<128x128xf32, #tpu.memory_space<vmem>>
    tpu.enqueue_dma source(%dma_start3A_605 : memref<128x128xf32, #tpu.memory_space<vmem>>) target(%dma_start3A_601 : memref<128x128xf32, #tpu.memory_space<hbm>>) target_semaphore(%arg9 : memref<!tpu.dma_semaphore, #tpu.memory_space<semaphore_mem>>)
    %dma_wait3A_606 = arith.constant 2 : i32
    %dma_wait3A_607 = arith.constant 0 : i32
    %dma_wait3A_608 = arith.constant 0 : i32
    %dma_wait3A_609 = tpu.memref_slice %arg6[%dma_wait3A_606, %dma_wait3A_607, %dma_wait3A_608] : memref<6x128x128xf32, #tpu.memory_space<vmem>> -> memref<1x128x128xf32, #tpu.memory_space<vmem>>
    %dma_wait3A_610 = tpu.memref_squeeze %dma_wait3A_609 : memref<1x128x128xf32, #tpu.memory_space<vmem>> -> memref<128x128xf32, #tpu.memory_space<vmem>>
    %dma_wait3A_611 = arith.constant 0 : i32
    %dma_wait3A_612 = tpu.memref_slice %arg4[%multiple_of3A_50, %dma_wait3A_611] : memref<100000x128xf32, #tpu.memory_space<hbm>> -> memref<128x128xf32, #tpu.memory_space<hbm>>
    %dma_wait3A_613 = arith.constant 0 : i32
    %dma_wait3A_614 = tpu.memref_slice %arg4[%multiple_of3A_50, %dma_wait3A_613] : memref<100000x128xf32, #tpu.memory_space<hbm>> -> memref<128x128xf32, #tpu.memory_space<hbm>>
    %dma_wait3A_615 = arith.constant 0 : i32
    %dma_wait3A_616 = arith.constant 0 : i32
    %dma_wait3A_617 = tpu.memref_slice %arg6[%dma_wait3A_606, %dma_wait3A_615, %dma_wait3A_616] : memref<6x128x128xf32, #tpu.memory_space<vmem>> -> memref<1x128x128xf32, #tpu.memory_space<vmem>>
    %dma_wait3A_618 = tpu.memref_squeeze %dma_wait3A_617 : memref<1x128x128xf32, #tpu.memory_space<vmem>> -> memref<128x128xf32, #tpu.memory_space<vmem>>
    tpu.wait_dma2 semaphore(%arg9 : memref<!tpu.dma_semaphore, #tpu.memory_space<semaphore_mem>>) src(%dma_wait3A_618 : memref<128x128xf32, #tpu.memory_space<vmem>>) dst(%dma_wait3A_614 : memref<128x128xf32, #tpu.memory_space<hbm>>)
    %dma_start3A_619 = arith.constant 2 : i32
    %dma_start3A_620 = arith.constant 0 : i32
    %dma_start3A_621 = arith.constant 0 : i32
    %dma_start3A_622 = tpu.memref_slice %arg6[%dma_start3A_619, %dma_start3A_620, %dma_start3A_621] : memref<6x128x128xf32, #tpu.memory_space<vmem>> -> memref<1x128x128xf32, #tpu.memory_space<vmem>>
    %dma_start3A_623 = tpu.memref_squeeze %dma_start3A_622 : memref<1x128x128xf32, #tpu.memory_space<vmem>> -> memref<128x128xf32, #tpu.memory_space<vmem>>
    %dma_start3A_624 = tpu.memref_slice %arg5[%multiple_of3A_159] : memref<3200xi32, #tpu.memory_space<vmem>> -> memref<128xi32, #tpu.memory_space<vmem>>
    %dma_start3A_625 = arith.constant 0 : i32
    %dma_start3A_626 = arith.constant 0 : i32
    %dma_start3A_627 = tpu.memref_slice %arg7[%dma_start3A_625, %dma_start3A_626] : memref<256x128xf32, #tpu.memory_space<vmem_shared>> -> memref<256x128xf32, #tpu.memory_space<vmem_shared>>
    tpu.enqueue_indirect_dma source(%dma_start3A_627 : memref<256x128xf32, #tpu.memory_space<vmem_shared>>) target(%dma_start3A_623 : memref<128x128xf32, #tpu.memory_space<vmem>>) offsets(%dma_start3A_624 : memref<128xi32, #tpu.memory_space<vmem>>) semaphore(%arg8 : memref<!tpu.dma_semaphore, #tpu.memory_space<semaphore_mem>>)
    %dma_wait3A_628 = arith.constant 3 : i32
    %dma_wait3A_629 = arith.constant 0 : i32
    %dma_wait3A_630 = arith.constant 0 : i32
    %dma_wait3A_631 = tpu.memref_slice %arg6[%dma_wait3A_628, %dma_wait3A_629, %dma_wait3A_630] : memref<6x128x128xf32, #tpu.memory_space<vmem>> -> memref<1x128x128xf32, #tpu.memory_space<vmem>>
    %dma_wait3A_632 = tpu.memref_squeeze %dma_wait3A_631 : memref<1x128x128xf32, #tpu.memory_space<vmem>> -> memref<128x128xf32, #tpu.memory_space<vmem>>
    %dma_wait3A_633 = tpu.memref_slice %arg5[%multiple_of3A_149] : memref<3200xi32, #tpu.memory_space<vmem>> -> memref<128xi32, #tpu.memory_space<vmem>>
    %dma_wait3A_634 = arith.constant 0 : i32
    %dma_wait3A_635 = arith.constant 0 : i32
    %dma_wait3A_636 = tpu.memref_slice %arg7[%dma_wait3A_634, %dma_wait3A_635] : memref<256x128xf32, #tpu.memory_space<vmem_shared>> -> memref<256x128xf32, #tpu.memory_space<vmem_shared>>
    tpu.wait_indirect_dma semaphore(%arg8 : memref<!tpu.dma_semaphore, #tpu.memory_space<semaphore_mem>>) src(%dma_wait3A_636 : memref<256x128xf32, #tpu.memory_space<vmem_shared>>) dst(%dma_wait3A_632 : memref<128x128xf32, #tpu.memory_space<vmem>>)
    %dma_start3A_637 = arith.constant 3 : i32
    %dma_start3A_638 = arith.constant 0 : i32
    %dma_start3A_639 = arith.constant 0 : i32
    %dma_start3A_640 = tpu.memref_slice %arg6[%dma_start3A_637, %dma_start3A_638, %dma_start3A_639] : memref<6x128x128xf32, #tpu.memory_space<vmem>> -> memref<1x128x128xf32, #tpu.memory_space<vmem>>
    %dma_start3A_641 = tpu.memref_squeeze %dma_start3A_640 : memref<1x128x128xf32, #tpu.memory_space<vmem>> -> memref<128x128xf32, #tpu.memory_space<vmem>>
    %dma_start3A_642 = arith.constant 0 : i32
    %dma_start3A_643 = tpu.memref_slice %arg4[%multiple_of3A_55, %dma_start3A_642] : memref<100000x128xf32, #tpu.memory_space<hbm>> -> memref<128x128xf32, #tpu.memory_space<hbm>>
    %dma_start3A_644 = arith.constant 0 : i32
    %dma_start3A_645 = tpu.memref_slice %arg4[%multiple_of3A_55, %dma_start3A_644] : memref<100000x128xf32, #tpu.memory_space<hbm>> -> memref<128x128xf32, #tpu.memory_space<hbm>>
    %dma_start3A_646 = arith.constant 0 : i32
    %dma_start3A_647 = arith.constant 0 : i32
    %dma_start3A_648 = tpu.memref_slice %arg6[%dma_start3A_637, %dma_start3A_646, %dma_start3A_647] : memref<6x128x128xf32, #tpu.memory_space<vmem>> -> memref<1x128x128xf32, #tpu.memory_space<vmem>>
    %dma_start3A_649 = tpu.memref_squeeze %dma_start3A_648 : memref<1x128x128xf32, #tpu.memory_space<vmem>> -> memref<128x128xf32, #tpu.memory_space<vmem>>
    tpu.enqueue_dma source(%dma_start3A_649 : memref<128x128xf32, #tpu.memory_space<vmem>>) target(%dma_start3A_645 : memref<128x128xf32, #tpu.memory_space<hbm>>) target_semaphore(%arg9 : memref<!tpu.dma_semaphore, #tpu.memory_space<semaphore_mem>>)
    %dma_wait3A_650 = arith.constant 3 : i32
    %dma_wait3A_651 = arith.constant 0 : i32
    %dma_wait3A_652 = arith.constant 0 : i32
    %dma_wait3A_653 = tpu.memref_slice %arg6[%dma_wait3A_650, %dma_wait3A_651, %dma_wait3A_652] : memref<6x128x128xf32, #tpu.memory_space<vmem>> -> memref<1x128x128xf32, #tpu.memory_space<vmem>>
    %dma_wait3A_654 = tpu.memref_squeeze %dma_wait3A_653 : memref<1x128x128xf32, #tpu.memory_space<vmem>> -> memref<128x128xf32, #tpu.memory_space<vmem>>
    %dma_wait3A_655 = arith.constant 0 : i32
    %dma_wait3A_656 = tpu.memref_slice %arg4[%multiple_of3A_55, %dma_wait3A_655] : memref<100000x128xf32, #tpu.memory_space<hbm>> -> memref<128x128xf32, #tpu.memory_space<hbm>>
    %dma_wait3A_657 = arith.constant 0 : i32
    %dma_wait3A_658 = tpu.memref_slice %arg4[%multiple_of3A_55, %dma_wait3A_657] : memref<100000x128xf32, #tpu.memory_space<hbm>> -> memref<128x128xf32, #tpu.memory_space<hbm>>
    %dma_wait3A_659 = arith.constant 0 : i32
    %dma_wait3A_660 = arith.constant 0 : i32
    %dma_wait3A_661 = tpu.memref_slice %arg6[%dma_wait3A_650, %dma_wait3A_659, %dma_wait3A_660] : memref<6x128x128xf32, #tpu.memory_space<vmem>> -> memref<1x128x128xf32, #tpu.memory_space<vmem>>
    %dma_wait3A_662 = tpu.memref_squeeze %dma_wait3A_661 : memref<1x128x128xf32, #tpu.memory_space<vmem>> -> memref<128x128xf32, #tpu.memory_space<vmem>>
    tpu.wait_dma2 semaphore(%arg9 : memref<!tpu.dma_semaphore, #tpu.memory_space<semaphore_mem>>) src(%dma_wait3A_662 : memref<128x128xf32, #tpu.memory_space<vmem>>) dst(%dma_wait3A_658 : memref<128x128xf32, #tpu.memory_space<hbm>>)
    %dma_start3A_663 = arith.constant 3 : i32
    %dma_start3A_664 = arith.constant 0 : i32
    %dma_start3A_665 = arith.constant 0 : i32
    %dma_start3A_666 = tpu.memref_slice %arg6[%dma_start3A_663, %dma_start3A_664, %dma_start3A_665] : memref<6x128x128xf32, #tpu.memory_space<vmem>> -> memref<1x128x128xf32, #tpu.memory_space<vmem>>
    %dma_start3A_667 = tpu.memref_squeeze %dma_start3A_666 : memref<1x128x128xf32, #tpu.memory_space<vmem>> -> memref<128x128xf32, #tpu.memory_space<vmem>>
    %dma_start3A_668 = tpu.memref_slice %arg5[%multiple_of3A_161] : memref<3200xi32, #tpu.memory_space<vmem>> -> memref<128xi32, #tpu.memory_space<vmem>>
    %dma_start3A_669 = arith.constant 0 : i32
    %dma_start3A_670 = arith.constant 0 : i32
    %dma_start3A_671 = tpu.memref_slice %arg7[%dma_start3A_669, %dma_start3A_670] : memref<256x128xf32, #tpu.memory_space<vmem_shared>> -> memref<256x128xf32, #tpu.memory_space<vmem_shared>>
    tpu.enqueue_indirect_dma source(%dma_start3A_671 : memref<256x128xf32, #tpu.memory_space<vmem_shared>>) target(%dma_start3A_667 : memref<128x128xf32, #tpu.memory_space<vmem>>) offsets(%dma_start3A_668 : memref<128xi32, #tpu.memory_space<vmem>>) semaphore(%arg8 : memref<!tpu.dma_semaphore, #tpu.memory_space<semaphore_mem>>)
    %dma_wait3A_672 = arith.constant 4 : i32
    %dma_wait3A_673 = arith.constant 0 : i32
    %dma_wait3A_674 = arith.constant 0 : i32
    %dma_wait3A_675 = tpu.memref_slice %arg6[%dma_wait3A_672, %dma_wait3A_673, %dma_wait3A_674] : memref<6x128x128xf32, #tpu.memory_space<vmem>> -> memref<1x128x128xf32, #tpu.memory_space<vmem>>
    %dma_wait3A_676 = tpu.memref_squeeze %dma_wait3A_675 : memref<1x128x128xf32, #tpu.memory_space<vmem>> -> memref<128x128xf32, #tpu.memory_space<vmem>>
    %dma_wait3A_677 = tpu.memref_slice %arg5[%multiple_of3A_151] : memref<3200xi32, #tpu.memory_space<vmem>> -> memref<128xi32, #tpu.memory_space<vmem>>
    %dma_wait3A_678 = arith.constant 0 : i32
    %dma_wait3A_679 = arith.constant 0 : i32
    %dma_wait3A_680 = tpu.memref_slice %arg7[%dma_wait3A_678, %dma_wait3A_679] : memref<256x128xf32, #tpu.memory_space<vmem_shared>> -> memref<256x128xf32, #tpu.memory_space<vmem_shared>>
    tpu.wait_indirect_dma semaphore(%arg8 : memref<!tpu.dma_semaphore, #tpu.memory_space<semaphore_mem>>) src(%dma_wait3A_680 : memref<256x128xf32, #tpu.memory_space<vmem_shared>>) dst(%dma_wait3A_676 : memref<128x128xf32, #tpu.memory_space<vmem>>)
    %dma_start3A_681 = arith.constant 4 : i32
    %dma_start3A_682 = arith.constant 0 : i32
    %dma_start3A_683 = arith.constant 0 : i32
    %dma_start3A_684 = tpu.memref_slice %arg6[%dma_start3A_681, %dma_start3A_682, %dma_start3A_683] : memref<6x128x128xf32, #tpu.memory_space<vmem>> -> memref<1x128x128xf32, #tpu.memory_space<vmem>>
    %dma_start3A_685 = tpu.memref_squeeze %dma_start3A_684 : memref<1x128x128xf32, #tpu.memory_space<vmem>> -> memref<128x128xf32, #tpu.memory_space<vmem>>
    %dma_start3A_686 = arith.constant 0 : i32
    %dma_start3A_687 = tpu.memref_slice %arg4[%multiple_of3A_60, %dma_start3A_686] : memref<100000x128xf32, #tpu.memory_space<hbm>> -> memref<128x128xf32, #tpu.memory_space<hbm>>
    %dma_start3A_688 = arith.constant 0 : i32
    %dma_start3A_689 = tpu.memref_slice %arg4[%multiple_of3A_60, %dma_start3A_688] : memref<100000x128xf32, #tpu.memory_space<hbm>> -> memref<128x128xf32, #tpu.memory_space<hbm>>
    %dma_start3A_690 = arith.constant 0 : i32
    %dma_start3A_691 = arith.constant 0 : i32
    %dma_start3A_692 = tpu.memref_slice %arg6[%dma_start3A_681, %dma_start3A_690, %dma_start3A_691] : memref<6x128x128xf32, #tpu.memory_space<vmem>> -> memref<1x128x128xf32, #tpu.memory_space<vmem>>
    %dma_start3A_693 = tpu.memref_squeeze %dma_start3A_692 : memref<1x128x128xf32, #tpu.memory_space<vmem>> -> memref<128x128xf32, #tpu.memory_space<vmem>>
    tpu.enqueue_dma source(%dma_start3A_693 : memref<128x128xf32, #tpu.memory_space<vmem>>) target(%dma_start3A_689 : memref<128x128xf32, #tpu.memory_space<hbm>>) target_semaphore(%arg9 : memref<!tpu.dma_semaphore, #tpu.memory_space<semaphore_mem>>)
    %dma_wait3A_694 = arith.constant 4 : i32
    %dma_wait3A_695 = arith.constant 0 : i32
    %dma_wait3A_696 = arith.constant 0 : i32
    %dma_wait3A_697 = tpu.memref_slice %arg6[%dma_wait3A_694, %dma_wait3A_695, %dma_wait3A_696] : memref<6x128x128xf32, #tpu.memory_space<vmem>> -> memref<1x128x128xf32, #tpu.memory_space<vmem>>
    %dma_wait3A_698 = tpu.memref_squeeze %dma_wait3A_697 : memref<1x128x128xf32, #tpu.memory_space<vmem>> -> memref<128x128xf32, #tpu.memory_space<vmem>>
    %dma_wait3A_699 = arith.constant 0 : i32
    %dma_wait3A_700 = tpu.memref_slice %arg4[%multiple_of3A_60, %dma_wait3A_699] : memref<100000x128xf32, #tpu.memory_space<hbm>> -> memref<128x128xf32, #tpu.memory_space<hbm>>
    %dma_wait3A_701 = arith.constant 0 : i32
    %dma_wait3A_702 = tpu.memref_slice %arg4[%multiple_of3A_60, %dma_wait3A_701] : memref<100000x128xf32, #tpu.memory_space<hbm>> -> memref<128x128xf32, #tpu.memory_space<hbm>>
    %dma_wait3A_703 = arith.constant 0 : i32
    %dma_wait3A_704 = arith.constant 0 : i32
    %dma_wait3A_705 = tpu.memref_slice %arg6[%dma_wait3A_694, %dma_wait3A_703, %dma_wait3A_704] : memref<6x128x128xf32, #tpu.memory_space<vmem>> -> memref<1x128x128xf32, #tpu.memory_space<vmem>>
    %dma_wait3A_706 = tpu.memref_squeeze %dma_wait3A_705 : memref<1x128x128xf32, #tpu.memory_space<vmem>> -> memref<128x128xf32, #tpu.memory_space<vmem>>
    tpu.wait_dma2 semaphore(%arg9 : memref<!tpu.dma_semaphore, #tpu.memory_space<semaphore_mem>>) src(%dma_wait3A_706 : memref<128x128xf32, #tpu.memory_space<vmem>>) dst(%dma_wait3A_702 : memref<128x128xf32, #tpu.memory_space<hbm>>)
    %dma_start3A_707 = arith.constant 4 : i32
    %dma_start3A_708 = arith.constant 0 : i32
    %dma_start3A_709 = arith.constant 0 : i32
    %dma_start3A_710 = tpu.memref_slice %arg6[%dma_start3A_707, %dma_start3A_708, %dma_start3A_709] : memref<6x128x128xf32, #tpu.memory_space<vmem>> -> memref<1x128x128xf32, #tpu.memory_space<vmem>>
    %dma_start3A_711 = tpu.memref_squeeze %dma_start3A_710 : memref<1x128x128xf32, #tpu.memory_space<vmem>> -> memref<128x128xf32, #tpu.memory_space<vmem>>
    %dma_start3A_712 = tpu.memref_slice %arg5[%multiple_of3A_163] : memref<3200xi32, #tpu.memory_space<vmem>> -> memref<128xi32, #tpu.memory_space<vmem>>
    %dma_start3A_713 = arith.constant 0 : i32
    %dma_start3A_714 = arith.constant 0 : i32
    %dma_start3A_715 = tpu.memref_slice %arg7[%dma_start3A_713, %dma_start3A_714] : memref<256x128xf32, #tpu.memory_space<vmem_shared>> -> memref<256x128xf32, #tpu.memory_space<vmem_shared>>
    tpu.enqueue_indirect_dma source(%dma_start3A_715 : memref<256x128xf32, #tpu.memory_space<vmem_shared>>) target(%dma_start3A_711 : memref<128x128xf32, #tpu.memory_space<vmem>>) offsets(%dma_start3A_712 : memref<128xi32, #tpu.memory_space<vmem>>) semaphore(%arg8 : memref<!tpu.dma_semaphore, #tpu.memory_space<semaphore_mem>>)
    %dma_wait3A_716 = arith.constant 5 : i32
    %dma_wait3A_717 = arith.constant 0 : i32
    %dma_wait3A_718 = arith.constant 0 : i32
    %dma_wait3A_719 = tpu.memref_slice %arg6[%dma_wait3A_716, %dma_wait3A_717, %dma_wait3A_718] : memref<6x128x128xf32, #tpu.memory_space<vmem>> -> memref<1x128x128xf32, #tpu.memory_space<vmem>>
    %dma_wait3A_720 = tpu.memref_squeeze %dma_wait3A_719 : memref<1x128x128xf32, #tpu.memory_space<vmem>> -> memref<128x128xf32, #tpu.memory_space<vmem>>
    %dma_wait3A_721 = tpu.memref_slice %arg5[%multiple_of3A_153] : memref<3200xi32, #tpu.memory_space<vmem>> -> memref<128xi32, #tpu.memory_space<vmem>>
    %dma_wait3A_722 = arith.constant 0 : i32
    %dma_wait3A_723 = arith.constant 0 : i32
    %dma_wait3A_724 = tpu.memref_slice %arg7[%dma_wait3A_722, %dma_wait3A_723] : memref<256x128xf32, #tpu.memory_space<vmem_shared>> -> memref<256x128xf32, #tpu.memory_space<vmem_shared>>
    tpu.wait_indirect_dma semaphore(%arg8 : memref<!tpu.dma_semaphore, #tpu.memory_space<semaphore_mem>>) src(%dma_wait3A_724 : memref<256x128xf32, #tpu.memory_space<vmem_shared>>) dst(%dma_wait3A_720 : memref<128x128xf32, #tpu.memory_space<vmem>>)
    %dma_start3A_725 = arith.constant 5 : i32
    %dma_start3A_726 = arith.constant 0 : i32
    %dma_start3A_727 = arith.constant 0 : i32
    %dma_start3A_728 = tpu.memref_slice %arg6[%dma_start3A_725, %dma_start3A_726, %dma_start3A_727] : memref<6x128x128xf32, #tpu.memory_space<vmem>> -> memref<1x128x128xf32, #tpu.memory_space<vmem>>
    %dma_start3A_729 = tpu.memref_squeeze %dma_start3A_728 : memref<1x128x128xf32, #tpu.memory_space<vmem>> -> memref<128x128xf32, #tpu.memory_space<vmem>>
    %dma_start3A_730 = arith.constant 0 : i32
    %dma_start3A_731 = tpu.memref_slice %arg4[%multiple_of3A_65, %dma_start3A_730] : memref<100000x128xf32, #tpu.memory_space<hbm>> -> memref<128x128xf32, #tpu.memory_space<hbm>>
    %dma_start3A_732 = arith.constant 0 : i32
    %dma_start3A_733 = tpu.memref_slice %arg4[%multiple_of3A_65, %dma_start3A_732] : memref<100000x128xf32, #tpu.memory_space<hbm>> -> memref<128x128xf32, #tpu.memory_space<hbm>>
    %dma_start3A_734 = arith.constant 0 : i32
    %dma_start3A_735 = arith.constant 0 : i32
    %dma_start3A_736 = tpu.memref_slice %arg6[%dma_start3A_725, %dma_start3A_734, %dma_start3A_735] : memref<6x128x128xf32, #tpu.memory_space<vmem>> -> memref<1x128x128xf32, #tpu.memory_space<vmem>>
    %dma_start3A_737 = tpu.memref_squeeze %dma_start3A_736 : memref<1x128x128xf32, #tpu.memory_space<vmem>> -> memref<128x128xf32, #tpu.memory_space<vmem>>
    tpu.enqueue_dma source(%dma_start3A_737 : memref<128x128xf32, #tpu.memory_space<vmem>>) target(%dma_start3A_733 : memref<128x128xf32, #tpu.memory_space<hbm>>) target_semaphore(%arg9 : memref<!tpu.dma_semaphore, #tpu.memory_space<semaphore_mem>>)
    %dma_wait3A_738 = arith.constant 5 : i32
    %dma_wait3A_739 = arith.constant 0 : i32
    %dma_wait3A_740 = arith.constant 0 : i32
    %dma_wait3A_741 = tpu.memref_slice %arg6[%dma_wait3A_738, %dma_wait3A_739, %dma_wait3A_740] : memref<6x128x128xf32, #tpu.memory_space<vmem>> -> memref<1x128x128xf32, #tpu.memory_space<vmem>>
    %dma_wait3A_742 = tpu.memref_squeeze %dma_wait3A_741 : memref<1x128x128xf32, #tpu.memory_space<vmem>> -> memref<128x128xf32, #tpu.memory_space<vmem>>
    %dma_wait3A_743 = arith.constant 0 : i32
    %dma_wait3A_744 = tpu.memref_slice %arg4[%multiple_of3A_65, %dma_wait3A_743] : memref<100000x128xf32, #tpu.memory_space<hbm>> -> memref<128x128xf32, #tpu.memory_space<hbm>>
    %dma_wait3A_745 = arith.constant 0 : i32
    %dma_wait3A_746 = tpu.memref_slice %arg4[%multiple_of3A_65, %dma_wait3A_745] : memref<100000x128xf32, #tpu.memory_space<hbm>> -> memref<128x128xf32, #tpu.memory_space<hbm>>
    %dma_wait3A_747 = arith.constant 0 : i32
    %dma_wait3A_748 = arith.constant 0 : i32
    %dma_wait3A_749 = tpu.memref_slice %arg6[%dma_wait3A_738, %dma_wait3A_747, %dma_wait3A_748] : memref<6x128x128xf32, #tpu.memory_space<vmem>> -> memref<1x128x128xf32, #tpu.memory_space<vmem>>
    %dma_wait3A_750 = tpu.memref_squeeze %dma_wait3A_749 : memref<1x128x128xf32, #tpu.memory_space<vmem>> -> memref<128x128xf32, #tpu.memory_space<vmem>>
    tpu.wait_dma2 semaphore(%arg9 : memref<!tpu.dma_semaphore, #tpu.memory_space<semaphore_mem>>) src(%dma_wait3A_750 : memref<128x128xf32, #tpu.memory_space<vmem>>) dst(%dma_wait3A_746 : memref<128x128xf32, #tpu.memory_space<hbm>>)
    %dma_start3A_751 = arith.constant 5 : i32
    %dma_start3A_752 = arith.constant 0 : i32
    %dma_start3A_753 = arith.constant 0 : i32
    %dma_start3A_754 = tpu.memref_slice %arg6[%dma_start3A_751, %dma_start3A_752, %dma_start3A_753] : memref<6x128x128xf32, #tpu.memory_space<vmem>> -> memref<1x128x128xf32, #tpu.memory_space<vmem>>
    %dma_start3A_755 = tpu.memref_squeeze %dma_start3A_754 : memref<1x128x128xf32, #tpu.memory_space<vmem>> -> memref<128x128xf32, #tpu.memory_space<vmem>>
    %dma_start3A_756 = tpu.memref_slice %arg5[%multiple_of3A_165] : memref<3200xi32, #tpu.memory_space<vmem>> -> memref<128xi32, #tpu.memory_space<vmem>>
    %dma_start3A_757 = arith.constant 0 : i32
    %dma_start3A_758 = arith.constant 0 : i32
    %dma_start3A_759 = tpu.memref_slice %arg7[%dma_start3A_757, %dma_start3A_758] : memref<256x128xf32, #tpu.memory_space<vmem_shared>> -> memref<256x128xf32, #tpu.memory_space<vmem_shared>>
    tpu.enqueue_indirect_dma source(%dma_start3A_759 : memref<256x128xf32, #tpu.memory_space<vmem_shared>>) target(%dma_start3A_755 : memref<128x128xf32, #tpu.memory_space<vmem>>) offsets(%dma_start3A_756 : memref<128xi32, #tpu.memory_space<vmem>>) semaphore(%arg8 : memref<!tpu.dma_semaphore, #tpu.memory_space<semaphore_mem>>)
    %dma_wait3A_760 = arith.constant 0 : i32
    %dma_wait3A_761 = arith.constant 0 : i32
    %dma_wait3A_762 = arith.constant 0 : i32
    %dma_wait3A_763 = tpu.memref_slice %arg6[%dma_wait3A_760, %dma_wait3A_761, %dma_wait3A_762] : memref<6x128x128xf32, #tpu.memory_space<vmem>> -> memref<1x128x128xf32, #tpu.memory_space<vmem>>
    %dma_wait3A_764 = tpu.memref_squeeze %dma_wait3A_763 : memref<1x128x128xf32, #tpu.memory_space<vmem>> -> memref<128x128xf32, #tpu.memory_space<vmem>>
    %dma_wait3A_765 = tpu.memref_slice %arg5[%multiple_of3A_155] : memref<3200xi32, #tpu.memory_space<vmem>> -> memref<128xi32, #tpu.memory_space<vmem>>
    %dma_wait3A_766 = arith.constant 0 : i32
    %dma_wait3A_767 = arith.constant 0 : i32
    %dma_wait3A_768 = tpu.memref_slice %arg7[%dma_wait3A_766, %dma_wait3A_767] : memref<256x128xf32, #tpu.memory_space<vmem_shared>> -> memref<256x128xf32, #tpu.memory_space<vmem_shared>>
    tpu.wait_indirect_dma semaphore(%arg8 : memref<!tpu.dma_semaphore, #tpu.memory_space<semaphore_mem>>) src(%dma_wait3A_768 : memref<256x128xf32, #tpu.memory_space<vmem_shared>>) dst(%dma_wait3A_764 : memref<128x128xf32, #tpu.memory_space<vmem>>)
    %dma_start3A_769 = arith.constant 0 : i32
    %dma_start3A_770 = arith.constant 0 : i32
    %dma_start3A_771 = arith.constant 0 : i32
    %dma_start3A_772 = tpu.memref_slice %arg6[%dma_start3A_769, %dma_start3A_770, %dma_start3A_771] : memref<6x128x128xf32, #tpu.memory_space<vmem>> -> memref<1x128x128xf32, #tpu.memory_space<vmem>>
    %dma_start3A_773 = tpu.memref_squeeze %dma_start3A_772 : memref<1x128x128xf32, #tpu.memory_space<vmem>> -> memref<128x128xf32, #tpu.memory_space<vmem>>
    %dma_start3A_774 = arith.constant 0 : i32
    %dma_start3A_775 = tpu.memref_slice %arg4[%multiple_of3A_70, %dma_start3A_774] : memref<100000x128xf32, #tpu.memory_space<hbm>> -> memref<128x128xf32, #tpu.memory_space<hbm>>
    %dma_start3A_776 = arith.constant 0 : i32
    %dma_start3A_777 = tpu.memref_slice %arg4[%multiple_of3A_70, %dma_start3A_776] : memref<100000x128xf32, #tpu.memory_space<hbm>> -> memref<128x128xf32, #tpu.memory_space<hbm>>
    %dma_start3A_778 = arith.constant 0 : i32
    %dma_start3A_779 = arith.constant 0 : i32
    %dma_start3A_780 = tpu.memref_slice %arg6[%dma_start3A_769, %dma_start3A_778, %dma_start3A_779] : memref<6x128x128xf32, #tpu.memory_space<vmem>> -> memref<1x128x128xf32, #tpu.memory_space<vmem>>
    %dma_start3A_781 = tpu.memref_squeeze %dma_start3A_780 : memref<1x128x128xf32, #tpu.memory_space<vmem>> -> memref<128x128xf32, #tpu.memory_space<vmem>>
    tpu.enqueue_dma source(%dma_start3A_781 : memref<128x128xf32, #tpu.memory_space<vmem>>) target(%dma_start3A_777 : memref<128x128xf32, #tpu.memory_space<hbm>>) target_semaphore(%arg9 : memref<!tpu.dma_semaphore, #tpu.memory_space<semaphore_mem>>)
    %dma_wait3A_782 = arith.constant 0 : i32
    %dma_wait3A_783 = arith.constant 0 : i32
    %dma_wait3A_784 = arith.constant 0 : i32
    %dma_wait3A_785 = tpu.memref_slice %arg6[%dma_wait3A_782, %dma_wait3A_783, %dma_wait3A_784] : memref<6x128x128xf32, #tpu.memory_space<vmem>> -> memref<1x128x128xf32, #tpu.memory_space<vmem>>
    %dma_wait3A_786 = tpu.memref_squeeze %dma_wait3A_785 : memref<1x128x128xf32, #tpu.memory_space<vmem>> -> memref<128x128xf32, #tpu.memory_space<vmem>>
    %dma_wait3A_787 = arith.constant 0 : i32
    %dma_wait3A_788 = tpu.memref_slice %arg4[%multiple_of3A_70, %dma_wait3A_787] : memref<100000x128xf32, #tpu.memory_space<hbm>> -> memref<128x128xf32, #tpu.memory_space<hbm>>
    %dma_wait3A_789 = arith.constant 0 : i32
    %dma_wait3A_790 = tpu.memref_slice %arg4[%multiple_of3A_70, %dma_wait3A_789] : memref<100000x128xf32, #tpu.memory_space<hbm>> -> memref<128x128xf32, #tpu.memory_space<hbm>>
    %dma_wait3A_791 = arith.constant 0 : i32
    %dma_wait3A_792 = arith.constant 0 : i32
    %dma_wait3A_793 = tpu.memref_slice %arg6[%dma_wait3A_782, %dma_wait3A_791, %dma_wait3A_792] : memref<6x128x128xf32, #tpu.memory_space<vmem>> -> memref<1x128x128xf32, #tpu.memory_space<vmem>>
    %dma_wait3A_794 = tpu.memref_squeeze %dma_wait3A_793 : memref<1x128x128xf32, #tpu.memory_space<vmem>> -> memref<128x128xf32, #tpu.memory_space<vmem>>
    tpu.wait_dma2 semaphore(%arg9 : memref<!tpu.dma_semaphore, #tpu.memory_space<semaphore_mem>>) src(%dma_wait3A_794 : memref<128x128xf32, #tpu.memory_space<vmem>>) dst(%dma_wait3A_790 : memref<128x128xf32, #tpu.memory_space<hbm>>)
    %dma_start3A_795 = arith.constant 0 : i32
    %dma_start3A_796 = arith.constant 0 : i32
    %dma_start3A_797 = arith.constant 0 : i32
    %dma_start3A_798 = tpu.memref_slice %arg6[%dma_start3A_795, %dma_start3A_796, %dma_start3A_797] : memref<6x128x128xf32, #tpu.memory_space<vmem>> -> memref<1x128x128xf32, #tpu.memory_space<vmem>>
    %dma_start3A_799 = tpu.memref_squeeze %dma_start3A_798 : memref<1x128x128xf32, #tpu.memory_space<vmem>> -> memref<128x128xf32, #tpu.memory_space<vmem>>
    %dma_start3A_800 = tpu.memref_slice %arg5[%multiple_of3A_167] : memref<3200xi32, #tpu.memory_space<vmem>> -> memref<128xi32, #tpu.memory_space<vmem>>
    %dma_start3A_801 = arith.constant 0 : i32
    %dma_start3A_802 = arith.constant 0 : i32
    %dma_start3A_803 = tpu.memref_slice %arg7[%dma_start3A_801, %dma_start3A_802] : memref<256x128xf32, #tpu.memory_space<vmem_shared>> -> memref<256x128xf32, #tpu.memory_space<vmem_shared>>
    tpu.enqueue_indirect_dma source(%dma_start3A_803 : memref<256x128xf32, #tpu.memory_space<vmem_shared>>) target(%dma_start3A_799 : memref<128x128xf32, #tpu.memory_space<vmem>>) offsets(%dma_start3A_800 : memref<128xi32, #tpu.memory_space<vmem>>) semaphore(%arg8 : memref<!tpu.dma_semaphore, #tpu.memory_space<semaphore_mem>>)
    %dma_wait3A_804 = arith.constant 1 : i32
    %dma_wait3A_805 = arith.constant 0 : i32
    %dma_wait3A_806 = arith.constant 0 : i32
    %dma_wait3A_807 = tpu.memref_slice %arg6[%dma_wait3A_804, %dma_wait3A_805, %dma_wait3A_806] : memref<6x128x128xf32, #tpu.memory_space<vmem>> -> memref<1x128x128xf32, #tpu.memory_space<vmem>>
    %dma_wait3A_808 = tpu.memref_squeeze %dma_wait3A_807 : memref<1x128x128xf32, #tpu.memory_space<vmem>> -> memref<128x128xf32, #tpu.memory_space<vmem>>
    %dma_wait3A_809 = tpu.memref_slice %arg5[%multiple_of3A_157] : memref<3200xi32, #tpu.memory_space<vmem>> -> memref<128xi32, #tpu.memory_space<vmem>>
    %dma_wait3A_810 = arith.constant 0 : i32
    %dma_wait3A_811 = arith.constant 0 : i32
    %dma_wait3A_812 = tpu.memref_slice %arg7[%dma_wait3A_810, %dma_wait3A_811] : memref<256x128xf32, #tpu.memory_space<vmem_shared>> -> memref<256x128xf32, #tpu.memory_space<vmem_shared>>
    tpu.wait_indirect_dma semaphore(%arg8 : memref<!tpu.dma_semaphore, #tpu.memory_space<semaphore_mem>>) src(%dma_wait3A_812 : memref<256x128xf32, #tpu.memory_space<vmem_shared>>) dst(%dma_wait3A_808 : memref<128x128xf32, #tpu.memory_space<vmem>>)
    %dma_start3A_813 = arith.constant 1 : i32
    %dma_start3A_814 = arith.constant 0 : i32
    %dma_start3A_815 = arith.constant 0 : i32
    %dma_start3A_816 = tpu.memref_slice %arg6[%dma_start3A_813, %dma_start3A_814, %dma_start3A_815] : memref<6x128x128xf32, #tpu.memory_space<vmem>> -> memref<1x128x128xf32, #tpu.memory_space<vmem>>
    %dma_start3A_817 = tpu.memref_squeeze %dma_start3A_816 : memref<1x128x128xf32, #tpu.memory_space<vmem>> -> memref<128x128xf32, #tpu.memory_space<vmem>>
    %dma_start3A_818 = arith.constant 0 : i32
    %dma_start3A_819 = tpu.memref_slice %arg4[%multiple_of3A_75, %dma_start3A_818] : memref<100000x128xf32, #tpu.memory_space<hbm>> -> memref<128x128xf32, #tpu.memory_space<hbm>>
    %dma_start3A_820 = arith.constant 0 : i32
    %dma_start3A_821 = tpu.memref_slice %arg4[%multiple_of3A_75, %dma_start3A_820] : memref<100000x128xf32, #tpu.memory_space<hbm>> -> memref<128x128xf32, #tpu.memory_space<hbm>>
    %dma_start3A_822 = arith.constant 0 : i32
    %dma_start3A_823 = arith.constant 0 : i32
    %dma_start3A_824 = tpu.memref_slice %arg6[%dma_start3A_813, %dma_start3A_822, %dma_start3A_823] : memref<6x128x128xf32, #tpu.memory_space<vmem>> -> memref<1x128x128xf32, #tpu.memory_space<vmem>>
    %dma_start3A_825 = tpu.memref_squeeze %dma_start3A_824 : memref<1x128x128xf32, #tpu.memory_space<vmem>> -> memref<128x128xf32, #tpu.memory_space<vmem>>
    tpu.enqueue_dma source(%dma_start3A_825 : memref<128x128xf32, #tpu.memory_space<vmem>>) target(%dma_start3A_821 : memref<128x128xf32, #tpu.memory_space<hbm>>) target_semaphore(%arg9 : memref<!tpu.dma_semaphore, #tpu.memory_space<semaphore_mem>>)
    %dma_wait3A_826 = arith.constant 1 : i32
    %dma_wait3A_827 = arith.constant 0 : i32
    %dma_wait3A_828 = arith.constant 0 : i32
    %dma_wait3A_829 = tpu.memref_slice %arg6[%dma_wait3A_826, %dma_wait3A_827, %dma_wait3A_828] : memref<6x128x128xf32, #tpu.memory_space<vmem>> -> memref<1x128x128xf32, #tpu.memory_space<vmem>>
    %dma_wait3A_830 = tpu.memref_squeeze %dma_wait3A_829 : memref<1x128x128xf32, #tpu.memory_space<vmem>> -> memref<128x128xf32, #tpu.memory_space<vmem>>
    %dma_wait3A_831 = arith.constant 0 : i32
    %dma_wait3A_832 = tpu.memref_slice %arg4[%multiple_of3A_75, %dma_wait3A_831] : memref<100000x128xf32, #tpu.memory_space<hbm>> -> memref<128x128xf32, #tpu.memory_space<hbm>>
    %dma_wait3A_833 = arith.constant 0 : i32
    %dma_wait3A_834 = tpu.memref_slice %arg4[%multiple_of3A_75, %dma_wait3A_833] : memref<100000x128xf32, #tpu.memory_space<hbm>> -> memref<128x128xf32, #tpu.memory_space<hbm>>
    %dma_wait3A_835 = arith.constant 0 : i32
    %dma_wait3A_836 = arith.constant 0 : i32
    %dma_wait3A_837 = tpu.memref_slice %arg6[%dma_wait3A_826, %dma_wait3A_835, %dma_wait3A_836] : memref<6x128x128xf32, #tpu.memory_space<vmem>> -> memref<1x128x128xf32, #tpu.memory_space<vmem>>
    %dma_wait3A_838 = tpu.memref_squeeze %dma_wait3A_837 : memref<1x128x128xf32, #tpu.memory_space<vmem>> -> memref<128x128xf32, #tpu.memory_space<vmem>>
    tpu.wait_dma2 semaphore(%arg9 : memref<!tpu.dma_semaphore, #tpu.memory_space<semaphore_mem>>) src(%dma_wait3A_838 : memref<128x128xf32, #tpu.memory_space<vmem>>) dst(%dma_wait3A_834 : memref<128x128xf32, #tpu.memory_space<hbm>>)
    %dma_start3A_839 = arith.constant 1 : i32
    %dma_start3A_840 = arith.constant 0 : i32
    %dma_start3A_841 = arith.constant 0 : i32
    %dma_start3A_842 = tpu.memref_slice %arg6[%dma_start3A_839, %dma_start3A_840, %dma_start3A_841] : memref<6x128x128xf32, #tpu.memory_space<vmem>> -> memref<1x128x128xf32, #tpu.memory_space<vmem>>
    %dma_start3A_843 = tpu.memref_squeeze %dma_start3A_842 : memref<1x128x128xf32, #tpu.memory_space<vmem>> -> memref<128x128xf32, #tpu.memory_space<vmem>>
    %dma_start3A_844 = tpu.memref_slice %arg5[%multiple_of3A_169] : memref<3200xi32, #tpu.memory_space<vmem>> -> memref<128xi32, #tpu.memory_space<vmem>>
    %dma_start3A_845 = arith.constant 0 : i32
    %dma_start3A_846 = arith.constant 0 : i32
    %dma_start3A_847 = tpu.memref_slice %arg7[%dma_start3A_845, %dma_start3A_846] : memref<256x128xf32, #tpu.memory_space<vmem_shared>> -> memref<256x128xf32, #tpu.memory_space<vmem_shared>>
    tpu.enqueue_indirect_dma source(%dma_start3A_847 : memref<256x128xf32, #tpu.memory_space<vmem_shared>>) target(%dma_start3A_843 : memref<128x128xf32, #tpu.memory_space<vmem>>) offsets(%dma_start3A_844 : memref<128xi32, #tpu.memory_space<vmem>>) semaphore(%arg8 : memref<!tpu.dma_semaphore, #tpu.memory_space<semaphore_mem>>)
    %dma_wait3A_848 = arith.constant 2 : i32
    %dma_wait3A_849 = arith.constant 0 : i32
    %dma_wait3A_850 = arith.constant 0 : i32
    %dma_wait3A_851 = tpu.memref_slice %arg6[%dma_wait3A_848, %dma_wait3A_849, %dma_wait3A_850] : memref<6x128x128xf32, #tpu.memory_space<vmem>> -> memref<1x128x128xf32, #tpu.memory_space<vmem>>
    %dma_wait3A_852 = tpu.memref_squeeze %dma_wait3A_851 : memref<1x128x128xf32, #tpu.memory_space<vmem>> -> memref<128x128xf32, #tpu.memory_space<vmem>>
    %dma_wait3A_853 = tpu.memref_slice %arg5[%multiple_of3A_159] : memref<3200xi32, #tpu.memory_space<vmem>> -> memref<128xi32, #tpu.memory_space<vmem>>
    %dma_wait3A_854 = arith.constant 0 : i32
    %dma_wait3A_855 = arith.constant 0 : i32
    %dma_wait3A_856 = tpu.memref_slice %arg7[%dma_wait3A_854, %dma_wait3A_855] : memref<256x128xf32, #tpu.memory_space<vmem_shared>> -> memref<256x128xf32, #tpu.memory_space<vmem_shared>>
    tpu.wait_indirect_dma semaphore(%arg8 : memref<!tpu.dma_semaphore, #tpu.memory_space<semaphore_mem>>) src(%dma_wait3A_856 : memref<256x128xf32, #tpu.memory_space<vmem_shared>>) dst(%dma_wait3A_852 : memref<128x128xf32, #tpu.memory_space<vmem>>)
    %dma_start3A_857 = arith.constant 2 : i32
    %dma_start3A_858 = arith.constant 0 : i32
    %dma_start3A_859 = arith.constant 0 : i32
    %dma_start3A_860 = tpu.memref_slice %arg6[%dma_start3A_857, %dma_start3A_858, %dma_start3A_859] : memref<6x128x128xf32, #tpu.memory_space<vmem>> -> memref<1x128x128xf32, #tpu.memory_space<vmem>>
    %dma_start3A_861 = tpu.memref_squeeze %dma_start3A_860 : memref<1x128x128xf32, #tpu.memory_space<vmem>> -> memref<128x128xf32, #tpu.memory_space<vmem>>
    %dma_start3A_862 = arith.constant 0 : i32
    %dma_start3A_863 = tpu.memref_slice %arg4[%multiple_of3A_80, %dma_start3A_862] : memref<100000x128xf32, #tpu.memory_space<hbm>> -> memref<128x128xf32, #tpu.memory_space<hbm>>
    %dma_start3A_864 = arith.constant 0 : i32
    %dma_start3A_865 = tpu.memref_slice %arg4[%multiple_of3A_80, %dma_start3A_864] : memref<100000x128xf32, #tpu.memory_space<hbm>> -> memref<128x128xf32, #tpu.memory_space<hbm>>
    %dma_start3A_866 = arith.constant 0 : i32
    %dma_start3A_867 = arith.constant 0 : i32
    %dma_start3A_868 = tpu.memref_slice %arg6[%dma_start3A_857, %dma_start3A_866, %dma_start3A_867] : memref<6x128x128xf32, #tpu.memory_space<vmem>> -> memref<1x128x128xf32, #tpu.memory_space<vmem>>
    %dma_start3A_869 = tpu.memref_squeeze %dma_start3A_868 : memref<1x128x128xf32, #tpu.memory_space<vmem>> -> memref<128x128xf32, #tpu.memory_space<vmem>>
    tpu.enqueue_dma source(%dma_start3A_869 : memref<128x128xf32, #tpu.memory_space<vmem>>) target(%dma_start3A_865 : memref<128x128xf32, #tpu.memory_space<hbm>>) target_semaphore(%arg9 : memref<!tpu.dma_semaphore, #tpu.memory_space<semaphore_mem>>)
    %dma_wait3A_870 = arith.constant 2 : i32
    %dma_wait3A_871 = arith.constant 0 : i32
    %dma_wait3A_872 = arith.constant 0 : i32
    %dma_wait3A_873 = tpu.memref_slice %arg6[%dma_wait3A_870, %dma_wait3A_871, %dma_wait3A_872] : memref<6x128x128xf32, #tpu.memory_space<vmem>> -> memref<1x128x128xf32, #tpu.memory_space<vmem>>
    %dma_wait3A_874 = tpu.memref_squeeze %dma_wait3A_873 : memref<1x128x128xf32, #tpu.memory_space<vmem>> -> memref<128x128xf32, #tpu.memory_space<vmem>>
    %dma_wait3A_875 = arith.constant 0 : i32
    %dma_wait3A_876 = tpu.memref_slice %arg4[%multiple_of3A_80, %dma_wait3A_875] : memref<100000x128xf32, #tpu.memory_space<hbm>> -> memref<128x128xf32, #tpu.memory_space<hbm>>
    %dma_wait3A_877 = arith.constant 0 : i32
    %dma_wait3A_878 = tpu.memref_slice %arg4[%multiple_of3A_80, %dma_wait3A_877] : memref<100000x128xf32, #tpu.memory_space<hbm>> -> memref<128x128xf32, #tpu.memory_space<hbm>>
    %dma_wait3A_879 = arith.constant 0 : i32
    %dma_wait3A_880 = arith.constant 0 : i32
    %dma_wait3A_881 = tpu.memref_slice %arg6[%dma_wait3A_870, %dma_wait3A_879, %dma_wait3A_880] : memref<6x128x128xf32, #tpu.memory_space<vmem>> -> memref<1x128x128xf32, #tpu.memory_space<vmem>>
    %dma_wait3A_882 = tpu.memref_squeeze %dma_wait3A_881 : memref<1x128x128xf32, #tpu.memory_space<vmem>> -> memref<128x128xf32, #tpu.memory_space<vmem>>
    tpu.wait_dma2 semaphore(%arg9 : memref<!tpu.dma_semaphore, #tpu.memory_space<semaphore_mem>>) src(%dma_wait3A_882 : memref<128x128xf32, #tpu.memory_space<vmem>>) dst(%dma_wait3A_878 : memref<128x128xf32, #tpu.memory_space<hbm>>)
    %dma_start3A_883 = arith.constant 2 : i32
    %dma_start3A_884 = arith.constant 0 : i32
    %dma_start3A_885 = arith.constant 0 : i32
    %dma_start3A_886 = tpu.memref_slice %arg6[%dma_start3A_883, %dma_start3A_884, %dma_start3A_885] : memref<6x128x128xf32, #tpu.memory_space<vmem>> -> memref<1x128x128xf32, #tpu.memory_space<vmem>>
    %dma_start3A_887 = tpu.memref_squeeze %dma_start3A_886 : memref<1x128x128xf32, #tpu.memory_space<vmem>> -> memref<128x128xf32, #tpu.memory_space<vmem>>
    %dma_start3A_888 = tpu.memref_slice %arg5[%multiple_of3A_171] : memref<3200xi32, #tpu.memory_space<vmem>> -> memref<128xi32, #tpu.memory_space<vmem>>
    %dma_start3A_889 = arith.constant 0 : i32
    %dma_start3A_890 = arith.constant 0 : i32
    %dma_start3A_891 = tpu.memref_slice %arg7[%dma_start3A_889, %dma_start3A_890] : memref<256x128xf32, #tpu.memory_space<vmem_shared>> -> memref<256x128xf32, #tpu.memory_space<vmem_shared>>
    tpu.enqueue_indirect_dma source(%dma_start3A_891 : memref<256x128xf32, #tpu.memory_space<vmem_shared>>) target(%dma_start3A_887 : memref<128x128xf32, #tpu.memory_space<vmem>>) offsets(%dma_start3A_888 : memref<128xi32, #tpu.memory_space<vmem>>) semaphore(%arg8 : memref<!tpu.dma_semaphore, #tpu.memory_space<semaphore_mem>>)
    %dma_wait3A_892 = arith.constant 3 : i32
    %dma_wait3A_893 = arith.constant 0 : i32
    %dma_wait3A_894 = arith.constant 0 : i32
    %dma_wait3A_895 = tpu.memref_slice %arg6[%dma_wait3A_892, %dma_wait3A_893, %dma_wait3A_894] : memref<6x128x128xf32, #tpu.memory_space<vmem>> -> memref<1x128x128xf32, #tpu.memory_space<vmem>>
    %dma_wait3A_896 = tpu.memref_squeeze %dma_wait3A_895 : memref<1x128x128xf32, #tpu.memory_space<vmem>> -> memref<128x128xf32, #tpu.memory_space<vmem>>
    %dma_wait3A_897 = tpu.memref_slice %arg5[%multiple_of3A_161] : memref<3200xi32, #tpu.memory_space<vmem>> -> memref<128xi32, #tpu.memory_space<vmem>>
    %dma_wait3A_898 = arith.constant 0 : i32
    %dma_wait3A_899 = arith.constant 0 : i32
    %dma_wait3A_900 = tpu.memref_slice %arg7[%dma_wait3A_898, %dma_wait3A_899] : memref<256x128xf32, #tpu.memory_space<vmem_shared>> -> memref<256x128xf32, #tpu.memory_space<vmem_shared>>
    tpu.wait_indirect_dma semaphore(%arg8 : memref<!tpu.dma_semaphore, #tpu.memory_space<semaphore_mem>>) src(%dma_wait3A_900 : memref<256x128xf32, #tpu.memory_space<vmem_shared>>) dst(%dma_wait3A_896 : memref<128x128xf32, #tpu.memory_space<vmem>>)
    %dma_start3A_901 = arith.constant 3 : i32
    %dma_start3A_902 = arith.constant 0 : i32
    %dma_start3A_903 = arith.constant 0 : i32
    %dma_start3A_904 = tpu.memref_slice %arg6[%dma_start3A_901, %dma_start3A_902, %dma_start3A_903] : memref<6x128x128xf32, #tpu.memory_space<vmem>> -> memref<1x128x128xf32, #tpu.memory_space<vmem>>
    %dma_start3A_905 = tpu.memref_squeeze %dma_start3A_904 : memref<1x128x128xf32, #tpu.memory_space<vmem>> -> memref<128x128xf32, #tpu.memory_space<vmem>>
    %dma_start3A_906 = arith.constant 0 : i32
    %dma_start3A_907 = tpu.memref_slice %arg4[%multiple_of3A_85, %dma_start3A_906] : memref<100000x128xf32, #tpu.memory_space<hbm>> -> memref<128x128xf32, #tpu.memory_space<hbm>>
    %dma_start3A_908 = arith.constant 0 : i32
    %dma_start3A_909 = tpu.memref_slice %arg4[%multiple_of3A_85, %dma_start3A_908] : memref<100000x128xf32, #tpu.memory_space<hbm>> -> memref<128x128xf32, #tpu.memory_space<hbm>>
    %dma_start3A_910 = arith.constant 0 : i32
    %dma_start3A_911 = arith.constant 0 : i32
    %dma_start3A_912 = tpu.memref_slice %arg6[%dma_start3A_901, %dma_start3A_910, %dma_start3A_911] : memref<6x128x128xf32, #tpu.memory_space<vmem>> -> memref<1x128x128xf32, #tpu.memory_space<vmem>>
    %dma_start3A_913 = tpu.memref_squeeze %dma_start3A_912 : memref<1x128x128xf32, #tpu.memory_space<vmem>> -> memref<128x128xf32, #tpu.memory_space<vmem>>
    tpu.enqueue_dma source(%dma_start3A_913 : memref<128x128xf32, #tpu.memory_space<vmem>>) target(%dma_start3A_909 : memref<128x128xf32, #tpu.memory_space<hbm>>) target_semaphore(%arg9 : memref<!tpu.dma_semaphore, #tpu.memory_space<semaphore_mem>>)
    %dma_wait3A_914 = arith.constant 3 : i32
    %dma_wait3A_915 = arith.constant 0 : i32
    %dma_wait3A_916 = arith.constant 0 : i32
    %dma_wait3A_917 = tpu.memref_slice %arg6[%dma_wait3A_914, %dma_wait3A_915, %dma_wait3A_916] : memref<6x128x128xf32, #tpu.memory_space<vmem>> -> memref<1x128x128xf32, #tpu.memory_space<vmem>>
    %dma_wait3A_918 = tpu.memref_squeeze %dma_wait3A_917 : memref<1x128x128xf32, #tpu.memory_space<vmem>> -> memref<128x128xf32, #tpu.memory_space<vmem>>
    %dma_wait3A_919 = arith.constant 0 : i32
    %dma_wait3A_920 = tpu.memref_slice %arg4[%multiple_of3A_85, %dma_wait3A_919] : memref<100000x128xf32, #tpu.memory_space<hbm>> -> memref<128x128xf32, #tpu.memory_space<hbm>>
    %dma_wait3A_921 = arith.constant 0 : i32
    %dma_wait3A_922 = tpu.memref_slice %arg4[%multiple_of3A_85, %dma_wait3A_921] : memref<100000x128xf32, #tpu.memory_space<hbm>> -> memref<128x128xf32, #tpu.memory_space<hbm>>
    %dma_wait3A_923 = arith.constant 0 : i32
    %dma_wait3A_924 = arith.constant 0 : i32
    %dma_wait3A_925 = tpu.memref_slice %arg6[%dma_wait3A_914, %dma_wait3A_923, %dma_wait3A_924] : memref<6x128x128xf32, #tpu.memory_space<vmem>> -> memref<1x128x128xf32, #tpu.memory_space<vmem>>
    %dma_wait3A_926 = tpu.memref_squeeze %dma_wait3A_925 : memref<1x128x128xf32, #tpu.memory_space<vmem>> -> memref<128x128xf32, #tpu.memory_space<vmem>>
    tpu.wait_dma2 semaphore(%arg9 : memref<!tpu.dma_semaphore, #tpu.memory_space<semaphore_mem>>) src(%dma_wait3A_926 : memref<128x128xf32, #tpu.memory_space<vmem>>) dst(%dma_wait3A_922 : memref<128x128xf32, #tpu.memory_space<hbm>>)
    %dma_start3A_927 = arith.constant 3 : i32
    %dma_start3A_928 = arith.constant 0 : i32
    %dma_start3A_929 = arith.constant 0 : i32
    %dma_start3A_930 = tpu.memref_slice %arg6[%dma_start3A_927, %dma_start3A_928, %dma_start3A_929] : memref<6x128x128xf32, #tpu.memory_space<vmem>> -> memref<1x128x128xf32, #tpu.memory_space<vmem>>
    %dma_start3A_931 = tpu.memref_squeeze %dma_start3A_930 : memref<1x128x128xf32, #tpu.memory_space<vmem>> -> memref<128x128xf32, #tpu.memory_space<vmem>>
    %dma_start3A_932 = tpu.memref_slice %arg5[%multiple_of3A_173] : memref<3200xi32, #tpu.memory_space<vmem>> -> memref<128xi32, #tpu.memory_space<vmem>>
    %dma_start3A_933 = arith.constant 0 : i32
    %dma_start3A_934 = arith.constant 0 : i32
    %dma_start3A_935 = tpu.memref_slice %arg7[%dma_start3A_933, %dma_start3A_934] : memref<256x128xf32, #tpu.memory_space<vmem_shared>> -> memref<256x128xf32, #tpu.memory_space<vmem_shared>>
    tpu.enqueue_indirect_dma source(%dma_start3A_935 : memref<256x128xf32, #tpu.memory_space<vmem_shared>>) target(%dma_start3A_931 : memref<128x128xf32, #tpu.memory_space<vmem>>) offsets(%dma_start3A_932 : memref<128xi32, #tpu.memory_space<vmem>>) semaphore(%arg8 : memref<!tpu.dma_semaphore, #tpu.memory_space<semaphore_mem>>)
    %dma_wait3A_936 = arith.constant 4 : i32
    %dma_wait3A_937 = arith.constant 0 : i32
    %dma_wait3A_938 = arith.constant 0 : i32
    %dma_wait3A_939 = tpu.memref_slice %arg6[%dma_wait3A_936, %dma_wait3A_937, %dma_wait3A_938] : memref<6x128x128xf32, #tpu.memory_space<vmem>> -> memref<1x128x128xf32, #tpu.memory_space<vmem>>
    %dma_wait3A_940 = tpu.memref_squeeze %dma_wait3A_939 : memref<1x128x128xf32, #tpu.memory_space<vmem>> -> memref<128x128xf32, #tpu.memory_space<vmem>>
    %dma_wait3A_941 = tpu.memref_slice %arg5[%multiple_of3A_163] : memref<3200xi32, #tpu.memory_space<vmem>> -> memref<128xi32, #tpu.memory_space<vmem>>
    %dma_wait3A_942 = arith.constant 0 : i32
    %dma_wait3A_943 = arith.constant 0 : i32
    %dma_wait3A_944 = tpu.memref_slice %arg7[%dma_wait3A_942, %dma_wait3A_943] : memref<256x128xf32, #tpu.memory_space<vmem_shared>> -> memref<256x128xf32, #tpu.memory_space<vmem_shared>>
    tpu.wait_indirect_dma semaphore(%arg8 : memref<!tpu.dma_semaphore, #tpu.memory_space<semaphore_mem>>) src(%dma_wait3A_944 : memref<256x128xf32, #tpu.memory_space<vmem_shared>>) dst(%dma_wait3A_940 : memref<128x128xf32, #tpu.memory_space<vmem>>)
    %dma_start3A_945 = arith.constant 4 : i32
    %dma_start3A_946 = arith.constant 0 : i32
    %dma_start3A_947 = arith.constant 0 : i32
    %dma_start3A_948 = tpu.memref_slice %arg6[%dma_start3A_945, %dma_start3A_946, %dma_start3A_947] : memref<6x128x128xf32, #tpu.memory_space<vmem>> -> memref<1x128x128xf32, #tpu.memory_space<vmem>>
    %dma_start3A_949 = tpu.memref_squeeze %dma_start3A_948 : memref<1x128x128xf32, #tpu.memory_space<vmem>> -> memref<128x128xf32, #tpu.memory_space<vmem>>
    %dma_start3A_950 = arith.constant 0 : i32
    %dma_start3A_951 = tpu.memref_slice %arg4[%multiple_of3A_90, %dma_start3A_950] : memref<100000x128xf32, #tpu.memory_space<hbm>> -> memref<128x128xf32, #tpu.memory_space<hbm>>
    %dma_start3A_952 = arith.constant 0 : i32
    %dma_start3A_953 = tpu.memref_slice %arg4[%multiple_of3A_90, %dma_start3A_952] : memref<100000x128xf32, #tpu.memory_space<hbm>> -> memref<128x128xf32, #tpu.memory_space<hbm>>
    %dma_start3A_954 = arith.constant 0 : i32
    %dma_start3A_955 = arith.constant 0 : i32
    %dma_start3A_956 = tpu.memref_slice %arg6[%dma_start3A_945, %dma_start3A_954, %dma_start3A_955] : memref<6x128x128xf32, #tpu.memory_space<vmem>> -> memref<1x128x128xf32, #tpu.memory_space<vmem>>
    %dma_start3A_957 = tpu.memref_squeeze %dma_start3A_956 : memref<1x128x128xf32, #tpu.memory_space<vmem>> -> memref<128x128xf32, #tpu.memory_space<vmem>>
    tpu.enqueue_dma source(%dma_start3A_957 : memref<128x128xf32, #tpu.memory_space<vmem>>) target(%dma_start3A_953 : memref<128x128xf32, #tpu.memory_space<hbm>>) target_semaphore(%arg9 : memref<!tpu.dma_semaphore, #tpu.memory_space<semaphore_mem>>)
    %dma_wait3A_958 = arith.constant 4 : i32
    %dma_wait3A_959 = arith.constant 0 : i32
    %dma_wait3A_960 = arith.constant 0 : i32
    %dma_wait3A_961 = tpu.memref_slice %arg6[%dma_wait3A_958, %dma_wait3A_959, %dma_wait3A_960] : memref<6x128x128xf32, #tpu.memory_space<vmem>> -> memref<1x128x128xf32, #tpu.memory_space<vmem>>
    %dma_wait3A_962 = tpu.memref_squeeze %dma_wait3A_961 : memref<1x128x128xf32, #tpu.memory_space<vmem>> -> memref<128x128xf32, #tpu.memory_space<vmem>>
    %dma_wait3A_963 = arith.constant 0 : i32
    %dma_wait3A_964 = tpu.memref_slice %arg4[%multiple_of3A_90, %dma_wait3A_963] : memref<100000x128xf32, #tpu.memory_space<hbm>> -> memref<128x128xf32, #tpu.memory_space<hbm>>
    %dma_wait3A_965 = arith.constant 0 : i32
    %dma_wait3A_966 = tpu.memref_slice %arg4[%multiple_of3A_90, %dma_wait3A_965] : memref<100000x128xf32, #tpu.memory_space<hbm>> -> memref<128x128xf32, #tpu.memory_space<hbm>>
    %dma_wait3A_967 = arith.constant 0 : i32
    %dma_wait3A_968 = arith.constant 0 : i32
    %dma_wait3A_969 = tpu.memref_slice %arg6[%dma_wait3A_958, %dma_wait3A_967, %dma_wait3A_968] : memref<6x128x128xf32, #tpu.memory_space<vmem>> -> memref<1x128x128xf32, #tpu.memory_space<vmem>>
    %dma_wait3A_970 = tpu.memref_squeeze %dma_wait3A_969 : memref<1x128x128xf32, #tpu.memory_space<vmem>> -> memref<128x128xf32, #tpu.memory_space<vmem>>
    tpu.wait_dma2 semaphore(%arg9 : memref<!tpu.dma_semaphore, #tpu.memory_space<semaphore_mem>>) src(%dma_wait3A_970 : memref<128x128xf32, #tpu.memory_space<vmem>>) dst(%dma_wait3A_966 : memref<128x128xf32, #tpu.memory_space<hbm>>)
    %dma_start3A_971 = arith.constant 4 : i32
    %dma_start3A_972 = arith.constant 0 : i32
    %dma_start3A_973 = arith.constant 0 : i32
    %dma_start3A_974 = tpu.memref_slice %arg6[%dma_start3A_971, %dma_start3A_972, %dma_start3A_973] : memref<6x128x128xf32, #tpu.memory_space<vmem>> -> memref<1x128x128xf32, #tpu.memory_space<vmem>>
    %dma_start3A_975 = tpu.memref_squeeze %dma_start3A_974 : memref<1x128x128xf32, #tpu.memory_space<vmem>> -> memref<128x128xf32, #tpu.memory_space<vmem>>
    %dma_start3A_976 = tpu.memref_slice %arg5[%multiple_of3A_175] : memref<3200xi32, #tpu.memory_space<vmem>> -> memref<128xi32, #tpu.memory_space<vmem>>
    %dma_start3A_977 = arith.constant 0 : i32
    %dma_start3A_978 = arith.constant 0 : i32
    %dma_start3A_979 = tpu.memref_slice %arg7[%dma_start3A_977, %dma_start3A_978] : memref<256x128xf32, #tpu.memory_space<vmem_shared>> -> memref<256x128xf32, #tpu.memory_space<vmem_shared>>
    tpu.enqueue_indirect_dma source(%dma_start3A_979 : memref<256x128xf32, #tpu.memory_space<vmem_shared>>) target(%dma_start3A_975 : memref<128x128xf32, #tpu.memory_space<vmem>>) offsets(%dma_start3A_976 : memref<128xi32, #tpu.memory_space<vmem>>) semaphore(%arg8 : memref<!tpu.dma_semaphore, #tpu.memory_space<semaphore_mem>>)
    %dma_wait3A_980 = arith.constant 5 : i32
    %dma_wait3A_981 = arith.constant 0 : i32
    %dma_wait3A_982 = arith.constant 0 : i32
    %dma_wait3A_983 = tpu.memref_slice %arg6[%dma_wait3A_980, %dma_wait3A_981, %dma_wait3A_982] : memref<6x128x128xf32, #tpu.memory_space<vmem>> -> memref<1x128x128xf32, #tpu.memory_space<vmem>>
    %dma_wait3A_984 = tpu.memref_squeeze %dma_wait3A_983 : memref<1x128x128xf32, #tpu.memory_space<vmem>> -> memref<128x128xf32, #tpu.memory_space<vmem>>
    %dma_wait3A_985 = tpu.memref_slice %arg5[%multiple_of3A_165] : memref<3200xi32, #tpu.memory_space<vmem>> -> memref<128xi32, #tpu.memory_space<vmem>>
    %dma_wait3A_986 = arith.constant 0 : i32
    %dma_wait3A_987 = arith.constant 0 : i32
    %dma_wait3A_988 = tpu.memref_slice %arg7[%dma_wait3A_986, %dma_wait3A_987] : memref<256x128xf32, #tpu.memory_space<vmem_shared>> -> memref<256x128xf32, #tpu.memory_space<vmem_shared>>
    tpu.wait_indirect_dma semaphore(%arg8 : memref<!tpu.dma_semaphore, #tpu.memory_space<semaphore_mem>>) src(%dma_wait3A_988 : memref<256x128xf32, #tpu.memory_space<vmem_shared>>) dst(%dma_wait3A_984 : memref<128x128xf32, #tpu.memory_space<vmem>>)
    %dma_start3A_989 = arith.constant 5 : i32
    %dma_start3A_990 = arith.constant 0 : i32
    %dma_start3A_991 = arith.constant 0 : i32
    %dma_start3A_992 = tpu.memref_slice %arg6[%dma_start3A_989, %dma_start3A_990, %dma_start3A_991] : memref<6x128x128xf32, #tpu.memory_space<vmem>> -> memref<1x128x128xf32, #tpu.memory_space<vmem>>
    %dma_start3A_993 = tpu.memref_squeeze %dma_start3A_992 : memref<1x128x128xf32, #tpu.memory_space<vmem>> -> memref<128x128xf32, #tpu.memory_space<vmem>>
    %dma_start3A_994 = arith.constant 0 : i32
    %dma_start3A_995 = tpu.memref_slice %arg4[%multiple_of3A_95, %dma_start3A_994] : memref<100000x128xf32, #tpu.memory_space<hbm>> -> memref<128x128xf32, #tpu.memory_space<hbm>>
    %dma_start3A_996 = arith.constant 0 : i32
    %dma_start3A_997 = tpu.memref_slice %arg4[%multiple_of3A_95, %dma_start3A_996] : memref<100000x128xf32, #tpu.memory_space<hbm>> -> memref<128x128xf32, #tpu.memory_space<hbm>>
    %dma_start3A_998 = arith.constant 0 : i32
    %dma_start3A_999 = arith.constant 0 : i32
    %dma_start3A_1000 = tpu.memref_slice %arg6[%dma_start3A_989, %dma_start3A_998, %dma_start3A_999] : memref<6x128x128xf32, #tpu.memory_space<vmem>> -> memref<1x128x128xf32, #tpu.memory_space<vmem>>
    %dma_start3A_1001 = tpu.memref_squeeze %dma_start3A_1000 : memref<1x128x128xf32, #tpu.memory_space<vmem>> -> memref<128x128xf32, #tpu.memory_space<vmem>>
    tpu.enqueue_dma source(%dma_start3A_1001 : memref<128x128xf32, #tpu.memory_space<vmem>>) target(%dma_start3A_997 : memref<128x128xf32, #tpu.memory_space<hbm>>) target_semaphore(%arg9 : memref<!tpu.dma_semaphore, #tpu.memory_space<semaphore_mem>>)
    %dma_wait3A_1002 = arith.constant 5 : i32
    %dma_wait3A_1003 = arith.constant 0 : i32
    %dma_wait3A_1004 = arith.constant 0 : i32
    %dma_wait3A_1005 = tpu.memref_slice %arg6[%dma_wait3A_1002, %dma_wait3A_1003, %dma_wait3A_1004] : memref<6x128x128xf32, #tpu.memory_space<vmem>> -> memref<1x128x128xf32, #tpu.memory_space<vmem>>
    %dma_wait3A_1006 = tpu.memref_squeeze %dma_wait3A_1005 : memref<1x128x128xf32, #tpu.memory_space<vmem>> -> memref<128x128xf32, #tpu.memory_space<vmem>>
    %dma_wait3A_1007 = arith.constant 0 : i32
    %dma_wait3A_1008 = tpu.memref_slice %arg4[%multiple_of3A_95, %dma_wait3A_1007] : memref<100000x128xf32, #tpu.memory_space<hbm>> -> memref<128x128xf32, #tpu.memory_space<hbm>>
    %dma_wait3A_1009 = arith.constant 0 : i32
    %dma_wait3A_1010 = tpu.memref_slice %arg4[%multiple_of3A_95, %dma_wait3A_1009] : memref<100000x128xf32, #tpu.memory_space<hbm>> -> memref<128x128xf32, #tpu.memory_space<hbm>>
    %dma_wait3A_1011 = arith.constant 0 : i32
    %dma_wait3A_1012 = arith.constant 0 : i32
    %dma_wait3A_1013 = tpu.memref_slice %arg6[%dma_wait3A_1002, %dma_wait3A_1011, %dma_wait3A_1012] : memref<6x128x128xf32, #tpu.memory_space<vmem>> -> memref<1x128x128xf32, #tpu.memory_space<vmem>>
    %dma_wait3A_1014 = tpu.memref_squeeze %dma_wait3A_1013 : memref<1x128x128xf32, #tpu.memory_space<vmem>> -> memref<128x128xf32, #tpu.memory_space<vmem>>
    tpu.wait_dma2 semaphore(%arg9 : memref<!tpu.dma_semaphore, #tpu.memory_space<semaphore_mem>>) src(%dma_wait3A_1014 : memref<128x128xf32, #tpu.memory_space<vmem>>) dst(%dma_wait3A_1010 : memref<128x128xf32, #tpu.memory_space<hbm>>)
    %dma_start3A_1015 = arith.constant 5 : i32
    %dma_start3A_1016 = arith.constant 0 : i32
    %dma_start3A_1017 = arith.constant 0 : i32
    %dma_start3A_1018 = tpu.memref_slice %arg6[%dma_start3A_1015, %dma_start3A_1016, %dma_start3A_1017] : memref<6x128x128xf32, #tpu.memory_space<vmem>> -> memref<1x128x128xf32, #tpu.memory_space<vmem>>
    %dma_start3A_1019 = tpu.memref_squeeze %dma_start3A_1018 : memref<1x128x128xf32, #tpu.memory_space<vmem>> -> memref<128x128xf32, #tpu.memory_space<vmem>>
    %dma_start3A_1020 = tpu.memref_slice %arg5[%multiple_of3A_177] : memref<3200xi32, #tpu.memory_space<vmem>> -> memref<128xi32, #tpu.memory_space<vmem>>
    %dma_start3A_1021 = arith.constant 0 : i32
    %dma_start3A_1022 = arith.constant 0 : i32
    %dma_start3A_1023 = tpu.memref_slice %arg7[%dma_start3A_1021, %dma_start3A_1022] : memref<256x128xf32, #tpu.memory_space<vmem_shared>> -> memref<256x128xf32, #tpu.memory_space<vmem_shared>>
    tpu.enqueue_indirect_dma source(%dma_start3A_1023 : memref<256x128xf32, #tpu.memory_space<vmem_shared>>) target(%dma_start3A_1019 : memref<128x128xf32, #tpu.memory_space<vmem>>) offsets(%dma_start3A_1020 : memref<128xi32, #tpu.memory_space<vmem>>) semaphore(%arg8 : memref<!tpu.dma_semaphore, #tpu.memory_space<semaphore_mem>>)
    %dma_wait3A_1024 = arith.constant 0 : i32
    %dma_wait3A_1025 = arith.constant 0 : i32
    %dma_wait3A_1026 = arith.constant 0 : i32
    %dma_wait3A_1027 = tpu.memref_slice %arg6[%dma_wait3A_1024, %dma_wait3A_1025, %dma_wait3A_1026] : memref<6x128x128xf32, #tpu.memory_space<vmem>> -> memref<1x128x128xf32, #tpu.memory_space<vmem>>
    %dma_wait3A_1028 = tpu.memref_squeeze %dma_wait3A_1027 : memref<1x128x128xf32, #tpu.memory_space<vmem>> -> memref<128x128xf32, #tpu.memory_space<vmem>>
    %dma_wait3A_1029 = tpu.memref_slice %arg5[%multiple_of3A_167] : memref<3200xi32, #tpu.memory_space<vmem>> -> memref<128xi32, #tpu.memory_space<vmem>>
    %dma_wait3A_1030 = arith.constant 0 : i32
    %dma_wait3A_1031 = arith.constant 0 : i32
    %dma_wait3A_1032 = tpu.memref_slice %arg7[%dma_wait3A_1030, %dma_wait3A_1031] : memref<256x128xf32, #tpu.memory_space<vmem_shared>> -> memref<256x128xf32, #tpu.memory_space<vmem_shared>>
    tpu.wait_indirect_dma semaphore(%arg8 : memref<!tpu.dma_semaphore, #tpu.memory_space<semaphore_mem>>) src(%dma_wait3A_1032 : memref<256x128xf32, #tpu.memory_space<vmem_shared>>) dst(%dma_wait3A_1028 : memref<128x128xf32, #tpu.memory_space<vmem>>)
    %dma_start3A_1033 = arith.constant 0 : i32
    %dma_start3A_1034 = arith.constant 0 : i32
    %dma_start3A_1035 = arith.constant 0 : i32
    %dma_start3A_1036 = tpu.memref_slice %arg6[%dma_start3A_1033, %dma_start3A_1034, %dma_start3A_1035] : memref<6x128x128xf32, #tpu.memory_space<vmem>> -> memref<1x128x128xf32, #tpu.memory_space<vmem>>
    %dma_start3A_1037 = tpu.memref_squeeze %dma_start3A_1036 : memref<1x128x128xf32, #tpu.memory_space<vmem>> -> memref<128x128xf32, #tpu.memory_space<vmem>>
    %dma_start3A_1038 = arith.constant 0 : i32
    %dma_start3A_1039 = tpu.memref_slice %arg4[%multiple_of3A_100, %dma_start3A_1038] : memref<100000x128xf32, #tpu.memory_space<hbm>> -> memref<128x128xf32, #tpu.memory_space<hbm>>
    %dma_start3A_1040 = arith.constant 0 : i32
    %dma_start3A_1041 = tpu.memref_slice %arg4[%multiple_of3A_100, %dma_start3A_1040] : memref<100000x128xf32, #tpu.memory_space<hbm>> -> memref<128x128xf32, #tpu.memory_space<hbm>>
    %dma_start3A_1042 = arith.constant 0 : i32
    %dma_start3A_1043 = arith.constant 0 : i32
    %dma_start3A_1044 = tpu.memref_slice %arg6[%dma_start3A_1033, %dma_start3A_1042, %dma_start3A_1043] : memref<6x128x128xf32, #tpu.memory_space<vmem>> -> memref<1x128x128xf32, #tpu.memory_space<vmem>>
    %dma_start3A_1045 = tpu.memref_squeeze %dma_start3A_1044 : memref<1x128x128xf32, #tpu.memory_space<vmem>> -> memref<128x128xf32, #tpu.memory_space<vmem>>
    tpu.enqueue_dma source(%dma_start3A_1045 : memref<128x128xf32, #tpu.memory_space<vmem>>) target(%dma_start3A_1041 : memref<128x128xf32, #tpu.memory_space<hbm>>) target_semaphore(%arg9 : memref<!tpu.dma_semaphore, #tpu.memory_space<semaphore_mem>>)
    %dma_wait3A_1046 = arith.constant 0 : i32
    %dma_wait3A_1047 = arith.constant 0 : i32
    %dma_wait3A_1048 = arith.constant 0 : i32
    %dma_wait3A_1049 = tpu.memref_slice %arg6[%dma_wait3A_1046, %dma_wait3A_1047, %dma_wait3A_1048] : memref<6x128x128xf32, #tpu.memory_space<vmem>> -> memref<1x128x128xf32, #tpu.memory_space<vmem>>
    %dma_wait3A_1050 = tpu.memref_squeeze %dma_wait3A_1049 : memref<1x128x128xf32, #tpu.memory_space<vmem>> -> memref<128x128xf32, #tpu.memory_space<vmem>>
    %dma_wait3A_1051 = arith.constant 0 : i32
    %dma_wait3A_1052 = tpu.memref_slice %arg4[%multiple_of3A_100, %dma_wait3A_1051] : memref<100000x128xf32, #tpu.memory_space<hbm>> -> memref<128x128xf32, #tpu.memory_space<hbm>>
    %dma_wait3A_1053 = arith.constant 0 : i32
    %dma_wait3A_1054 = tpu.memref_slice %arg4[%multiple_of3A_100, %dma_wait3A_1053] : memref<100000x128xf32, #tpu.memory_space<hbm>> -> memref<128x128xf32, #tpu.memory_space<hbm>>
    %dma_wait3A_1055 = arith.constant 0 : i32
    %dma_wait3A_1056 = arith.constant 0 : i32
    %dma_wait3A_1057 = tpu.memref_slice %arg6[%dma_wait3A_1046, %dma_wait3A_1055, %dma_wait3A_1056] : memref<6x128x128xf32, #tpu.memory_space<vmem>> -> memref<1x128x128xf32, #tpu.memory_space<vmem>>
    %dma_wait3A_1058 = tpu.memref_squeeze %dma_wait3A_1057 : memref<1x128x128xf32, #tpu.memory_space<vmem>> -> memref<128x128xf32, #tpu.memory_space<vmem>>
    tpu.wait_dma2 semaphore(%arg9 : memref<!tpu.dma_semaphore, #tpu.memory_space<semaphore_mem>>) src(%dma_wait3A_1058 : memref<128x128xf32, #tpu.memory_space<vmem>>) dst(%dma_wait3A_1054 : memref<128x128xf32, #tpu.memory_space<hbm>>)
    %dma_start3A_1059 = arith.constant 0 : i32
    %dma_start3A_1060 = arith.constant 0 : i32
    %dma_start3A_1061 = arith.constant 0 : i32
    %dma_start3A_1062 = tpu.memref_slice %arg6[%dma_start3A_1059, %dma_start3A_1060, %dma_start3A_1061] : memref<6x128x128xf32, #tpu.memory_space<vmem>> -> memref<1x128x128xf32, #tpu.memory_space<vmem>>
    %dma_start3A_1063 = tpu.memref_squeeze %dma_start3A_1062 : memref<1x128x128xf32, #tpu.memory_space<vmem>> -> memref<128x128xf32, #tpu.memory_space<vmem>>
    %dma_start3A_1064 = tpu.memref_slice %arg5[%multiple_of3A_179] : memref<3200xi32, #tpu.memory_space<vmem>> -> memref<128xi32, #tpu.memory_space<vmem>>
    %dma_start3A_1065 = arith.constant 0 : i32
    %dma_start3A_1066 = arith.constant 0 : i32
    %dma_start3A_1067 = tpu.memref_slice %arg7[%dma_start3A_1065, %dma_start3A_1066] : memref<256x128xf32, #tpu.memory_space<vmem_shared>> -> memref<256x128xf32, #tpu.memory_space<vmem_shared>>
    tpu.enqueue_indirect_dma source(%dma_start3A_1067 : memref<256x128xf32, #tpu.memory_space<vmem_shared>>) target(%dma_start3A_1063 : memref<128x128xf32, #tpu.memory_space<vmem>>) offsets(%dma_start3A_1064 : memref<128xi32, #tpu.memory_space<vmem>>) semaphore(%arg8 : memref<!tpu.dma_semaphore, #tpu.memory_space<semaphore_mem>>)
    %dma_wait3A_1068 = arith.constant 1 : i32
    %dma_wait3A_1069 = arith.constant 0 : i32
    %dma_wait3A_1070 = arith.constant 0 : i32
    %dma_wait3A_1071 = tpu.memref_slice %arg6[%dma_wait3A_1068, %dma_wait3A_1069, %dma_wait3A_1070] : memref<6x128x128xf32, #tpu.memory_space<vmem>> -> memref<1x128x128xf32, #tpu.memory_space<vmem>>
    %dma_wait3A_1072 = tpu.memref_squeeze %dma_wait3A_1071 : memref<1x128x128xf32, #tpu.memory_space<vmem>> -> memref<128x128xf32, #tpu.memory_space<vmem>>
    %dma_wait3A_1073 = tpu.memref_slice %arg5[%multiple_of3A_169] : memref<3200xi32, #tpu.memory_space<vmem>> -> memref<128xi32, #tpu.memory_space<vmem>>
    %dma_wait3A_1074 = arith.constant 0 : i32
    %dma_wait3A_1075 = arith.constant 0 : i32
    %dma_wait3A_1076 = tpu.memref_slice %arg7[%dma_wait3A_1074, %dma_wait3A_1075] : memref<256x128xf32, #tpu.memory_space<vmem_shared>> -> memref<256x128xf32, #tpu.memory_space<vmem_shared>>
    tpu.wait_indirect_dma semaphore(%arg8 : memref<!tpu.dma_semaphore, #tpu.memory_space<semaphore_mem>>) src(%dma_wait3A_1076 : memref<256x128xf32, #tpu.memory_space<vmem_shared>>) dst(%dma_wait3A_1072 : memref<128x128xf32, #tpu.memory_space<vmem>>)
    %dma_start3A_1077 = arith.constant 1 : i32
    %dma_start3A_1078 = arith.constant 0 : i32
    %dma_start3A_1079 = arith.constant 0 : i32
    %dma_start3A_1080 = tpu.memref_slice %arg6[%dma_start3A_1077, %dma_start3A_1078, %dma_start3A_1079] : memref<6x128x128xf32, #tpu.memory_space<vmem>> -> memref<1x128x128xf32, #tpu.memory_space<vmem>>
    %dma_start3A_1081 = tpu.memref_squeeze %dma_start3A_1080 : memref<1x128x128xf32, #tpu.memory_space<vmem>> -> memref<128x128xf32, #tpu.memory_space<vmem>>
    %dma_start3A_1082 = arith.constant 0 : i32
    %dma_start3A_1083 = tpu.memref_slice %arg4[%multiple_of3A_105, %dma_start3A_1082] : memref<100000x128xf32, #tpu.memory_space<hbm>> -> memref<128x128xf32, #tpu.memory_space<hbm>>
    %dma_start3A_1084 = arith.constant 0 : i32
    %dma_start3A_1085 = tpu.memref_slice %arg4[%multiple_of3A_105, %dma_start3A_1084] : memref<100000x128xf32, #tpu.memory_space<hbm>> -> memref<128x128xf32, #tpu.memory_space<hbm>>
    %dma_start3A_1086 = arith.constant 0 : i32
    %dma_start3A_1087 = arith.constant 0 : i32
    %dma_start3A_1088 = tpu.memref_slice %arg6[%dma_start3A_1077, %dma_start3A_1086, %dma_start3A_1087] : memref<6x128x128xf32, #tpu.memory_space<vmem>> -> memref<1x128x128xf32, #tpu.memory_space<vmem>>
    %dma_start3A_1089 = tpu.memref_squeeze %dma_start3A_1088 : memref<1x128x128xf32, #tpu.memory_space<vmem>> -> memref<128x128xf32, #tpu.memory_space<vmem>>
    tpu.enqueue_dma source(%dma_start3A_1089 : memref<128x128xf32, #tpu.memory_space<vmem>>) target(%dma_start3A_1085 : memref<128x128xf32, #tpu.memory_space<hbm>>) target_semaphore(%arg9 : memref<!tpu.dma_semaphore, #tpu.memory_space<semaphore_mem>>)
    %dma_wait3A_1090 = arith.constant 2 : i32
    %dma_wait3A_1091 = arith.constant 0 : i32
    %dma_wait3A_1092 = arith.constant 0 : i32
    %dma_wait3A_1093 = tpu.memref_slice %arg6[%dma_wait3A_1090, %dma_wait3A_1091, %dma_wait3A_1092] : memref<6x128x128xf32, #tpu.memory_space<vmem>> -> memref<1x128x128xf32, #tpu.memory_space<vmem>>
    %dma_wait3A_1094 = tpu.memref_squeeze %dma_wait3A_1093 : memref<1x128x128xf32, #tpu.memory_space<vmem>> -> memref<128x128xf32, #tpu.memory_space<vmem>>
    %dma_wait3A_1095 = tpu.memref_slice %arg5[%multiple_of3A_171] : memref<3200xi32, #tpu.memory_space<vmem>> -> memref<128xi32, #tpu.memory_space<vmem>>
    %dma_wait3A_1096 = arith.constant 0 : i32
    %dma_wait3A_1097 = arith.constant 0 : i32
    %dma_wait3A_1098 = tpu.memref_slice %arg7[%dma_wait3A_1096, %dma_wait3A_1097] : memref<256x128xf32, #tpu.memory_space<vmem_shared>> -> memref<256x128xf32, #tpu.memory_space<vmem_shared>>
    tpu.wait_indirect_dma semaphore(%arg8 : memref<!tpu.dma_semaphore, #tpu.memory_space<semaphore_mem>>) src(%dma_wait3A_1098 : memref<256x128xf32, #tpu.memory_space<vmem_shared>>) dst(%dma_wait3A_1094 : memref<128x128xf32, #tpu.memory_space<vmem>>)
    %dma_start3A_1099 = arith.constant 2 : i32
    %dma_start3A_1100 = arith.constant 0 : i32
    %dma_start3A_1101 = arith.constant 0 : i32
    %dma_start3A_1102 = tpu.memref_slice %arg6[%dma_start3A_1099, %dma_start3A_1100, %dma_start3A_1101] : memref<6x128x128xf32, #tpu.memory_space<vmem>> -> memref<1x128x128xf32, #tpu.memory_space<vmem>>
    %dma_start3A_1103 = tpu.memref_squeeze %dma_start3A_1102 : memref<1x128x128xf32, #tpu.memory_space<vmem>> -> memref<128x128xf32, #tpu.memory_space<vmem>>
    %dma_start3A_1104 = arith.constant 0 : i32
    %dma_start3A_1105 = tpu.memref_slice %arg4[%multiple_of3A_110, %dma_start3A_1104] : memref<100000x128xf32, #tpu.memory_space<hbm>> -> memref<128x128xf32, #tpu.memory_space<hbm>>
    %dma_start3A_1106 = arith.constant 0 : i32
    %dma_start3A_1107 = tpu.memref_slice %arg4[%multiple_of3A_110, %dma_start3A_1106] : memref<100000x128xf32, #tpu.memory_space<hbm>> -> memref<128x128xf32, #tpu.memory_space<hbm>>
    %dma_start3A_1108 = arith.constant 0 : i32
    %dma_start3A_1109 = arith.constant 0 : i32
    %dma_start3A_1110 = tpu.memref_slice %arg6[%dma_start3A_1099, %dma_start3A_1108, %dma_start3A_1109] : memref<6x128x128xf32, #tpu.memory_space<vmem>> -> memref<1x128x128xf32, #tpu.memory_space<vmem>>
    %dma_start3A_1111 = tpu.memref_squeeze %dma_start3A_1110 : memref<1x128x128xf32, #tpu.memory_space<vmem>> -> memref<128x128xf32, #tpu.memory_space<vmem>>
    tpu.enqueue_dma source(%dma_start3A_1111 : memref<128x128xf32, #tpu.memory_space<vmem>>) target(%dma_start3A_1107 : memref<128x128xf32, #tpu.memory_space<hbm>>) target_semaphore(%arg9 : memref<!tpu.dma_semaphore, #tpu.memory_space<semaphore_mem>>)
    %dma_wait3A_1112 = arith.constant 3 : i32
    %dma_wait3A_1113 = arith.constant 0 : i32
    %dma_wait3A_1114 = arith.constant 0 : i32
    %dma_wait3A_1115 = tpu.memref_slice %arg6[%dma_wait3A_1112, %dma_wait3A_1113, %dma_wait3A_1114] : memref<6x128x128xf32, #tpu.memory_space<vmem>> -> memref<1x128x128xf32, #tpu.memory_space<vmem>>
    %dma_wait3A_1116 = tpu.memref_squeeze %dma_wait3A_1115 : memref<1x128x128xf32, #tpu.memory_space<vmem>> -> memref<128x128xf32, #tpu.memory_space<vmem>>
    %dma_wait3A_1117 = tpu.memref_slice %arg5[%multiple_of3A_173] : memref<3200xi32, #tpu.memory_space<vmem>> -> memref<128xi32, #tpu.memory_space<vmem>>
    %dma_wait3A_1118 = arith.constant 0 : i32
    %dma_wait3A_1119 = arith.constant 0 : i32
    %dma_wait3A_1120 = tpu.memref_slice %arg7[%dma_wait3A_1118, %dma_wait3A_1119] : memref<256x128xf32, #tpu.memory_space<vmem_shared>> -> memref<256x128xf32, #tpu.memory_space<vmem_shared>>
    tpu.wait_indirect_dma semaphore(%arg8 : memref<!tpu.dma_semaphore, #tpu.memory_space<semaphore_mem>>) src(%dma_wait3A_1120 : memref<256x128xf32, #tpu.memory_space<vmem_shared>>) dst(%dma_wait3A_1116 : memref<128x128xf32, #tpu.memory_space<vmem>>)
    %dma_start3A_1121 = arith.constant 3 : i32
    %dma_start3A_1122 = arith.constant 0 : i32
    %dma_start3A_1123 = arith.constant 0 : i32
    %dma_start3A_1124 = tpu.memref_slice %arg6[%dma_start3A_1121, %dma_start3A_1122, %dma_start3A_1123] : memref<6x128x128xf32, #tpu.memory_space<vmem>> -> memref<1x128x128xf32, #tpu.memory_space<vmem>>
    %dma_start3A_1125 = tpu.memref_squeeze %dma_start3A_1124 : memref<1x128x128xf32, #tpu.memory_space<vmem>> -> memref<128x128xf32, #tpu.memory_space<vmem>>
    %dma_start3A_1126 = arith.constant 0 : i32
    %dma_start3A_1127 = tpu.memref_slice %arg4[%multiple_of3A_115, %dma_start3A_1126] : memref<100000x128xf32, #tpu.memory_space<hbm>> -> memref<128x128xf32, #tpu.memory_space<hbm>>
    %dma_start3A_1128 = arith.constant 0 : i32
    %dma_start3A_1129 = tpu.memref_slice %arg4[%multiple_of3A_115, %dma_start3A_1128] : memref<100000x128xf32, #tpu.memory_space<hbm>> -> memref<128x128xf32, #tpu.memory_space<hbm>>
    %dma_start3A_1130 = arith.constant 0 : i32
    %dma_start3A_1131 = arith.constant 0 : i32
    %dma_start3A_1132 = tpu.memref_slice %arg6[%dma_start3A_1121, %dma_start3A_1130, %dma_start3A_1131] : memref<6x128x128xf32, #tpu.memory_space<vmem>> -> memref<1x128x128xf32, #tpu.memory_space<vmem>>
    %dma_start3A_1133 = tpu.memref_squeeze %dma_start3A_1132 : memref<1x128x128xf32, #tpu.memory_space<vmem>> -> memref<128x128xf32, #tpu.memory_space<vmem>>
    tpu.enqueue_dma source(%dma_start3A_1133 : memref<128x128xf32, #tpu.memory_space<vmem>>) target(%dma_start3A_1129 : memref<128x128xf32, #tpu.memory_space<hbm>>) target_semaphore(%arg9 : memref<!tpu.dma_semaphore, #tpu.memory_space<semaphore_mem>>)
    %dma_wait3A_1134 = arith.constant 4 : i32
    %dma_wait3A_1135 = arith.constant 0 : i32
    %dma_wait3A_1136 = arith.constant 0 : i32
    %dma_wait3A_1137 = tpu.memref_slice %arg6[%dma_wait3A_1134, %dma_wait3A_1135, %dma_wait3A_1136] : memref<6x128x128xf32, #tpu.memory_space<vmem>> -> memref<1x128x128xf32, #tpu.memory_space<vmem>>
    %dma_wait3A_1138 = tpu.memref_squeeze %dma_wait3A_1137 : memref<1x128x128xf32, #tpu.memory_space<vmem>> -> memref<128x128xf32, #tpu.memory_space<vmem>>
    %dma_wait3A_1139 = tpu.memref_slice %arg5[%multiple_of3A_175] : memref<3200xi32, #tpu.memory_space<vmem>> -> memref<128xi32, #tpu.memory_space<vmem>>
    %dma_wait3A_1140 = arith.constant 0 : i32
    %dma_wait3A_1141 = arith.constant 0 : i32
    %dma_wait3A_1142 = tpu.memref_slice %arg7[%dma_wait3A_1140, %dma_wait3A_1141] : memref<256x128xf32, #tpu.memory_space<vmem_shared>> -> memref<256x128xf32, #tpu.memory_space<vmem_shared>>
    tpu.wait_indirect_dma semaphore(%arg8 : memref<!tpu.dma_semaphore, #tpu.memory_space<semaphore_mem>>) src(%dma_wait3A_1142 : memref<256x128xf32, #tpu.memory_space<vmem_shared>>) dst(%dma_wait3A_1138 : memref<128x128xf32, #tpu.memory_space<vmem>>)
    %dma_start3A_1143 = arith.constant 4 : i32
    %dma_start3A_1144 = arith.constant 0 : i32
    %dma_start3A_1145 = arith.constant 0 : i32
    %dma_start3A_1146 = tpu.memref_slice %arg6[%dma_start3A_1143, %dma_start3A_1144, %dma_start3A_1145] : memref<6x128x128xf32, #tpu.memory_space<vmem>> -> memref<1x128x128xf32, #tpu.memory_space<vmem>>
    %dma_start3A_1147 = tpu.memref_squeeze %dma_start3A_1146 : memref<1x128x128xf32, #tpu.memory_space<vmem>> -> memref<128x128xf32, #tpu.memory_space<vmem>>
    %dma_start3A_1148 = arith.constant 0 : i32
    %dma_start3A_1149 = tpu.memref_slice %arg4[%multiple_of3A_120, %dma_start3A_1148] : memref<100000x128xf32, #tpu.memory_space<hbm>> -> memref<128x128xf32, #tpu.memory_space<hbm>>
    %dma_start3A_1150 = arith.constant 0 : i32
    %dma_start3A_1151 = tpu.memref_slice %arg4[%multiple_of3A_120, %dma_start3A_1150] : memref<100000x128xf32, #tpu.memory_space<hbm>> -> memref<128x128xf32, #tpu.memory_space<hbm>>
    %dma_start3A_1152 = arith.constant 0 : i32
    %dma_start3A_1153 = arith.constant 0 : i32
    %dma_start3A_1154 = tpu.memref_slice %arg6[%dma_start3A_1143, %dma_start3A_1152, %dma_start3A_1153] : memref<6x128x128xf32, #tpu.memory_space<vmem>> -> memref<1x128x128xf32, #tpu.memory_space<vmem>>
    %dma_start3A_1155 = tpu.memref_squeeze %dma_start3A_1154 : memref<1x128x128xf32, #tpu.memory_space<vmem>> -> memref<128x128xf32, #tpu.memory_space<vmem>>
    tpu.enqueue_dma source(%dma_start3A_1155 : memref<128x128xf32, #tpu.memory_space<vmem>>) target(%dma_start3A_1151 : memref<128x128xf32, #tpu.memory_space<hbm>>) target_semaphore(%arg9 : memref<!tpu.dma_semaphore, #tpu.memory_space<semaphore_mem>>)
    %dma_wait3A_1156 = arith.constant 5 : i32
    %dma_wait3A_1157 = arith.constant 0 : i32
    %dma_wait3A_1158 = arith.constant 0 : i32
    %dma_wait3A_1159 = tpu.memref_slice %arg6[%dma_wait3A_1156, %dma_wait3A_1157, %dma_wait3A_1158] : memref<6x128x128xf32, #tpu.memory_space<vmem>> -> memref<1x128x128xf32, #tpu.memory_space<vmem>>
    %dma_wait3A_1160 = tpu.memref_squeeze %dma_wait3A_1159 : memref<1x128x128xf32, #tpu.memory_space<vmem>> -> memref<128x128xf32, #tpu.memory_space<vmem>>
    %dma_wait3A_1161 = tpu.memref_slice %arg5[%multiple_of3A_177] : memref<3200xi32, #tpu.memory_space<vmem>> -> memref<128xi32, #tpu.memory_space<vmem>>
    %dma_wait3A_1162 = arith.constant 0 : i32
    %dma_wait3A_1163 = arith.constant 0 : i32
    %dma_wait3A_1164 = tpu.memref_slice %arg7[%dma_wait3A_1162, %dma_wait3A_1163] : memref<256x128xf32, #tpu.memory_space<vmem_shared>> -> memref<256x128xf32, #tpu.memory_space<vmem_shared>>
    tpu.wait_indirect_dma semaphore(%arg8 : memref<!tpu.dma_semaphore, #tpu.memory_space<semaphore_mem>>) src(%dma_wait3A_1164 : memref<256x128xf32, #tpu.memory_space<vmem_shared>>) dst(%dma_wait3A_1160 : memref<128x128xf32, #tpu.memory_space<vmem>>)
    %dma_start3A_1165 = arith.constant 5 : i32
    %dma_start3A_1166 = arith.constant 0 : i32
    %dma_start3A_1167 = arith.constant 0 : i32
    %dma_start3A_1168 = tpu.memref_slice %arg6[%dma_start3A_1165, %dma_start3A_1166, %dma_start3A_1167] : memref<6x128x128xf32, #tpu.memory_space<vmem>> -> memref<1x128x128xf32, #tpu.memory_space<vmem>>
    %dma_start3A_1169 = tpu.memref_squeeze %dma_start3A_1168 : memref<1x128x128xf32, #tpu.memory_space<vmem>> -> memref<128x128xf32, #tpu.memory_space<vmem>>
    %dma_start3A_1170 = arith.constant 0 : i32
    %dma_start3A_1171 = tpu.memref_slice %arg4[%multiple_of3A_125, %dma_start3A_1170] : memref<100000x128xf32, #tpu.memory_space<hbm>> -> memref<128x128xf32, #tpu.memory_space<hbm>>
    %dma_start3A_1172 = arith.constant 0 : i32
    %dma_start3A_1173 = tpu.memref_slice %arg4[%multiple_of3A_125, %dma_start3A_1172] : memref<100000x128xf32, #tpu.memory_space<hbm>> -> memref<128x128xf32, #tpu.memory_space<hbm>>
    %dma_start3A_1174 = arith.constant 0 : i32
    %dma_start3A_1175 = arith.constant 0 : i32
    %dma_start3A_1176 = tpu.memref_slice %arg6[%dma_start3A_1165, %dma_start3A_1174, %dma_start3A_1175] : memref<6x128x128xf32, #tpu.memory_space<vmem>> -> memref<1x128x128xf32, #tpu.memory_space<vmem>>
    %dma_start3A_1177 = tpu.memref_squeeze %dma_start3A_1176 : memref<1x128x128xf32, #tpu.memory_space<vmem>> -> memref<128x128xf32, #tpu.memory_space<vmem>>
    tpu.enqueue_dma source(%dma_start3A_1177 : memref<128x128xf32, #tpu.memory_space<vmem>>) target(%dma_start3A_1173 : memref<128x128xf32, #tpu.memory_space<hbm>>) target_semaphore(%arg9 : memref<!tpu.dma_semaphore, #tpu.memory_space<semaphore_mem>>)
    %dma_wait3A_1178 = arith.constant 0 : i32
    %dma_wait3A_1179 = arith.constant 0 : i32
    %dma_wait3A_1180 = arith.constant 0 : i32
    %dma_wait3A_1181 = tpu.memref_slice %arg6[%dma_wait3A_1178, %dma_wait3A_1179, %dma_wait3A_1180] : memref<6x128x128xf32, #tpu.memory_space<vmem>> -> memref<1x128x128xf32, #tpu.memory_space<vmem>>
    %dma_wait3A_1182 = tpu.memref_squeeze %dma_wait3A_1181 : memref<1x128x128xf32, #tpu.memory_space<vmem>> -> memref<128x128xf32, #tpu.memory_space<vmem>>
    %dma_wait3A_1183 = tpu.memref_slice %arg5[%multiple_of3A_179] : memref<3200xi32, #tpu.memory_space<vmem>> -> memref<128xi32, #tpu.memory_space<vmem>>
    %dma_wait3A_1184 = arith.constant 0 : i32
    %dma_wait3A_1185 = arith.constant 0 : i32
    %dma_wait3A_1186 = tpu.memref_slice %arg7[%dma_wait3A_1184, %dma_wait3A_1185] : memref<256x128xf32, #tpu.memory_space<vmem_shared>> -> memref<256x128xf32, #tpu.memory_space<vmem_shared>>
    tpu.wait_indirect_dma semaphore(%arg8 : memref<!tpu.dma_semaphore, #tpu.memory_space<semaphore_mem>>) src(%dma_wait3A_1186 : memref<256x128xf32, #tpu.memory_space<vmem_shared>>) dst(%dma_wait3A_1182 : memref<128x128xf32, #tpu.memory_space<vmem>>)
    %dma_start3A_1187 = arith.constant 0 : i32
    %dma_start3A_1188 = arith.constant 0 : i32
    %dma_start3A_1189 = arith.constant 0 : i32
    %dma_start3A_1190 = tpu.memref_slice %arg6[%dma_start3A_1187, %dma_start3A_1188, %dma_start3A_1189] : memref<6x128x128xf32, #tpu.memory_space<vmem>> -> memref<1x128x128xf32, #tpu.memory_space<vmem>>
    %dma_start3A_1191 = tpu.memref_squeeze %dma_start3A_1190 : memref<1x128x128xf32, #tpu.memory_space<vmem>> -> memref<128x128xf32, #tpu.memory_space<vmem>>
    %dma_start3A_1192 = arith.constant 0 : i32
    %dma_start3A_1193 = tpu.memref_slice %arg4[%multiple_of3A_130, %dma_start3A_1192] : memref<100000x128xf32, #tpu.memory_space<hbm>> -> memref<128x128xf32, #tpu.memory_space<hbm>>
    %dma_start3A_1194 = arith.constant 0 : i32
    %dma_start3A_1195 = tpu.memref_slice %arg4[%multiple_of3A_130, %dma_start3A_1194] : memref<100000x128xf32, #tpu.memory_space<hbm>> -> memref<128x128xf32, #tpu.memory_space<hbm>>
    %dma_start3A_1196 = arith.constant 0 : i32
    %dma_start3A_1197 = arith.constant 0 : i32
    %dma_start3A_1198 = tpu.memref_slice %arg6[%dma_start3A_1187, %dma_start3A_1196, %dma_start3A_1197] : memref<6x128x128xf32, #tpu.memory_space<vmem>> -> memref<1x128x128xf32, #tpu.memory_space<vmem>>
    %dma_start3A_1199 = tpu.memref_squeeze %dma_start3A_1198 : memref<1x128x128xf32, #tpu.memory_space<vmem>> -> memref<128x128xf32, #tpu.memory_space<vmem>>
    tpu.enqueue_dma source(%dma_start3A_1199 : memref<128x128xf32, #tpu.memory_space<vmem>>) target(%dma_start3A_1195 : memref<128x128xf32, #tpu.memory_space<hbm>>) target_semaphore(%arg9 : memref<!tpu.dma_semaphore, #tpu.memory_space<semaphore_mem>>)
    %dma_wait3A_1200 = arith.constant 1 : i32
    %dma_wait3A_1201 = arith.constant 0 : i32
    %dma_wait3A_1202 = arith.constant 0 : i32
    %dma_wait3A_1203 = tpu.memref_slice %arg6[%dma_wait3A_1200, %dma_wait3A_1201, %dma_wait3A_1202] : memref<6x128x128xf32, #tpu.memory_space<vmem>> -> memref<1x128x128xf32, #tpu.memory_space<vmem>>
    %dma_wait3A_1204 = tpu.memref_squeeze %dma_wait3A_1203 : memref<1x128x128xf32, #tpu.memory_space<vmem>> -> memref<128x128xf32, #tpu.memory_space<vmem>>
    %dma_wait3A_1205 = arith.constant 0 : i32
    %dma_wait3A_1206 = tpu.memref_slice %arg4[%multiple_of3A_105, %dma_wait3A_1205] : memref<100000x128xf32, #tpu.memory_space<hbm>> -> memref<128x128xf32, #tpu.memory_space<hbm>>
    %dma_wait3A_1207 = arith.constant 0 : i32
    %dma_wait3A_1208 = tpu.memref_slice %arg4[%multiple_of3A_105, %dma_wait3A_1207] : memref<100000x128xf32, #tpu.memory_space<hbm>> -> memref<128x128xf32, #tpu.memory_space<hbm>>
    %dma_wait3A_1209 = arith.constant 0 : i32
    %dma_wait3A_1210 = arith.constant 0 : i32
    %dma_wait3A_1211 = tpu.memref_slice %arg6[%dma_wait3A_1200, %dma_wait3A_1209, %dma_wait3A_1210] : memref<6x128x128xf32, #tpu.memory_space<vmem>> -> memref<1x128x128xf32, #tpu.memory_space<vmem>>
    %dma_wait3A_1212 = tpu.memref_squeeze %dma_wait3A_1211 : memref<1x128x128xf32, #tpu.memory_space<vmem>> -> memref<128x128xf32, #tpu.memory_space<vmem>>
    tpu.wait_dma2 semaphore(%arg9 : memref<!tpu.dma_semaphore, #tpu.memory_space<semaphore_mem>>) src(%dma_wait3A_1212 : memref<128x128xf32, #tpu.memory_space<vmem>>) dst(%dma_wait3A_1208 : memref<128x128xf32, #tpu.memory_space<hbm>>)
    %dma_wait3A_1213 = arith.constant 2 : i32
    %dma_wait3A_1214 = arith.constant 0 : i32
    %dma_wait3A_1215 = arith.constant 0 : i32
    %dma_wait3A_1216 = tpu.memref_slice %arg6[%dma_wait3A_1213, %dma_wait3A_1214, %dma_wait3A_1215] : memref<6x128x128xf32, #tpu.memory_space<vmem>> -> memref<1x128x128xf32, #tpu.memory_space<vmem>>
    %dma_wait3A_1217 = tpu.memref_squeeze %dma_wait3A_1216 : memref<1x128x128xf32, #tpu.memory_space<vmem>> -> memref<128x128xf32, #tpu.memory_space<vmem>>
    %dma_wait3A_1218 = arith.constant 0 : i32
    %dma_wait3A_1219 = tpu.memref_slice %arg4[%multiple_of3A_110, %dma_wait3A_1218] : memref<100000x128xf32, #tpu.memory_space<hbm>> -> memref<128x128xf32, #tpu.memory_space<hbm>>
    %dma_wait3A_1220 = arith.constant 0 : i32
    %dma_wait3A_1221 = tpu.memref_slice %arg4[%multiple_of3A_110, %dma_wait3A_1220] : memref<100000x128xf32, #tpu.memory_space<hbm>> -> memref<128x128xf32, #tpu.memory_space<hbm>>
    %dma_wait3A_1222 = arith.constant 0 : i32
    %dma_wait3A_1223 = arith.constant 0 : i32
    %dma_wait3A_1224 = tpu.memref_slice %arg6[%dma_wait3A_1213, %dma_wait3A_1222, %dma_wait3A_1223] : memref<6x128x128xf32, #tpu.memory_space<vmem>> -> memref<1x128x128xf32, #tpu.memory_space<vmem>>
    %dma_wait3A_1225 = tpu.memref_squeeze %dma_wait3A_1224 : memref<1x128x128xf32, #tpu.memory_space<vmem>> -> memref<128x128xf32, #tpu.memory_space<vmem>>
    tpu.wait_dma2 semaphore(%arg9 : memref<!tpu.dma_semaphore, #tpu.memory_space<semaphore_mem>>) src(%dma_wait3A_1225 : memref<128x128xf32, #tpu.memory_space<vmem>>) dst(%dma_wait3A_1221 : memref<128x128xf32, #tpu.memory_space<hbm>>)
    %dma_wait3A_1226 = arith.constant 3 : i32
    %dma_wait3A_1227 = arith.constant 0 : i32
    %dma_wait3A_1228 = arith.constant 0 : i32
    %dma_wait3A_1229 = tpu.memref_slice %arg6[%dma_wait3A_1226, %dma_wait3A_1227, %dma_wait3A_1228] : memref<6x128x128xf32, #tpu.memory_space<vmem>> -> memref<1x128x128xf32, #tpu.memory_space<vmem>>
    %dma_wait3A_1230 = tpu.memref_squeeze %dma_wait3A_1229 : memref<1x128x128xf32, #tpu.memory_space<vmem>> -> memref<128x128xf32, #tpu.memory_space<vmem>>
    %dma_wait3A_1231 = arith.constant 0 : i32
    %dma_wait3A_1232 = tpu.memref_slice %arg4[%multiple_of3A_115, %dma_wait3A_1231] : memref<100000x128xf32, #tpu.memory_space<hbm>> -> memref<128x128xf32, #tpu.memory_space<hbm>>
    %dma_wait3A_1233 = arith.constant 0 : i32
    %dma_wait3A_1234 = tpu.memref_slice %arg4[%multiple_of3A_115, %dma_wait3A_1233] : memref<100000x128xf32, #tpu.memory_space<hbm>> -> memref<128x128xf32, #tpu.memory_space<hbm>>
    %dma_wait3A_1235 = arith.constant 0 : i32
    %dma_wait3A_1236 = arith.constant 0 : i32
    %dma_wait3A_1237 = tpu.memref_slice %arg6[%dma_wait3A_1226, %dma_wait3A_1235, %dma_wait3A_1236] : memref<6x128x128xf32, #tpu.memory_space<vmem>> -> memref<1x128x128xf32, #tpu.memory_space<vmem>>
    %dma_wait3A_1238 = tpu.memref_squeeze %dma_wait3A_1237 : memref<1x128x128xf32, #tpu.memory_space<vmem>> -> memref<128x128xf32, #tpu.memory_space<vmem>>
    tpu.wait_dma2 semaphore(%arg9 : memref<!tpu.dma_semaphore, #tpu.memory_space<semaphore_mem>>) src(%dma_wait3A_1238 : memref<128x128xf32, #tpu.memory_space<vmem>>) dst(%dma_wait3A_1234 : memref<128x128xf32, #tpu.memory_space<hbm>>)
    %dma_wait3A_1239 = arith.constant 4 : i32
    %dma_wait3A_1240 = arith.constant 0 : i32
    %dma_wait3A_1241 = arith.constant 0 : i32
    %dma_wait3A_1242 = tpu.memref_slice %arg6[%dma_wait3A_1239, %dma_wait3A_1240, %dma_wait3A_1241] : memref<6x128x128xf32, #tpu.memory_space<vmem>> -> memref<1x128x128xf32, #tpu.memory_space<vmem>>
    %dma_wait3A_1243 = tpu.memref_squeeze %dma_wait3A_1242 : memref<1x128x128xf32, #tpu.memory_space<vmem>> -> memref<128x128xf32, #tpu.memory_space<vmem>>
    %dma_wait3A_1244 = arith.constant 0 : i32
    %dma_wait3A_1245 = tpu.memref_slice %arg4[%multiple_of3A_120, %dma_wait3A_1244] : memref<100000x128xf32, #tpu.memory_space<hbm>> -> memref<128x128xf32, #tpu.memory_space<hbm>>
    %dma_wait3A_1246 = arith.constant 0 : i32
    %dma_wait3A_1247 = tpu.memref_slice %arg4[%multiple_of3A_120, %dma_wait3A_1246] : memref<100000x128xf32, #tpu.memory_space<hbm>> -> memref<128x128xf32, #tpu.memory_space<hbm>>
    %dma_wait3A_1248 = arith.constant 0 : i32
    %dma_wait3A_1249 = arith.constant 0 : i32
    %dma_wait3A_1250 = tpu.memref_slice %arg6[%dma_wait3A_1239, %dma_wait3A_1248, %dma_wait3A_1249] : memref<6x128x128xf32, #tpu.memory_space<vmem>> -> memref<1x128x128xf32, #tpu.memory_space<vmem>>
    %dma_wait3A_1251 = tpu.memref_squeeze %dma_wait3A_1250 : memref<1x128x128xf32, #tpu.memory_space<vmem>> -> memref<128x128xf32, #tpu.memory_space<vmem>>
    tpu.wait_dma2 semaphore(%arg9 : memref<!tpu.dma_semaphore, #tpu.memory_space<semaphore_mem>>) src(%dma_wait3A_1251 : memref<128x128xf32, #tpu.memory_space<vmem>>) dst(%dma_wait3A_1247 : memref<128x128xf32, #tpu.memory_space<hbm>>)
    %dma_wait3A_1252 = arith.constant 5 : i32
    %dma_wait3A_1253 = arith.constant 0 : i32
    %dma_wait3A_1254 = arith.constant 0 : i32
    %dma_wait3A_1255 = tpu.memref_slice %arg6[%dma_wait3A_1252, %dma_wait3A_1253, %dma_wait3A_1254] : memref<6x128x128xf32, #tpu.memory_space<vmem>> -> memref<1x128x128xf32, #tpu.memory_space<vmem>>
    %dma_wait3A_1256 = tpu.memref_squeeze %dma_wait3A_1255 : memref<1x128x128xf32, #tpu.memory_space<vmem>> -> memref<128x128xf32, #tpu.memory_space<vmem>>
    %dma_wait3A_1257 = arith.constant 0 : i32
    %dma_wait3A_1258 = tpu.memref_slice %arg4[%multiple_of3A_125, %dma_wait3A_1257] : memref<100000x128xf32, #tpu.memory_space<hbm>> -> memref<128x128xf32, #tpu.memory_space<hbm>>
    %dma_wait3A_1259 = arith.constant 0 : i32
    %dma_wait3A_1260 = tpu.memref_slice %arg4[%multiple_of3A_125, %dma_wait3A_1259] : memref<100000x128xf32, #tpu.memory_space<hbm>> -> memref<128x128xf32, #tpu.memory_space<hbm>>
    %dma_wait3A_1261 = arith.constant 0 : i32
    %dma_wait3A_1262 = arith.constant 0 : i32
    %dma_wait3A_1263 = tpu.memref_slice %arg6[%dma_wait3A_1252, %dma_wait3A_1261, %dma_wait3A_1262] : memref<6x128x128xf32, #tpu.memory_space<vmem>> -> memref<1x128x128xf32, #tpu.memory_space<vmem>>
    %dma_wait3A_1264 = tpu.memref_squeeze %dma_wait3A_1263 : memref<1x128x128xf32, #tpu.memory_space<vmem>> -> memref<128x128xf32, #tpu.memory_space<vmem>>
    tpu.wait_dma2 semaphore(%arg9 : memref<!tpu.dma_semaphore, #tpu.memory_space<semaphore_mem>>) src(%dma_wait3A_1264 : memref<128x128xf32, #tpu.memory_space<vmem>>) dst(%dma_wait3A_1260 : memref<128x128xf32, #tpu.memory_space<hbm>>)
    %dma_wait3A_1265 = arith.constant 0 : i32
    %dma_wait3A_1266 = arith.constant 0 : i32
    %dma_wait3A_1267 = arith.constant 0 : i32
    %dma_wait3A_1268 = tpu.memref_slice %arg6[%dma_wait3A_1265, %dma_wait3A_1266, %dma_wait3A_1267] : memref<6x128x128xf32, #tpu.memory_space<vmem>> -> memref<1x128x128xf32, #tpu.memory_space<vmem>>
    %dma_wait3A_1269 = tpu.memref_squeeze %dma_wait3A_1268 : memref<1x128x128xf32, #tpu.memory_space<vmem>> -> memref<128x128xf32, #tpu.memory_space<vmem>>
    %dma_wait3A_1270 = arith.constant 0 : i32
    %dma_wait3A_1271 = tpu.memref_slice %arg4[%multiple_of3A_130, %dma_wait3A_1270] : memref<100000x128xf32, #tpu.memory_space<hbm>> -> memref<128x128xf32, #tpu.memory_space<hbm>>
    %dma_wait3A_1272 = arith.constant 0 : i32
    %dma_wait3A_1273 = tpu.memref_slice %arg4[%multiple_of3A_130, %dma_wait3A_1272] : memref<100000x128xf32, #tpu.memory_space<hbm>> -> memref<128x128xf32, #tpu.memory_space<hbm>>
    %dma_wait3A_1274 = arith.constant 0 : i32
    %dma_wait3A_1275 = arith.constant 0 : i32
    %dma_wait3A_1276 = tpu.memref_slice %arg6[%dma_wait3A_1265, %dma_wait3A_1274, %dma_wait3A_1275] : memref<6x128x128xf32, #tpu.memory_space<vmem>> -> memref<1x128x128xf32, #tpu.memory_space<vmem>>
    %dma_wait3A_1277 = tpu.memref_squeeze %dma_wait3A_1276 : memref<1x128x128xf32, #tpu.memory_space<vmem>> -> memref<128x128xf32, #tpu.memory_space<vmem>>
    tpu.wait_dma2 semaphore(%arg9 : memref<!tpu.dma_semaphore, #tpu.memory_space<semaphore_mem>>) src(%dma_wait3A_1277 : memref<128x128xf32, #tpu.memory_space<vmem>>) dst(%dma_wait3A_1273 : memref<128x128xf32, #tpu.memory_space<hbm>>)
    return
  }
}

module attributes {stable_mosaic.version = 14 : i64} {
  func.func @_tc_body(%arg0: i32, %arg1: memref<100xi32, #tpu.memory_space<smem>>, %arg2: memref<100xi32, #tpu.memory_space<smem>>, %arg3: memref<100000x128xf32, #tpu.memory_space<hbm>>, %arg4: memref<128x128xf32, #tpu.memory_space<vmem>>, %arg5: memref<1x128xf32, #tpu.memory_space<vmem>>, %arg6: memref<1x128xf32, #tpu.memory_space<vmem>>, %arg7: memref<1x128xf32, #tpu.memory_space<vmem>>, %arg8: memref<1000x1xi32, #tpu.memory_space<vmem>>, %arg9: memref<256x128xf32, #tpu.memory_space<vmem>>, %arg10: memref<2x1000x128xf32, #tpu.memory_space<vmem>>, %arg11: memref<256x128xf32, #tpu.memory_space<vmem>>, %arg12: memref<1000x128xf32, #tpu.memory_space<vmem>>, %arg13: memref<8x128xf32, #tpu.memory_space<vmem>>, %arg14: memref<8x128xf32, #tpu.memory_space<vmem>>, %arg15: memref<2x4x!tpu.dma_semaphore, #tpu.memory_space<semaphore_mem>>) attributes {dimension_semantics = [#tpu.dimension_semantics<arbitrary>], iteration_bounds = array<i64: 100>, scalar_prefetch = 0 : i64, scratch_operands = 6 : i64, tpu.core_type = #tpu.core_type<tc>, window_params = [{transform_indices = @transform_0, window_bounds = array<i64: 100>}, {transform_indices = @transform_1, window_bounds = array<i64: 100>}, {}, {pipeline_mode = #tpu.pipeline_mode<synchronous>, transform_indices = @transform_3, window_bounds = array<i64: 128, 128>}, {pipeline_mode = #tpu.pipeline_mode<synchronous>, transform_indices = @transform_4, window_bounds = array<i64: 1, 128>}, {pipeline_mode = #tpu.pipeline_mode<synchronous>, transform_indices = @transform_5, window_bounds = array<i64: 1, 128>}, {pipeline_mode = #tpu.pipeline_mode<synchronous>, transform_indices = @transform_6, window_bounds = array<i64: 1, 128>}, {transform_indices = @transform_7, window_bounds = array<i64: 1000, 1>}, {pipeline_mode = #tpu.pipeline_mode<synchronous>, transform_indices = @transform_8, window_bounds = array<i64: 256, 128>}]} {
    %eq3A = arith.constant 0 : i32
    %eq3A_0 = arith.cmpi eq, %arg0, %eq3A : i32
    %convert_element_type3A = arith.extui %eq3A_0 : i1 to i32
    %cond3A = arith.constant 0 : i32
    %cond3A_1 = arith.cmpi ne, %convert_element_type3A, %cond3A : i32
    scf.if %cond3A_1 {
      %broadcast_in_dim3A_555 = arith.constant 0xFF800000 : f32
      %broadcast_in_dim3A_556 = vector.broadcast %broadcast_in_dim3A_555 : f32 to vector<256x128xf32>
      %swap3A_557 = arith.constant 0 : index
      %swap3A_558 = arith.constant 0 : index
      %swap3A_559 = vector.load %arg11[%swap3A_557, %swap3A_558] : memref<256x128xf32, #tpu.memory_space<vmem>>, vector<256x128xf32>
      tpu.vector_store %arg11[%swap3A_557, %swap3A_558], %broadcast_in_dim3A_556 {strides = array<i32>} : memref<256x128xf32, #tpu.memory_space<vmem>>, vector<256x128xf32>,
      %broadcast_in_dim3A_560 = arith.constant 0.000000e+00 : f32
      %broadcast_in_dim3A_561 = vector.broadcast %broadcast_in_dim3A_560 : f32 to vector<8x128xf32>
      %swap3A_562 = arith.constant 0 : index
      %swap3A_563 = arith.constant 0 : index
      %swap3A_564 = vector.load %arg13[%swap3A_562, %swap3A_563] : memref<8x128xf32, #tpu.memory_space<vmem>>, vector<8x128xf32>
      tpu.vector_store %arg13[%swap3A_562, %swap3A_563], %broadcast_in_dim3A_561 {strides = array<i32>} : memref<8x128xf32, #tpu.memory_space<vmem>>, vector<8x128xf32>,
      %broadcast_in_dim3A_565 = arith.constant 0.000000e+00 : f32
      %broadcast_in_dim3A_566 = vector.broadcast %broadcast_in_dim3A_565 : f32 to vector<8x128xf32>
      %swap3A_567 = arith.constant 0 : index
      %swap3A_568 = arith.constant 0 : index
      %swap3A_569 = vector.load %arg14[%swap3A_567, %swap3A_568] : memref<8x128xf32, #tpu.memory_space<vmem>>, vector<8x128xf32>
      tpu.vector_store %arg14[%swap3A_567, %swap3A_568], %broadcast_in_dim3A_566 {strides = array<i32>} : memref<8x128xf32, #tpu.memory_space<vmem>>, vector<8x128xf32>,
      %dma_start3A = arith.constant 0 : i32
      %dma_start3A_570 = arith.constant 0 : i32
      %dma_start3A_571 = arith.constant 0 : i32
      %dma_start3A_572 = tpu.memref_slice %arg15[%dma_start3A_570, %dma_start3A_571] : memref<2x4x!tpu.dma_semaphore, #tpu.memory_space<semaphore_mem>> -> memref<1x1x!tpu.dma_semaphore, #tpu.memory_space<semaphore_mem>>
      %dma_start3A_573 = tpu.memref_squeeze %dma_start3A_572 : memref<1x1x!tpu.dma_semaphore, #tpu.memory_space<semaphore_mem>> -> memref<!tpu.dma_semaphore, #tpu.memory_space<semaphore_mem>>
      %dma_start3A_574 = arith.constant 0 : i32
      %dma_start3A_575 = arith.constant 0 : i32
      %dma_start3A_576 = tpu.memref_slice %arg10[%dma_start3A, %dma_start3A_574, %dma_start3A_575] : memref<2x1000x128xf32, #tpu.memory_space<vmem>> -> memref<1x250x128xf32, #tpu.memory_space<vmem>>
      %dma_start3A_577 = tpu.memref_squeeze %dma_start3A_576 : memref<1x250x128xf32, #tpu.memory_space<vmem>> -> memref<250x128xf32, #tpu.memory_space<vmem>>
      %dma_start3A_578 = arith.constant 0 : i32
      %dma_start3A_579 = arith.constant 0 : i32
      %dma_start3A_580 = tpu.memref_slice %arg3[%dma_start3A_578, %dma_start3A_579] : memref<100000x128xf32, #tpu.memory_space<hbm>> -> memref<250x128xf32, #tpu.memory_space<hbm>>
      tpu.enqueue_dma source(%dma_start3A_580 : memref<250x128xf32, #tpu.memory_space<hbm>>) target(%dma_start3A_577 : memref<250x128xf32, #tpu.memory_space<vmem>>) target_semaphore(%dma_start3A_573 : memref<!tpu.dma_semaphore, #tpu.memory_space<semaphore_mem>>)
      %dma_start3A_581 = arith.constant 0 : i32
      %dma_start3A_582 = arith.constant 0 : i32
      %dma_start3A_583 = arith.constant 1 : i32
      %dma_start3A_584 = tpu.memref_slice %arg15[%dma_start3A_582, %dma_start3A_583] : memref<2x4x!tpu.dma_semaphore, #tpu.memory_space<semaphore_mem>> -> memref<1x1x!tpu.dma_semaphore, #tpu.memory_space<semaphore_mem>>
      %dma_start3A_585 = tpu.memref_squeeze %dma_start3A_584 : memref<1x1x!tpu.dma_semaphore, #tpu.memory_space<semaphore_mem>> -> memref<!tpu.dma_semaphore, #tpu.memory_space<semaphore_mem>>
      %dma_start3A_586 = arith.constant 250 : i32
      %dma_start3A_587 = arith.constant 0 : i32
      %dma_start3A_588 = tpu.memref_slice %arg10[%dma_start3A_581, %dma_start3A_586, %dma_start3A_587] : memref<2x1000x128xf32, #tpu.memory_space<vmem>> -> memref<1x250x128xf32, #tpu.memory_space<vmem>>
      %dma_start3A_589 = tpu.memref_squeeze %dma_start3A_588 : memref<1x250x128xf32, #tpu.memory_space<vmem>> -> memref<250x128xf32, #tpu.memory_space<vmem>>
      %dma_start3A_590 = arith.constant 250 : i32
      %dma_start3A_591 = arith.constant 0 : i32
      %dma_start3A_592 = tpu.memref_slice %arg3[%dma_start3A_590, %dma_start3A_591] : memref<100000x128xf32, #tpu.memory_space<hbm>> -> memref<250x128xf32, #tpu.memory_space<hbm>>
      tpu.enqueue_dma source(%dma_start3A_592 : memref<250x128xf32, #tpu.memory_space<hbm>>) target(%dma_start3A_589 : memref<250x128xf32, #tpu.memory_space<vmem>>) target_semaphore(%dma_start3A_585 : memref<!tpu.dma_semaphore, #tpu.memory_space<semaphore_mem>>)
      %dma_start3A_593 = arith.constant 0 : i32
      %dma_start3A_594 = arith.constant 0 : i32
      %dma_start3A_595 = arith.constant 2 : i32
      %dma_start3A_596 = tpu.memref_slice %arg15[%dma_start3A_594, %dma_start3A_595] : memref<2x4x!tpu.dma_semaphore, #tpu.memory_space<semaphore_mem>> -> memref<1x1x!tpu.dma_semaphore, #tpu.memory_space<semaphore_mem>>
      %dma_start3A_597 = tpu.memref_squeeze %dma_start3A_596 : memref<1x1x!tpu.dma_semaphore, #tpu.memory_space<semaphore_mem>> -> memref<!tpu.dma_semaphore, #tpu.memory_space<semaphore_mem>>
      %dma_start3A_598 = arith.constant 500 : i32
      %dma_start3A_599 = arith.constant 0 : i32
      %dma_start3A_600 = tpu.memref_slice %arg10[%dma_start3A_593, %dma_start3A_598, %dma_start3A_599] : memref<2x1000x128xf32, #tpu.memory_space<vmem>> -> memref<1x250x128xf32, #tpu.memory_space<vmem>>
      %dma_start3A_601 = tpu.memref_squeeze %dma_start3A_600 : memref<1x250x128xf32, #tpu.memory_space<vmem>> -> memref<250x128xf32, #tpu.memory_space<vmem>>
      %dma_start3A_602 = arith.constant 500 : i32
      %dma_start3A_603 = arith.constant 0 : i32
      %dma_start3A_604 = tpu.memref_slice %arg3[%dma_start3A_602, %dma_start3A_603] : memref<100000x128xf32, #tpu.memory_space<hbm>> -> memref<250x128xf32, #tpu.memory_space<hbm>>
      tpu.enqueue_dma source(%dma_start3A_604 : memref<250x128xf32, #tpu.memory_space<hbm>>) target(%dma_start3A_601 : memref<250x128xf32, #tpu.memory_space<vmem>>) target_semaphore(%dma_start3A_597 : memref<!tpu.dma_semaphore, #tpu.memory_space<semaphore_mem>>)
      %dma_start3A_605 = arith.constant 0 : i32
      %dma_start3A_606 = arith.constant 0 : i32
      %dma_start3A_607 = arith.constant 3 : i32
      %dma_start3A_608 = tpu.memref_slice %arg15[%dma_start3A_606, %dma_start3A_607] : memref<2x4x!tpu.dma_semaphore, #tpu.memory_space<semaphore_mem>> -> memref<1x1x!tpu.dma_semaphore, #tpu.memory_space<semaphore_mem>>
      %dma_start3A_609 = tpu.memref_squeeze %dma_start3A_608 : memref<1x1x!tpu.dma_semaphore, #tpu.memory_space<semaphore_mem>> -> memref<!tpu.dma_semaphore, #tpu.memory_space<semaphore_mem>>
      %dma_start3A_610 = arith.constant 750 : i32
      %dma_start3A_611 = arith.constant 0 : i32
      %dma_start3A_612 = tpu.memref_slice %arg10[%dma_start3A_605, %dma_start3A_610, %dma_start3A_611] : memref<2x1000x128xf32, #tpu.memory_space<vmem>> -> memref<1x250x128xf32, #tpu.memory_space<vmem>>
      %dma_start3A_613 = tpu.memref_squeeze %dma_start3A_612 : memref<1x250x128xf32, #tpu.memory_space<vmem>> -> memref<250x128xf32, #tpu.memory_space<vmem>>
      %dma_start3A_614 = arith.constant 750 : i32
      %dma_start3A_615 = arith.constant 0 : i32
      %dma_start3A_616 = tpu.memref_slice %arg3[%dma_start3A_614, %dma_start3A_615] : memref<100000x128xf32, #tpu.memory_space<hbm>> -> memref<250x128xf32, #tpu.memory_space<hbm>>
      tpu.enqueue_dma source(%dma_start3A_616 : memref<250x128xf32, #tpu.memory_space<hbm>>) target(%dma_start3A_613 : memref<250x128xf32, #tpu.memory_space<vmem>>) target_semaphore(%dma_start3A_609 : memref<!tpu.dma_semaphore, #tpu.memory_space<semaphore_mem>>)
    } else {
    }
    %add3A = arith.constant 1 : i32
    %add3A_2 = arith.addi %arg0, %add3A : i32
    %lt3A = arith.constant 100 : i32
    %lt3A_3 = arith.cmpi slt, %add3A_2, %lt3A : i32
    %convert_element_type3A_4 = arith.extui %lt3A_3 : i1 to i32
    %cond3A_5 = arith.constant 0 : i32
    %cond3A_6 = arith.cmpi ne, %convert_element_type3A_4, %cond3A_5 : i32
    scf.if %cond3A_6 {
      %add3A_555 = arith.constant 1 : i32
      %add3A_556 = arith.addi %arg0, %add3A_555 : i32
      %jit3A_557 = arith.constant 2 : i32
      %eq3A_558 = arith.constant 0 : i32
      %eq3A_559 = arith.cmpi eq, %jit3A_557, %eq3A_558 : i32
      %jit3A_560 = arith.constant 1 : i32
      %select_n3A_561 = arith.select %eq3A_559, %jit3A_560, %jit3A_557 : i32
      %rem3A_562 = arith.remsi %add3A_556, %select_n3A_561 : i32
      %ne3A_563 = arith.constant 0 : i32
      %ne3A_564 = arith.cmpi ne, %rem3A_562, %ne3A_563 : i32
      %lt3A_565 = arith.constant 0 : i32
      %lt3A_566 = arith.cmpi slt, %rem3A_562, %lt3A_565 : i32
      %lt3A_567 = arith.constant 0 : i32
      %lt3A_568 = arith.cmpi slt, %select_n3A_561, %lt3A_567 : i32
      %ne3A_569 = arith.xori %lt3A_566, %lt3A_568 : i1
      %and3A_570 = arith.andi %ne3A_569, %ne3A_564 : i1
      %add3A_571 = arith.addi %rem3A_562, %select_n3A_561 : i32
      %select_n3A_572 = arith.select %and3A_570, %add3A_571, %rem3A_562 : i32
      %mul3A_573 = arith.constant 1000 : i32
      %mul3A_574 = arith.muli %add3A_556, %mul3A_573 : i32
      %add3A_575 = arith.constant 0 : i32
      %add3A_576 = arith.addi %mul3A_574, %add3A_575 : i32
      %dma_start3A = arith.constant 0 : i32
      %dma_start3A_577 = tpu.memref_slice %arg15[%select_n3A_572, %dma_start3A] : memref<2x4x!tpu.dma_semaphore, #tpu.memory_space<semaphore_mem>> -> memref<1x1x!tpu.dma_semaphore, #tpu.memory_space<semaphore_mem>>
      %dma_start3A_578 = tpu.memref_squeeze %dma_start3A_577 : memref<1x1x!tpu.dma_semaphore, #tpu.memory_space<semaphore_mem>> -> memref<!tpu.dma_semaphore, #tpu.memory_space<semaphore_mem>>
      %dma_start3A_579 = arith.constant 0 : i32
      %dma_start3A_580 = arith.constant 0 : i32
      %dma_start3A_581 = tpu.memref_slice %arg10[%select_n3A_572, %dma_start3A_579, %dma_start3A_580] : memref<2x1000x128xf32, #tpu.memory_space<vmem>> -> memref<1x250x128xf32, #tpu.memory_space<vmem>>
      %dma_start3A_582 = tpu.memref_squeeze %dma_start3A_581 : memref<1x250x128xf32, #tpu.memory_space<vmem>> -> memref<250x128xf32, #tpu.memory_space<vmem>>
      %dma_start3A_583 = arith.constant 0 : i32
      %dma_start3A_584 = tpu.memref_slice %arg3[%add3A_576, %dma_start3A_583] : memref<100000x128xf32, #tpu.memory_space<hbm>> -> memref<250x128xf32, #tpu.memory_space<hbm>>
      tpu.enqueue_dma source(%dma_start3A_584 : memref<250x128xf32, #tpu.memory_space<hbm>>) target(%dma_start3A_582 : memref<250x128xf32, #tpu.memory_space<vmem>>) target_semaphore(%dma_start3A_578 : memref<!tpu.dma_semaphore, #tpu.memory_space<semaphore_mem>>)
      %mul3A_585 = arith.constant 1000 : i32
      %mul3A_586 = arith.muli %add3A_556, %mul3A_585 : i32
      %add3A_587 = arith.constant 250 : i32
      %add3A_588 = arith.addi %mul3A_586, %add3A_587 : i32
      %dma_start3A_589 = arith.constant 1 : i32
      %dma_start3A_590 = tpu.memref_slice %arg15[%select_n3A_572, %dma_start3A_589] : memref<2x4x!tpu.dma_semaphore, #tpu.memory_space<semaphore_mem>> -> memref<1x1x!tpu.dma_semaphore, #tpu.memory_space<semaphore_mem>>
      %dma_start3A_591 = tpu.memref_squeeze %dma_start3A_590 : memref<1x1x!tpu.dma_semaphore, #tpu.memory_space<semaphore_mem>> -> memref<!tpu.dma_semaphore, #tpu.memory_space<semaphore_mem>>
      %dma_start3A_592 = arith.constant 250 : i32
      %dma_start3A_593 = arith.constant 0 : i32
      %dma_start3A_594 = tpu.memref_slice %arg10[%select_n3A_572, %dma_start3A_592, %dma_start3A_593] : memref<2x1000x128xf32, #tpu.memory_space<vmem>> -> memref<1x250x128xf32, #tpu.memory_space<vmem>>
      %dma_start3A_595 = tpu.memref_squeeze %dma_start3A_594 : memref<1x250x128xf32, #tpu.memory_space<vmem>> -> memref<250x128xf32, #tpu.memory_space<vmem>>
      %dma_start3A_596 = arith.constant 0 : i32
      %dma_start3A_597 = tpu.memref_slice %arg3[%add3A_588, %dma_start3A_596] : memref<100000x128xf32, #tpu.memory_space<hbm>> -> memref<250x128xf32, #tpu.memory_space<hbm>>
      tpu.enqueue_dma source(%dma_start3A_597 : memref<250x128xf32, #tpu.memory_space<hbm>>) target(%dma_start3A_595 : memref<250x128xf32, #tpu.memory_space<vmem>>) target_semaphore(%dma_start3A_591 : memref<!tpu.dma_semaphore, #tpu.memory_space<semaphore_mem>>)
      %mul3A_598 = arith.constant 1000 : i32
      %mul3A_599 = arith.muli %add3A_556, %mul3A_598 : i32
      %add3A_600 = arith.constant 500 : i32
      %add3A_601 = arith.addi %mul3A_599, %add3A_600 : i32
      %dma_start3A_602 = arith.constant 2 : i32
      %dma_start3A_603 = tpu.memref_slice %arg15[%select_n3A_572, %dma_start3A_602] : memref<2x4x!tpu.dma_semaphore, #tpu.memory_space<semaphore_mem>> -> memref<1x1x!tpu.dma_semaphore, #tpu.memory_space<semaphore_mem>>
      %dma_start3A_604 = tpu.memref_squeeze %dma_start3A_603 : memref<1x1x!tpu.dma_semaphore, #tpu.memory_space<semaphore_mem>> -> memref<!tpu.dma_semaphore, #tpu.memory_space<semaphore_mem>>
      %dma_start3A_605 = arith.constant 500 : i32
      %dma_start3A_606 = arith.constant 0 : i32
      %dma_start3A_607 = tpu.memref_slice %arg10[%select_n3A_572, %dma_start3A_605, %dma_start3A_606] : memref<2x1000x128xf32, #tpu.memory_space<vmem>> -> memref<1x250x128xf32, #tpu.memory_space<vmem>>
      %dma_start3A_608 = tpu.memref_squeeze %dma_start3A_607 : memref<1x250x128xf32, #tpu.memory_space<vmem>> -> memref<250x128xf32, #tpu.memory_space<vmem>>
      %dma_start3A_609 = arith.constant 0 : i32
      %dma_start3A_610 = tpu.memref_slice %arg3[%add3A_601, %dma_start3A_609] : memref<100000x128xf32, #tpu.memory_space<hbm>> -> memref<250x128xf32, #tpu.memory_space<hbm>>
      tpu.enqueue_dma source(%dma_start3A_610 : memref<250x128xf32, #tpu.memory_space<hbm>>) target(%dma_start3A_608 : memref<250x128xf32, #tpu.memory_space<vmem>>) target_semaphore(%dma_start3A_604 : memref<!tpu.dma_semaphore, #tpu.memory_space<semaphore_mem>>)
      %mul3A_611 = arith.constant 1000 : i32
      %mul3A_612 = arith.muli %add3A_556, %mul3A_611 : i32
      %add3A_613 = arith.constant 750 : i32
      %add3A_614 = arith.addi %mul3A_612, %add3A_613 : i32
      %dma_start3A_615 = arith.constant 3 : i32
      %dma_start3A_616 = tpu.memref_slice %arg15[%select_n3A_572, %dma_start3A_615] : memref<2x4x!tpu.dma_semaphore, #tpu.memory_space<semaphore_mem>> -> memref<1x1x!tpu.dma_semaphore, #tpu.memory_space<semaphore_mem>>
      %dma_start3A_617 = tpu.memref_squeeze %dma_start3A_616 : memref<1x1x!tpu.dma_semaphore, #tpu.memory_space<semaphore_mem>> -> memref<!tpu.dma_semaphore, #tpu.memory_space<semaphore_mem>>
      %dma_start3A_618 = arith.constant 750 : i32
      %dma_start3A_619 = arith.constant 0 : i32
      %dma_start3A_620 = tpu.memref_slice %arg10[%select_n3A_572, %dma_start3A_618, %dma_start3A_619] : memref<2x1000x128xf32, #tpu.memory_space<vmem>> -> memref<1x250x128xf32, #tpu.memory_space<vmem>>
      %dma_start3A_621 = tpu.memref_squeeze %dma_start3A_620 : memref<1x250x128xf32, #tpu.memory_space<vmem>> -> memref<250x128xf32, #tpu.memory_space<vmem>>
      %dma_start3A_622 = arith.constant 0 : i32
      %dma_start3A_623 = tpu.memref_slice %arg3[%add3A_614, %dma_start3A_622] : memref<100000x128xf32, #tpu.memory_space<hbm>> -> memref<250x128xf32, #tpu.memory_space<hbm>>
      tpu.enqueue_dma source(%dma_start3A_623 : memref<250x128xf32, #tpu.memory_space<hbm>>) target(%dma_start3A_621 : memref<250x128xf32, #tpu.memory_space<vmem>>) target_semaphore(%dma_start3A_617 : memref<!tpu.dma_semaphore, #tpu.memory_space<semaphore_mem>>)
    } else {
    }
    %jit3A = arith.constant 2 : i32
    %eq3A_7 = arith.constant 0 : i32
    %eq3A_8 = arith.cmpi eq, %jit3A, %eq3A_7 : i32
    %jit3A_9 = arith.constant 1 : i32
    %select_n3A = arith.select %eq3A_8, %jit3A_9, %jit3A : i32
    %rem3A = arith.remsi %arg0, %select_n3A : i32
    %ne3A = arith.constant 0 : i32
    %ne3A_10 = arith.cmpi ne, %rem3A, %ne3A : i32
    %lt3A_11 = arith.constant 0 : i32
    %lt3A_12 = arith.cmpi slt, %rem3A, %lt3A_11 : i32
    %lt3A_13 = arith.constant 0 : i32
    %lt3A_14 = arith.cmpi slt, %select_n3A, %lt3A_13 : i32
    %ne3A_15 = arith.xori %lt3A_12, %lt3A_14 : i1
    %and3A = arith.andi %ne3A_15, %ne3A_10 : i1
    %add3A_16 = arith.addi %rem3A, %select_n3A : i32
    %select_n3A_17 = arith.select %and3A, %add3A_16, %rem3A : i32
    %mul3A = arith.constant 1000 : i32
    %mul3A_18 = arith.muli %arg0, %mul3A : i32
    %add3A_19 = arith.constant 0 : i32
    %add3A_20 = arith.addi %mul3A_18, %add3A_19 : i32
    %dma_wait3A = arith.constant 0 : i32
    %dma_wait3A_21 = tpu.memref_slice %arg15[%select_n3A_17, %dma_wait3A] : memref<2x4x!tpu.dma_semaphore, #tpu.memory_space<semaphore_mem>> -> memref<1x1x!tpu.dma_semaphore, #tpu.memory_space<semaphore_mem>>
    %dma_wait3A_22 = tpu.memref_squeeze %dma_wait3A_21 : memref<1x1x!tpu.dma_semaphore, #tpu.memory_space<semaphore_mem>> -> memref<!tpu.dma_semaphore, #tpu.memory_space<semaphore_mem>>
    %dma_wait3A_23 = arith.constant 0 : i32
    %dma_wait3A_24 = arith.constant 0 : i32
    %dma_wait3A_25 = tpu.memref_slice %arg10[%select_n3A_17, %dma_wait3A_23, %dma_wait3A_24] : memref<2x1000x128xf32, #tpu.memory_space<vmem>> -> memref<1x250x128xf32, #tpu.memory_space<vmem>>
    %dma_wait3A_26 = tpu.memref_squeeze %dma_wait3A_25 : memref<1x250x128xf32, #tpu.memory_space<vmem>> -> memref<250x128xf32, #tpu.memory_space<vmem>>
    %dma_wait3A_27 = arith.constant 0 : i32
    %dma_wait3A_28 = tpu.memref_slice %arg3[%add3A_20, %dma_wait3A_27] : memref<100000x128xf32, #tpu.memory_space<hbm>> -> memref<250x128xf32, #tpu.memory_space<hbm>>
    tpu.wait_dma2 semaphore(%dma_wait3A_22 : memref<!tpu.dma_semaphore, #tpu.memory_space<semaphore_mem>>) src(%dma_wait3A_28 : memref<250x128xf32, #tpu.memory_space<hbm>>) dst(%dma_wait3A_26 : memref<250x128xf32, #tpu.memory_space<vmem>>)
    %mul3A_29 = arith.constant 1000 : i32
    %mul3A_30 = arith.muli %arg0, %mul3A_29 : i32
    %add3A_31 = arith.constant 250 : i32
    %add3A_32 = arith.addi %mul3A_30, %add3A_31 : i32
    %dma_wait3A_33 = arith.constant 1 : i32
    %dma_wait3A_34 = tpu.memref_slice %arg15[%select_n3A_17, %dma_wait3A_33] : memref<2x4x!tpu.dma_semaphore, #tpu.memory_space<semaphore_mem>> -> memref<1x1x!tpu.dma_semaphore, #tpu.memory_space<semaphore_mem>>
    %dma_wait3A_35 = tpu.memref_squeeze %dma_wait3A_34 : memref<1x1x!tpu.dma_semaphore, #tpu.memory_space<semaphore_mem>> -> memref<!tpu.dma_semaphore, #tpu.memory_space<semaphore_mem>>
    %dma_wait3A_36 = arith.constant 250 : i32
    %dma_wait3A_37 = arith.constant 0 : i32
    %dma_wait3A_38 = tpu.memref_slice %arg10[%select_n3A_17, %dma_wait3A_36, %dma_wait3A_37] : memref<2x1000x128xf32, #tpu.memory_space<vmem>> -> memref<1x250x128xf32, #tpu.memory_space<vmem>>
    %dma_wait3A_39 = tpu.memref_squeeze %dma_wait3A_38 : memref<1x250x128xf32, #tpu.memory_space<vmem>> -> memref<250x128xf32, #tpu.memory_space<vmem>>
    %dma_wait3A_40 = arith.constant 0 : i32
    %dma_wait3A_41 = tpu.memref_slice %arg3[%add3A_32, %dma_wait3A_40] : memref<100000x128xf32, #tpu.memory_space<hbm>> -> memref<250x128xf32, #tpu.memory_space<hbm>>
    tpu.wait_dma2 semaphore(%dma_wait3A_35 : memref<!tpu.dma_semaphore, #tpu.memory_space<semaphore_mem>>) src(%dma_wait3A_41 : memref<250x128xf32, #tpu.memory_space<hbm>>) dst(%dma_wait3A_39 : memref<250x128xf32, #tpu.memory_space<vmem>>)
    %mul3A_42 = arith.constant 1000 : i32
    %mul3A_43 = arith.muli %arg0, %mul3A_42 : i32
    %add3A_44 = arith.constant 500 : i32
    %add3A_45 = arith.addi %mul3A_43, %add3A_44 : i32
    %dma_wait3A_46 = arith.constant 2 : i32
    %dma_wait3A_47 = tpu.memref_slice %arg15[%select_n3A_17, %dma_wait3A_46] : memref<2x4x!tpu.dma_semaphore, #tpu.memory_space<semaphore_mem>> -> memref<1x1x!tpu.dma_semaphore, #tpu.memory_space<semaphore_mem>>
    %dma_wait3A_48 = tpu.memref_squeeze %dma_wait3A_47 : memref<1x1x!tpu.dma_semaphore, #tpu.memory_space<semaphore_mem>> -> memref<!tpu.dma_semaphore, #tpu.memory_space<semaphore_mem>>
    %dma_wait3A_49 = arith.constant 500 : i32
    %dma_wait3A_50 = arith.constant 0 : i32
    %dma_wait3A_51 = tpu.memref_slice %arg10[%select_n3A_17, %dma_wait3A_49, %dma_wait3A_50] : memref<2x1000x128xf32, #tpu.memory_space<vmem>> -> memref<1x250x128xf32, #tpu.memory_space<vmem>>
    %dma_wait3A_52 = tpu.memref_squeeze %dma_wait3A_51 : memref<1x250x128xf32, #tpu.memory_space<vmem>> -> memref<250x128xf32, #tpu.memory_space<vmem>>
    %dma_wait3A_53 = arith.constant 0 : i32
    %dma_wait3A_54 = tpu.memref_slice %arg3[%add3A_45, %dma_wait3A_53] : memref<100000x128xf32, #tpu.memory_space<hbm>> -> memref<250x128xf32, #tpu.memory_space<hbm>>
    tpu.wait_dma2 semaphore(%dma_wait3A_48 : memref<!tpu.dma_semaphore, #tpu.memory_space<semaphore_mem>>) src(%dma_wait3A_54 : memref<250x128xf32, #tpu.memory_space<hbm>>) dst(%dma_wait3A_52 : memref<250x128xf32, #tpu.memory_space<vmem>>)
    %mul3A_55 = arith.constant 1000 : i32
    %mul3A_56 = arith.muli %arg0, %mul3A_55 : i32
    %add3A_57 = arith.constant 750 : i32
    %add3A_58 = arith.addi %mul3A_56, %add3A_57 : i32
    %dma_wait3A_59 = arith.constant 3 : i32
    %dma_wait3A_60 = tpu.memref_slice %arg15[%select_n3A_17, %dma_wait3A_59] : memref<2x4x!tpu.dma_semaphore, #tpu.memory_space<semaphore_mem>> -> memref<1x1x!tpu.dma_semaphore, #tpu.memory_space<semaphore_mem>>
    %dma_wait3A_61 = tpu.memref_squeeze %dma_wait3A_60 : memref<1x1x!tpu.dma_semaphore, #tpu.memory_space<semaphore_mem>> -> memref<!tpu.dma_semaphore, #tpu.memory_space<semaphore_mem>>
    %dma_wait3A_62 = arith.constant 750 : i32
    %dma_wait3A_63 = arith.constant 0 : i32
    %dma_wait3A_64 = tpu.memref_slice %arg10[%select_n3A_17, %dma_wait3A_62, %dma_wait3A_63] : memref<2x1000x128xf32, #tpu.memory_space<vmem>> -> memref<1x250x128xf32, #tpu.memory_space<vmem>>
    %dma_wait3A_65 = tpu.memref_squeeze %dma_wait3A_64 : memref<1x250x128xf32, #tpu.memory_space<vmem>> -> memref<250x128xf32, #tpu.memory_space<vmem>>
    %dma_wait3A_66 = arith.constant 0 : i32
    %dma_wait3A_67 = tpu.memref_slice %arg3[%add3A_58, %dma_wait3A_66] : memref<100000x128xf32, #tpu.memory_space<hbm>> -> memref<250x128xf32, #tpu.memory_space<hbm>>
    tpu.wait_dma2 semaphore(%dma_wait3A_61 : memref<!tpu.dma_semaphore, #tpu.memory_space<semaphore_mem>>) src(%dma_wait3A_67 : memref<250x128xf32, #tpu.memory_space<hbm>>) dst(%dma_wait3A_65 : memref<250x128xf32, #tpu.memory_space<vmem>>)
    %jit3A_68 = arith.constant 2 : i32
    %eq3A_69 = arith.constant 0 : i32
    %eq3A_70 = arith.cmpi eq, %jit3A_68, %eq3A_69 : i32
    %jit3A_71 = arith.constant 1 : i32
    %select_n3A_72 = arith.select %eq3A_70, %jit3A_71, %jit3A_68 : i32
    %rem3A_73 = arith.remsi %arg0, %select_n3A_72 : i32
    %ne3A_74 = arith.constant 0 : i32
    %ne3A_75 = arith.cmpi ne, %rem3A_73, %ne3A_74 : i32
    %lt3A_76 = arith.constant 0 : i32
    %lt3A_77 = arith.cmpi slt, %rem3A_73, %lt3A_76 : i32
    %lt3A_78 = arith.constant 0 : i32
    %lt3A_79 = arith.cmpi slt, %select_n3A_72, %lt3A_78 : i32
    %ne3A_80 = arith.xori %lt3A_77, %lt3A_79 : i1
    %and3A_81 = arith.andi %ne3A_80, %ne3A_75 : i1
    %add3A_82 = arith.addi %rem3A_73, %select_n3A_72 : i32
    %select_n3A_83 = arith.select %and3A_81, %add3A_82, %rem3A_73 : i32
    %get3A = arith.constant 0 : index
    %get3A_84 = arith.constant 0 : index
    %get3A_85 = vector.load %arg4[%get3A, %get3A_84] : memref<128x128xf32, #tpu.memory_space<vmem>>, vector<128x128xf32>
    %get3A_86 = arith.constant 0 : index
    %get3A_87 = arith.constant 0 : index
    %get3A_88 = vector.load %arg5[%get3A_86, %get3A_87] : memref<1x128xf32, #tpu.memory_space<vmem>>, vector<1x128xf32>
    %get3A_89 = arith.index_cast %arg0 : i32 to index
    %get3A_90 = memref.load %arg1[%get3A_89] : memref<100xi32, #tpu.memory_space<smem>>
    %get3A_91 = arith.index_cast %arg0 : i32 to index
    %get3A_92 = memref.load %arg2[%get3A_91] : memref<100xi32, #tpu.memory_space<smem>>
    %broadcast_in_dim3A = arith.constant 0.000000e+00 : f32
    %broadcast_in_dim3A_93 = vector.broadcast %broadcast_in_dim3A : f32 to vector<8x128xf32>
    %broadcast_in_dim3A_94 = arith.constant 0.000000e+00 : f32
    %broadcast_in_dim3A_95 = vector.broadcast %broadcast_in_dim3A_94 : f32 to vector<8x128xf32>
    %broadcast_in_dim3A_96 = arith.constant 0xFF800000 : f32
    %broadcast_in_dim3A_97 = vector.broadcast %broadcast_in_dim3A_96 : f32 to vector<1x128xf32>
    %broadcast_in_dim3A_98 = arith.constant 0xFF800000 : f32
    %broadcast_in_dim3A_99 = vector.broadcast %broadcast_in_dim3A_98 : f32 to vector<1x128xf32>
    %broadcast_in_dim3A_100 = arith.constant 0xFF800000 : f32
    %broadcast_in_dim3A_101 = vector.broadcast %broadcast_in_dim3A_100 : f32 to vector<1x128xf32>
    %broadcast_in_dim3A_102 = arith.constant 0xFF800000 : f32
    %broadcast_in_dim3A_103 = vector.broadcast %broadcast_in_dim3A_102 : f32 to vector<1x128xf32>
    %get3A_104 = arith.index_cast %select_n3A_83 : i32 to index
    %get3A_105 = arith.constant 0 : index
    %get3A_106 = arith.constant 0 : index
    %get3A_107 = vector.load %arg10[%get3A_104, %get3A_105, %get3A_106] : memref<2x1000x128xf32, #tpu.memory_space<vmem>>, vector<1x200x128xf32>
    %get3A_108 = vector.shape_cast %get3A_107 : vector<1x200x128xf32> to vector<200x128xf32>
    %dot_general3A = arith.constant dense<0.000000e+00> : vector<200x128xf32>
    %dot_general3A_109 = tpu.matmul %get3A_108, %get3A_85, %dot_general3A {dimension_numbers = #tpu.dot_dimension_numbers<[1], [0], [0], [1], [0, 0, 1, 1], [], []>, transpose_lhs_hint = false} : vector<200x128xf32>, vector<128x128xf32>, vector<200x128xf32> -> vector<200x128xf32>
    %add3A_110 = vector.broadcast %get3A_88 : vector<1x128xf32> to vector<200x128xf32>
    %add3A_111 = arith.addf %dot_general3A_109, %add3A_110 : vector<200x128xf32>
    %swap3A = arith.constant 0 : index
    %swap3A_112 = arith.constant 0 : index
    %swap3A_113 = vector.load %arg12[%swap3A, %swap3A_112] : memref<1000x128xf32, #tpu.memory_space<vmem>>, vector<200x128xf32>
    tpu.vector_store %arg12[%swap3A, %swap3A_112], %add3A_111 {strides = array<i32>} : memref<1000x128xf32, #tpu.memory_space<vmem>>, vector<200x128xf32>,
    %reshape3A = vector.shape_cast %add3A_111 : vector<200x128xf32> to vector<25x8x128xf32>
    %reduce_sum3A = arith.constant dense<0.000000e+00> : vector<8x128xf32>
    %reduce_sum3A_114 = vector.multi_reduction <add>, %reshape3A, %reduce_sum3A [0] : vector<25x8x128xf32> to vector<8x128xf32>
    %add3A_115 = arith.addf %broadcast_in_dim3A_93, %reduce_sum3A_114 : vector<8x128xf32>
    %mul3A_116 = arith.mulf %add3A_111, %add3A_111 : vector<200x128xf32>
    %reshape3A_117 = vector.shape_cast %mul3A_116 : vector<200x128xf32> to vector<25x8x128xf32>
    %reduce_sum3A_118 = arith.constant dense<0.000000e+00> : vector<8x128xf32>
    %reduce_sum3A_119 = vector.multi_reduction <add>, %reshape3A_117, %reduce_sum3A_118 [0] : vector<25x8x128xf32> to vector<8x128xf32>
    %add3A_120 = arith.addf %broadcast_in_dim3A_95, %reduce_sum3A_119 : vector<8x128xf32>
    %get3A_121 = arith.constant 0 : index
    %get3A_122 = arith.constant 0 : index
    %get3A_123 = vector.load %arg8[%get3A_121, %get3A_122] : memref<1000x1xi32, #tpu.memory_space<vmem>>, vector<200x1xi32>
    %add3A_124 = arith.constant 0 : i32
    %add3A_125 = arith.addi %get3A_90, %add3A_124 : i32
    %eq3A_126 = vector.broadcast %add3A_125 : i32 to vector<200x1xi32>
    %eq3A_127 = arith.cmpi eq, %get3A_123, %eq3A_126 : vector<200x1xi32>
    %jit3A_128 = arith.constant 0xFF800000 : f32
    %broadcast_in_dim3A_129 = vector.shape_cast %eq3A_127 : vector<200x1xi1> to vector<200x1xi1>
    %broadcast_in_dim3A_130 = vector.broadcast %broadcast_in_dim3A_129 : vector<200x1xi1> to vector<200x128xi1>
    %broadcast_in_dim3A_131 = vector.broadcast %jit3A_128 : f32 to vector<200x128xf32>
    %select_n3A_132 = arith.select %broadcast_in_dim3A_130, %add3A_111, %broadcast_in_dim3A_131 : vector<200x128xi1>, vector<200x128xf32>
    %reduce_max3A = arith.constant dense<0xFF800000> : vector<128xf32>
    %reduce_max3A_133 = vector.multi_reduction <maximumf>, %select_n3A_132, %reduce_max3A [0] : vector<200x128xf32> to vector<128xf32>
    %broadcast_in_dim3A_134 = vector.shape_cast %reduce_max3A_133 : vector<128xf32> to vector<1x128xf32>
    %max3A = arith.maximumf %broadcast_in_dim3A_97, %broadcast_in_dim3A_134 : vector<1x128xf32>
    %add3A_135 = arith.constant 1 : i32
    %add3A_136 = arith.addi %get3A_90, %add3A_135 : i32
    %eq3A_137 = vector.broadcast %add3A_136 : i32 to vector<200x1xi32>
    %eq3A_138 = arith.cmpi eq, %get3A_123, %eq3A_137 : vector<200x1xi32>
    %jit3A_139 = arith.constant 0xFF800000 : f32
    %broadcast_in_dim3A_140 = vector.shape_cast %eq3A_138 : vector<200x1xi1> to vector<200x1xi1>
    %broadcast_in_dim3A_141 = vector.broadcast %broadcast_in_dim3A_140 : vector<200x1xi1> to vector<200x128xi1>
    %broadcast_in_dim3A_142 = vector.broadcast %jit3A_139 : f32 to vector<200x128xf32>
    %select_n3A_143 = arith.select %broadcast_in_dim3A_141, %add3A_111, %broadcast_in_dim3A_142 : vector<200x128xi1>, vector<200x128xf32>
    %reduce_max3A_144 = arith.constant dense<0xFF800000> : vector<128xf32>
    %reduce_max3A_145 = vector.multi_reduction <maximumf>, %select_n3A_143, %reduce_max3A_144 [0] : vector<200x128xf32> to vector<128xf32>
    %broadcast_in_dim3A_146 = vector.shape_cast %reduce_max3A_145 : vector<128xf32> to vector<1x128xf32>
    %max3A_147 = arith.maximumf %broadcast_in_dim3A_99, %broadcast_in_dim3A_146 : vector<1x128xf32>
    %add3A_148 = arith.constant 2 : i32
    %add3A_149 = arith.addi %get3A_90, %add3A_148 : i32
    %eq3A_150 = vector.broadcast %add3A_149 : i32 to vector<200x1xi32>
    %eq3A_151 = arith.cmpi eq, %get3A_123, %eq3A_150 : vector<200x1xi32>
    %jit3A_152 = arith.constant 0xFF800000 : f32
    %broadcast_in_dim3A_153 = vector.shape_cast %eq3A_151 : vector<200x1xi1> to vector<200x1xi1>
    %broadcast_in_dim3A_154 = vector.broadcast %broadcast_in_dim3A_153 : vector<200x1xi1> to vector<200x128xi1>
    %broadcast_in_dim3A_155 = vector.broadcast %jit3A_152 : f32 to vector<200x128xf32>
    %select_n3A_156 = arith.select %broadcast_in_dim3A_154, %add3A_111, %broadcast_in_dim3A_155 : vector<200x128xi1>, vector<200x128xf32>
    %reduce_max3A_157 = arith.constant dense<0xFF800000> : vector<128xf32>
    %reduce_max3A_158 = vector.multi_reduction <maximumf>, %select_n3A_156, %reduce_max3A_157 [0] : vector<200x128xf32> to vector<128xf32>
    %broadcast_in_dim3A_159 = vector.shape_cast %reduce_max3A_158 : vector<128xf32> to vector<1x128xf32>
    %max3A_160 = arith.maximumf %broadcast_in_dim3A_101, %broadcast_in_dim3A_159 : vector<1x128xf32>
    %add3A_161 = arith.constant 3 : i32
    %add3A_162 = arith.addi %get3A_90, %add3A_161 : i32
    %eq3A_163 = vector.broadcast %add3A_162 : i32 to vector<200x1xi32>
    %eq3A_164 = arith.cmpi eq, %get3A_123, %eq3A_163 : vector<200x1xi32>
    %jit3A_165 = arith.constant 0xFF800000 : f32
    %broadcast_in_dim3A_166 = vector.shape_cast %eq3A_164 : vector<200x1xi1> to vector<200x1xi1>
    %broadcast_in_dim3A_167 = vector.broadcast %broadcast_in_dim3A_166 : vector<200x1xi1> to vector<200x128xi1>
    %broadcast_in_dim3A_168 = vector.broadcast %jit3A_165 : f32 to vector<200x128xf32>
    %select_n3A_169 = arith.select %broadcast_in_dim3A_167, %add3A_111, %broadcast_in_dim3A_168 : vector<200x128xi1>, vector<200x128xf32>
    %reduce_max3A_170 = arith.constant dense<0xFF800000> : vector<128xf32>
    %reduce_max3A_171 = vector.multi_reduction <maximumf>, %select_n3A_169, %reduce_max3A_170 [0] : vector<200x128xf32> to vector<128xf32>
    %broadcast_in_dim3A_172 = vector.shape_cast %reduce_max3A_171 : vector<128xf32> to vector<1x128xf32>
    %max3A_173 = arith.maximumf %broadcast_in_dim3A_103, %broadcast_in_dim3A_172 : vector<1x128xf32>
    %get3A_174 = arith.index_cast %select_n3A_83 : i32 to index
    %get3A_175 = arith.constant 200 : index
    %get3A_176 = arith.constant 0 : index
    %get3A_177 = vector.load %arg10[%get3A_174, %get3A_175, %get3A_176] : memref<2x1000x128xf32, #tpu.memory_space<vmem>>, vector<1x200x128xf32>
    %get3A_178 = vector.shape_cast %get3A_177 : vector<1x200x128xf32> to vector<200x128xf32>
    %dot_general3A_179 = arith.constant dense<0.000000e+00> : vector<200x128xf32>
    %dot_general3A_180 = tpu.matmul %get3A_178, %get3A_85, %dot_general3A_179 {dimension_numbers = #tpu.dot_dimension_numbers<[1], [0], [0], [1], [0, 0, 1, 1], [], []>, transpose_lhs_hint = false} : vector<200x128xf32>, vector<128x128xf32>, vector<200x128xf32> -> vector<200x128xf32>
    %add3A_181 = vector.broadcast %get3A_88 : vector<1x128xf32> to vector<200x128xf32>
    %add3A_182 = arith.addf %dot_general3A_180, %add3A_181 : vector<200x128xf32>
    %swap3A_183 = arith.constant 200 : index
    %swap3A_184 = arith.constant 0 : index
    %swap3A_185 = vector.load %arg12[%swap3A_183, %swap3A_184] : memref<1000x128xf32, #tpu.memory_space<vmem>>, vector<200x128xf32>
    tpu.vector_store %arg12[%swap3A_183, %swap3A_184], %add3A_182 {strides = array<i32>} : memref<1000x128xf32, #tpu.memory_space<vmem>>, vector<200x128xf32>,
    %reshape3A_186 = vector.shape_cast %add3A_182 : vector<200x128xf32> to vector<25x8x128xf32>
    %reduce_sum3A_187 = arith.constant dense<0.000000e+00> : vector<8x128xf32>
    %reduce_sum3A_188 = vector.multi_reduction <add>, %reshape3A_186, %reduce_sum3A_187 [0] : vector<25x8x128xf32> to vector<8x128xf32>
    %add3A_189 = arith.addf %add3A_115, %reduce_sum3A_188 : vector<8x128xf32>
    %mul3A_190 = arith.mulf %add3A_182, %add3A_182 : vector<200x128xf32>
    %reshape3A_191 = vector.shape_cast %mul3A_190 : vector<200x128xf32> to vector<25x8x128xf32>
    %reduce_sum3A_192 = arith.constant dense<0.000000e+00> : vector<8x128xf32>
    %reduce_sum3A_193 = vector.multi_reduction <add>, %reshape3A_191, %reduce_sum3A_192 [0] : vector<25x8x128xf32> to vector<8x128xf32>
    %add3A_194 = arith.addf %add3A_120, %reduce_sum3A_193 : vector<8x128xf32>
    %get3A_195 = arith.constant 200 : index
    %get3A_196 = arith.constant 0 : index
    %get3A_197 = vector.load %arg8[%get3A_195, %get3A_196] : memref<1000x1xi32, #tpu.memory_space<vmem>>, vector<200x1xi32>
    %add3A_198 = arith.constant 0 : i32
    %add3A_199 = arith.addi %get3A_90, %add3A_198 : i32
    %eq3A_200 = vector.broadcast %add3A_199 : i32 to vector<200x1xi32>
    %eq3A_201 = arith.cmpi eq, %get3A_197, %eq3A_200 : vector<200x1xi32>
    %jit3A_202 = arith.constant 0xFF800000 : f32
    %broadcast_in_dim3A_203 = vector.shape_cast %eq3A_201 : vector<200x1xi1> to vector<200x1xi1>
    %broadcast_in_dim3A_204 = vector.broadcast %broadcast_in_dim3A_203 : vector<200x1xi1> to vector<200x128xi1>
    %broadcast_in_dim3A_205 = vector.broadcast %jit3A_202 : f32 to vector<200x128xf32>
    %select_n3A_206 = arith.select %broadcast_in_dim3A_204, %add3A_182, %broadcast_in_dim3A_205 : vector<200x128xi1>, vector<200x128xf32>
    %reduce_max3A_207 = arith.constant dense<0xFF800000> : vector<128xf32>
    %reduce_max3A_208 = vector.multi_reduction <maximumf>, %select_n3A_206, %reduce_max3A_207 [0] : vector<200x128xf32> to vector<128xf32>
    %broadcast_in_dim3A_209 = vector.shape_cast %reduce_max3A_208 : vector<128xf32> to vector<1x128xf32>
    %max3A_210 = arith.maximumf %max3A, %broadcast_in_dim3A_209 : vector<1x128xf32>
    %add3A_211 = arith.constant 1 : i32
    %add3A_212 = arith.addi %get3A_90, %add3A_211 : i32
    %eq3A_213 = vector.broadcast %add3A_212 : i32 to vector<200x1xi32>
    %eq3A_214 = arith.cmpi eq, %get3A_197, %eq3A_213 : vector<200x1xi32>
    %jit3A_215 = arith.constant 0xFF800000 : f32
    %broadcast_in_dim3A_216 = vector.shape_cast %eq3A_214 : vector<200x1xi1> to vector<200x1xi1>
    %broadcast_in_dim3A_217 = vector.broadcast %broadcast_in_dim3A_216 : vector<200x1xi1> to vector<200x128xi1>
    %broadcast_in_dim3A_218 = vector.broadcast %jit3A_215 : f32 to vector<200x128xf32>
    %select_n3A_219 = arith.select %broadcast_in_dim3A_217, %add3A_182, %broadcast_in_dim3A_218 : vector<200x128xi1>, vector<200x128xf32>
    %reduce_max3A_220 = arith.constant dense<0xFF800000> : vector<128xf32>
    %reduce_max3A_221 = vector.multi_reduction <maximumf>, %select_n3A_219, %reduce_max3A_220 [0] : vector<200x128xf32> to vector<128xf32>
    %broadcast_in_dim3A_222 = vector.shape_cast %reduce_max3A_221 : vector<128xf32> to vector<1x128xf32>
    %max3A_223 = arith.maximumf %max3A_147, %broadcast_in_dim3A_222 : vector<1x128xf32>
    %add3A_224 = arith.constant 2 : i32
    %add3A_225 = arith.addi %get3A_90, %add3A_224 : i32
    %eq3A_226 = vector.broadcast %add3A_225 : i32 to vector<200x1xi32>
    %eq3A_227 = arith.cmpi eq, %get3A_197, %eq3A_226 : vector<200x1xi32>
    %jit3A_228 = arith.constant 0xFF800000 : f32
    %broadcast_in_dim3A_229 = vector.shape_cast %eq3A_227 : vector<200x1xi1> to vector<200x1xi1>
    %broadcast_in_dim3A_230 = vector.broadcast %broadcast_in_dim3A_229 : vector<200x1xi1> to vector<200x128xi1>
    %broadcast_in_dim3A_231 = vector.broadcast %jit3A_228 : f32 to vector<200x128xf32>
    %select_n3A_232 = arith.select %broadcast_in_dim3A_230, %add3A_182, %broadcast_in_dim3A_231 : vector<200x128xi1>, vector<200x128xf32>
    %reduce_max3A_233 = arith.constant dense<0xFF800000> : vector<128xf32>
    %reduce_max3A_234 = vector.multi_reduction <maximumf>, %select_n3A_232, %reduce_max3A_233 [0] : vector<200x128xf32> to vector<128xf32>
    %broadcast_in_dim3A_235 = vector.shape_cast %reduce_max3A_234 : vector<128xf32> to vector<1x128xf32>
    %max3A_236 = arith.maximumf %max3A_160, %broadcast_in_dim3A_235 : vector<1x128xf32>
    %add3A_237 = arith.constant 3 : i32
    %add3A_238 = arith.addi %get3A_90, %add3A_237 : i32
    %eq3A_239 = vector.broadcast %add3A_238 : i32 to vector<200x1xi32>
    %eq3A_240 = arith.cmpi eq, %get3A_197, %eq3A_239 : vector<200x1xi32>
    %jit3A_241 = arith.constant 0xFF800000 : f32
    %broadcast_in_dim3A_242 = vector.shape_cast %eq3A_240 : vector<200x1xi1> to vector<200x1xi1>
    %broadcast_in_dim3A_243 = vector.broadcast %broadcast_in_dim3A_242 : vector<200x1xi1> to vector<200x128xi1>
    %broadcast_in_dim3A_244 = vector.broadcast %jit3A_241 : f32 to vector<200x128xf32>
    %select_n3A_245 = arith.select %broadcast_in_dim3A_243, %add3A_182, %broadcast_in_dim3A_244 : vector<200x128xi1>, vector<200x128xf32>
    %reduce_max3A_246 = arith.constant dense<0xFF800000> : vector<128xf32>
    %reduce_max3A_247 = vector.multi_reduction <maximumf>, %select_n3A_245, %reduce_max3A_246 [0] : vector<200x128xf32> to vector<128xf32>
    %broadcast_in_dim3A_248 = vector.shape_cast %reduce_max3A_247 : vector<128xf32> to vector<1x128xf32>
    %max3A_249 = arith.maximumf %max3A_173, %broadcast_in_dim3A_248 : vector<1x128xf32>
    %get3A_250 = arith.index_cast %select_n3A_83 : i32 to index
    %get3A_251 = arith.constant 400 : index
    %get3A_252 = arith.constant 0 : index
    %get3A_253 = vector.load %arg10[%get3A_250, %get3A_251, %get3A_252] : memref<2x1000x128xf32, #tpu.memory_space<vmem>>, vector<1x200x128xf32>
    %get3A_254 = vector.shape_cast %get3A_253 : vector<1x200x128xf32> to vector<200x128xf32>
    %dot_general3A_255 = arith.constant dense<0.000000e+00> : vector<200x128xf32>
    %dot_general3A_256 = tpu.matmul %get3A_254, %get3A_85, %dot_general3A_255 {dimension_numbers = #tpu.dot_dimension_numbers<[1], [0], [0], [1], [0, 0, 1, 1], [], []>, transpose_lhs_hint = false} : vector<200x128xf32>, vector<128x128xf32>, vector<200x128xf32> -> vector<200x128xf32>
    %add3A_257 = vector.broadcast %get3A_88 : vector<1x128xf32> to vector<200x128xf32>
    %add3A_258 = arith.addf %dot_general3A_256, %add3A_257 : vector<200x128xf32>
    %swap3A_259 = arith.constant 400 : index
    %swap3A_260 = arith.constant 0 : index
    %swap3A_261 = vector.load %arg12[%swap3A_259, %swap3A_260] : memref<1000x128xf32, #tpu.memory_space<vmem>>, vector<200x128xf32>
    tpu.vector_store %arg12[%swap3A_259, %swap3A_260], %add3A_258 {strides = array<i32>} : memref<1000x128xf32, #tpu.memory_space<vmem>>, vector<200x128xf32>,
    %reshape3A_262 = vector.shape_cast %add3A_258 : vector<200x128xf32> to vector<25x8x128xf32>
    %reduce_sum3A_263 = arith.constant dense<0.000000e+00> : vector<8x128xf32>
    %reduce_sum3A_264 = vector.multi_reduction <add>, %reshape3A_262, %reduce_sum3A_263 [0] : vector<25x8x128xf32> to vector<8x128xf32>
    %add3A_265 = arith.addf %add3A_189, %reduce_sum3A_264 : vector<8x128xf32>
    %mul3A_266 = arith.mulf %add3A_258, %add3A_258 : vector<200x128xf32>
    %reshape3A_267 = vector.shape_cast %mul3A_266 : vector<200x128xf32> to vector<25x8x128xf32>
    %reduce_sum3A_268 = arith.constant dense<0.000000e+00> : vector<8x128xf32>
    %reduce_sum3A_269 = vector.multi_reduction <add>, %reshape3A_267, %reduce_sum3A_268 [0] : vector<25x8x128xf32> to vector<8x128xf32>
    %add3A_270 = arith.addf %add3A_194, %reduce_sum3A_269 : vector<8x128xf32>
    %get3A_271 = arith.constant 400 : index
    %get3A_272 = arith.constant 0 : index
    %get3A_273 = vector.load %arg8[%get3A_271, %get3A_272] : memref<1000x1xi32, #tpu.memory_space<vmem>>, vector<200x1xi32>
    %add3A_274 = arith.constant 0 : i32
    %add3A_275 = arith.addi %get3A_90, %add3A_274 : i32
    %eq3A_276 = vector.broadcast %add3A_275 : i32 to vector<200x1xi32>
    %eq3A_277 = arith.cmpi eq, %get3A_273, %eq3A_276 : vector<200x1xi32>
    %jit3A_278 = arith.constant 0xFF800000 : f32
    %broadcast_in_dim3A_279 = vector.shape_cast %eq3A_277 : vector<200x1xi1> to vector<200x1xi1>
    %broadcast_in_dim3A_280 = vector.broadcast %broadcast_in_dim3A_279 : vector<200x1xi1> to vector<200x128xi1>
    %broadcast_in_dim3A_281 = vector.broadcast %jit3A_278 : f32 to vector<200x128xf32>
    %select_n3A_282 = arith.select %broadcast_in_dim3A_280, %add3A_258, %broadcast_in_dim3A_281 : vector<200x128xi1>, vector<200x128xf32>
    %reduce_max3A_283 = arith.constant dense<0xFF800000> : vector<128xf32>
    %reduce_max3A_284 = vector.multi_reduction <maximumf>, %select_n3A_282, %reduce_max3A_283 [0] : vector<200x128xf32> to vector<128xf32>
    %broadcast_in_dim3A_285 = vector.shape_cast %reduce_max3A_284 : vector<128xf32> to vector<1x128xf32>
    %max3A_286 = arith.maximumf %max3A_210, %broadcast_in_dim3A_285 : vector<1x128xf32>
    %add3A_287 = arith.constant 1 : i32
    %add3A_288 = arith.addi %get3A_90, %add3A_287 : i32
    %eq3A_289 = vector.broadcast %add3A_288 : i32 to vector<200x1xi32>
    %eq3A_290 = arith.cmpi eq, %get3A_273, %eq3A_289 : vector<200x1xi32>
    %jit3A_291 = arith.constant 0xFF800000 : f32
    %broadcast_in_dim3A_292 = vector.shape_cast %eq3A_290 : vector<200x1xi1> to vector<200x1xi1>
    %broadcast_in_dim3A_293 = vector.broadcast %broadcast_in_dim3A_292 : vector<200x1xi1> to vector<200x128xi1>
    %broadcast_in_dim3A_294 = vector.broadcast %jit3A_291 : f32 to vector<200x128xf32>
    %select_n3A_295 = arith.select %broadcast_in_dim3A_293, %add3A_258, %broadcast_in_dim3A_294 : vector<200x128xi1>, vector<200x128xf32>
    %reduce_max3A_296 = arith.constant dense<0xFF800000> : vector<128xf32>
    %reduce_max3A_297 = vector.multi_reduction <maximumf>, %select_n3A_295, %reduce_max3A_296 [0] : vector<200x128xf32> to vector<128xf32>
    %broadcast_in_dim3A_298 = vector.shape_cast %reduce_max3A_297 : vector<128xf32> to vector<1x128xf32>
    %max3A_299 = arith.maximumf %max3A_223, %broadcast_in_dim3A_298 : vector<1x128xf32>
    %add3A_300 = arith.constant 2 : i32
    %add3A_301 = arith.addi %get3A_90, %add3A_300 : i32
    %eq3A_302 = vector.broadcast %add3A_301 : i32 to vector<200x1xi32>
    %eq3A_303 = arith.cmpi eq, %get3A_273, %eq3A_302 : vector<200x1xi32>
    %jit3A_304 = arith.constant 0xFF800000 : f32
    %broadcast_in_dim3A_305 = vector.shape_cast %eq3A_303 : vector<200x1xi1> to vector<200x1xi1>
    %broadcast_in_dim3A_306 = vector.broadcast %broadcast_in_dim3A_305 : vector<200x1xi1> to vector<200x128xi1>
    %broadcast_in_dim3A_307 = vector.broadcast %jit3A_304 : f32 to vector<200x128xf32>
    %select_n3A_308 = arith.select %broadcast_in_dim3A_306, %add3A_258, %broadcast_in_dim3A_307 : vector<200x128xi1>, vector<200x128xf32>
    %reduce_max3A_309 = arith.constant dense<0xFF800000> : vector<128xf32>
    %reduce_max3A_310 = vector.multi_reduction <maximumf>, %select_n3A_308, %reduce_max3A_309 [0] : vector<200x128xf32> to vector<128xf32>
    %broadcast_in_dim3A_311 = vector.shape_cast %reduce_max3A_310 : vector<128xf32> to vector<1x128xf32>
    %max3A_312 = arith.maximumf %max3A_236, %broadcast_in_dim3A_311 : vector<1x128xf32>
    %add3A_313 = arith.constant 3 : i32
    %add3A_314 = arith.addi %get3A_90, %add3A_313 : i32
    %eq3A_315 = vector.broadcast %add3A_314 : i32 to vector<200x1xi32>
    %eq3A_316 = arith.cmpi eq, %get3A_273, %eq3A_315 : vector<200x1xi32>
    %jit3A_317 = arith.constant 0xFF800000 : f32
    %broadcast_in_dim3A_318 = vector.shape_cast %eq3A_316 : vector<200x1xi1> to vector<200x1xi1>
    %broadcast_in_dim3A_319 = vector.broadcast %broadcast_in_dim3A_318 : vector<200x1xi1> to vector<200x128xi1>
    %broadcast_in_dim3A_320 = vector.broadcast %jit3A_317 : f32 to vector<200x128xf32>
    %select_n3A_321 = arith.select %broadcast_in_dim3A_319, %add3A_258, %broadcast_in_dim3A_320 : vector<200x128xi1>, vector<200x128xf32>
    %reduce_max3A_322 = arith.constant dense<0xFF800000> : vector<128xf32>
    %reduce_max3A_323 = vector.multi_reduction <maximumf>, %select_n3A_321, %reduce_max3A_322 [0] : vector<200x128xf32> to vector<128xf32>
    %broadcast_in_dim3A_324 = vector.shape_cast %reduce_max3A_323 : vector<128xf32> to vector<1x128xf32>
    %max3A_325 = arith.maximumf %max3A_249, %broadcast_in_dim3A_324 : vector<1x128xf32>
    %get3A_326 = arith.index_cast %select_n3A_83 : i32 to index
    %get3A_327 = arith.constant 600 : index
    %get3A_328 = arith.constant 0 : index
    %get3A_329 = vector.load %arg10[%get3A_326, %get3A_327, %get3A_328] : memref<2x1000x128xf32, #tpu.memory_space<vmem>>, vector<1x200x128xf32>
    %get3A_330 = vector.shape_cast %get3A_329 : vector<1x200x128xf32> to vector<200x128xf32>
    %dot_general3A_331 = arith.constant dense<0.000000e+00> : vector<200x128xf32>
    %dot_general3A_332 = tpu.matmul %get3A_330, %get3A_85, %dot_general3A_331 {dimension_numbers = #tpu.dot_dimension_numbers<[1], [0], [0], [1], [0, 0, 1, 1], [], []>, transpose_lhs_hint = false} : vector<200x128xf32>, vector<128x128xf32>, vector<200x128xf32> -> vector<200x128xf32>
    %add3A_333 = vector.broadcast %get3A_88 : vector<1x128xf32> to vector<200x128xf32>
    %add3A_334 = arith.addf %dot_general3A_332, %add3A_333 : vector<200x128xf32>
    %swap3A_335 = arith.constant 600 : index
    %swap3A_336 = arith.constant 0 : index
    %swap3A_337 = vector.load %arg12[%swap3A_335, %swap3A_336] : memref<1000x128xf32, #tpu.memory_space<vmem>>, vector<200x128xf32>
    tpu.vector_store %arg12[%swap3A_335, %swap3A_336], %add3A_334 {strides = array<i32>} : memref<1000x128xf32, #tpu.memory_space<vmem>>, vector<200x128xf32>,
    %reshape3A_338 = vector.shape_cast %add3A_334 : vector<200x128xf32> to vector<25x8x128xf32>
    %reduce_sum3A_339 = arith.constant dense<0.000000e+00> : vector<8x128xf32>
    %reduce_sum3A_340 = vector.multi_reduction <add>, %reshape3A_338, %reduce_sum3A_339 [0] : vector<25x8x128xf32> to vector<8x128xf32>
    %add3A_341 = arith.addf %add3A_265, %reduce_sum3A_340 : vector<8x128xf32>
    %mul3A_342 = arith.mulf %add3A_334, %add3A_334 : vector<200x128xf32>
    %reshape3A_343 = vector.shape_cast %mul3A_342 : vector<200x128xf32> to vector<25x8x128xf32>
    %reduce_sum3A_344 = arith.constant dense<0.000000e+00> : vector<8x128xf32>
    %reduce_sum3A_345 = vector.multi_reduction <add>, %reshape3A_343, %reduce_sum3A_344 [0] : vector<25x8x128xf32> to vector<8x128xf32>
    %add3A_346 = arith.addf %add3A_270, %reduce_sum3A_345 : vector<8x128xf32>
    %get3A_347 = arith.constant 600 : index
    %get3A_348 = arith.constant 0 : index
    %get3A_349 = vector.load %arg8[%get3A_347, %get3A_348] : memref<1000x1xi32, #tpu.memory_space<vmem>>, vector<200x1xi32>
    %add3A_350 = arith.constant 0 : i32
    %add3A_351 = arith.addi %get3A_90, %add3A_350 : i32
    %eq3A_352 = vector.broadcast %add3A_351 : i32 to vector<200x1xi32>
    %eq3A_353 = arith.cmpi eq, %get3A_349, %eq3A_352 : vector<200x1xi32>
    %jit3A_354 = arith.constant 0xFF800000 : f32
    %broadcast_in_dim3A_355 = vector.shape_cast %eq3A_353 : vector<200x1xi1> to vector<200x1xi1>
    %broadcast_in_dim3A_356 = vector.broadcast %broadcast_in_dim3A_355 : vector<200x1xi1> to vector<200x128xi1>
    %broadcast_in_dim3A_357 = vector.broadcast %jit3A_354 : f32 to vector<200x128xf32>
    %select_n3A_358 = arith.select %broadcast_in_dim3A_356, %add3A_334, %broadcast_in_dim3A_357 : vector<200x128xi1>, vector<200x128xf32>
    %reduce_max3A_359 = arith.constant dense<0xFF800000> : vector<128xf32>
    %reduce_max3A_360 = vector.multi_reduction <maximumf>, %select_n3A_358, %reduce_max3A_359 [0] : vector<200x128xf32> to vector<128xf32>
    %broadcast_in_dim3A_361 = vector.shape_cast %reduce_max3A_360 : vector<128xf32> to vector<1x128xf32>
    %max3A_362 = arith.maximumf %max3A_286, %broadcast_in_dim3A_361 : vector<1x128xf32>
    %add3A_363 = arith.constant 1 : i32
    %add3A_364 = arith.addi %get3A_90, %add3A_363 : i32
    %eq3A_365 = vector.broadcast %add3A_364 : i32 to vector<200x1xi32>
    %eq3A_366 = arith.cmpi eq, %get3A_349, %eq3A_365 : vector<200x1xi32>
    %jit3A_367 = arith.constant 0xFF800000 : f32
    %broadcast_in_dim3A_368 = vector.shape_cast %eq3A_366 : vector<200x1xi1> to vector<200x1xi1>
    %broadcast_in_dim3A_369 = vector.broadcast %broadcast_in_dim3A_368 : vector<200x1xi1> to vector<200x128xi1>
    %broadcast_in_dim3A_370 = vector.broadcast %jit3A_367 : f32 to vector<200x128xf32>
    %select_n3A_371 = arith.select %broadcast_in_dim3A_369, %add3A_334, %broadcast_in_dim3A_370 : vector<200x128xi1>, vector<200x128xf32>
    %reduce_max3A_372 = arith.constant dense<0xFF800000> : vector<128xf32>
    %reduce_max3A_373 = vector.multi_reduction <maximumf>, %select_n3A_371, %reduce_max3A_372 [0] : vector<200x128xf32> to vector<128xf32>
    %broadcast_in_dim3A_374 = vector.shape_cast %reduce_max3A_373 : vector<128xf32> to vector<1x128xf32>
    %max3A_375 = arith.maximumf %max3A_299, %broadcast_in_dim3A_374 : vector<1x128xf32>
    %add3A_376 = arith.constant 2 : i32
    %add3A_377 = arith.addi %get3A_90, %add3A_376 : i32
    %eq3A_378 = vector.broadcast %add3A_377 : i32 to vector<200x1xi32>
    %eq3A_379 = arith.cmpi eq, %get3A_349, %eq3A_378 : vector<200x1xi32>
    %jit3A_380 = arith.constant 0xFF800000 : f32
    %broadcast_in_dim3A_381 = vector.shape_cast %eq3A_379 : vector<200x1xi1> to vector<200x1xi1>
    %broadcast_in_dim3A_382 = vector.broadcast %broadcast_in_dim3A_381 : vector<200x1xi1> to vector<200x128xi1>
    %broadcast_in_dim3A_383 = vector.broadcast %jit3A_380 : f32 to vector<200x128xf32>
    %select_n3A_384 = arith.select %broadcast_in_dim3A_382, %add3A_334, %broadcast_in_dim3A_383 : vector<200x128xi1>, vector<200x128xf32>
    %reduce_max3A_385 = arith.constant dense<0xFF800000> : vector<128xf32>
    %reduce_max3A_386 = vector.multi_reduction <maximumf>, %select_n3A_384, %reduce_max3A_385 [0] : vector<200x128xf32> to vector<128xf32>
    %broadcast_in_dim3A_387 = vector.shape_cast %reduce_max3A_386 : vector<128xf32> to vector<1x128xf32>
    %max3A_388 = arith.maximumf %max3A_312, %broadcast_in_dim3A_387 : vector<1x128xf32>
    %add3A_389 = arith.constant 3 : i32
    %add3A_390 = arith.addi %get3A_90, %add3A_389 : i32
    %eq3A_391 = vector.broadcast %add3A_390 : i32 to vector<200x1xi32>
    %eq3A_392 = arith.cmpi eq, %get3A_349, %eq3A_391 : vector<200x1xi32>
    %jit3A_393 = arith.constant 0xFF800000 : f32
    %broadcast_in_dim3A_394 = vector.shape_cast %eq3A_392 : vector<200x1xi1> to vector<200x1xi1>
    %broadcast_in_dim3A_395 = vector.broadcast %broadcast_in_dim3A_394 : vector<200x1xi1> to vector<200x128xi1>
    %broadcast_in_dim3A_396 = vector.broadcast %jit3A_393 : f32 to vector<200x128xf32>
    %select_n3A_397 = arith.select %broadcast_in_dim3A_395, %add3A_334, %broadcast_in_dim3A_396 : vector<200x128xi1>, vector<200x128xf32>
    %reduce_max3A_398 = arith.constant dense<0xFF800000> : vector<128xf32>
    %reduce_max3A_399 = vector.multi_reduction <maximumf>, %select_n3A_397, %reduce_max3A_398 [0] : vector<200x128xf32> to vector<128xf32>
    %broadcast_in_dim3A_400 = vector.shape_cast %reduce_max3A_399 : vector<128xf32> to vector<1x128xf32>
    %max3A_401 = arith.maximumf %max3A_325, %broadcast_in_dim3A_400 : vector<1x128xf32>
    %get3A_402 = arith.index_cast %select_n3A_83 : i32 to index
    %get3A_403 = arith.constant 800 : index
    %get3A_404 = arith.constant 0 : index
    %get3A_405 = vector.load %arg10[%get3A_402, %get3A_403, %get3A_404] : memref<2x1000x128xf32, #tpu.memory_space<vmem>>, vector<1x200x128xf32>
    %get3A_406 = vector.shape_cast %get3A_405 : vector<1x200x128xf32> to vector<200x128xf32>
    %dot_general3A_407 = arith.constant dense<0.000000e+00> : vector<200x128xf32>
    %dot_general3A_408 = tpu.matmul %get3A_406, %get3A_85, %dot_general3A_407 {dimension_numbers = #tpu.dot_dimension_numbers<[1], [0], [0], [1], [0, 0, 1, 1], [], []>, transpose_lhs_hint = false} : vector<200x128xf32>, vector<128x128xf32>, vector<200x128xf32> -> vector<200x128xf32>
    %add3A_409 = vector.broadcast %get3A_88 : vector<1x128xf32> to vector<200x128xf32>
    %add3A_410 = arith.addf %dot_general3A_408, %add3A_409 : vector<200x128xf32>
    %swap3A_411 = arith.constant 800 : index
    %swap3A_412 = arith.constant 0 : index
    %swap3A_413 = vector.load %arg12[%swap3A_411, %swap3A_412] : memref<1000x128xf32, #tpu.memory_space<vmem>>, vector<200x128xf32>
    tpu.vector_store %arg12[%swap3A_411, %swap3A_412], %add3A_410 {strides = array<i32>} : memref<1000x128xf32, #tpu.memory_space<vmem>>, vector<200x128xf32>,
    %reshape3A_414 = vector.shape_cast %add3A_410 : vector<200x128xf32> to vector<25x8x128xf32>
    %reduce_sum3A_415 = arith.constant dense<0.000000e+00> : vector<8x128xf32>
    %reduce_sum3A_416 = vector.multi_reduction <add>, %reshape3A_414, %reduce_sum3A_415 [0] : vector<25x8x128xf32> to vector<8x128xf32>
    %add3A_417 = arith.addf %add3A_341, %reduce_sum3A_416 : vector<8x128xf32>
    %mul3A_418 = arith.mulf %add3A_410, %add3A_410 : vector<200x128xf32>
    %reshape3A_419 = vector.shape_cast %mul3A_418 : vector<200x128xf32> to vector<25x8x128xf32>
    %reduce_sum3A_420 = arith.constant dense<0.000000e+00> : vector<8x128xf32>
    %reduce_sum3A_421 = vector.multi_reduction <add>, %reshape3A_419, %reduce_sum3A_420 [0] : vector<25x8x128xf32> to vector<8x128xf32>
    %add3A_422 = arith.addf %add3A_346, %reduce_sum3A_421 : vector<8x128xf32>
    %get3A_423 = arith.constant 800 : index
    %get3A_424 = arith.constant 0 : index
    %get3A_425 = vector.load %arg8[%get3A_423, %get3A_424] : memref<1000x1xi32, #tpu.memory_space<vmem>>, vector<200x1xi32>
    %add3A_426 = arith.constant 0 : i32
    %add3A_427 = arith.addi %get3A_90, %add3A_426 : i32
    %eq3A_428 = vector.broadcast %add3A_427 : i32 to vector<200x1xi32>
    %eq3A_429 = arith.cmpi eq, %get3A_425, %eq3A_428 : vector<200x1xi32>
    %jit3A_430 = arith.constant 0xFF800000 : f32
    %broadcast_in_dim3A_431 = vector.shape_cast %eq3A_429 : vector<200x1xi1> to vector<200x1xi1>
    %broadcast_in_dim3A_432 = vector.broadcast %broadcast_in_dim3A_431 : vector<200x1xi1> to vector<200x128xi1>
    %broadcast_in_dim3A_433 = vector.broadcast %jit3A_430 : f32 to vector<200x128xf32>
    %select_n3A_434 = arith.select %broadcast_in_dim3A_432, %add3A_410, %broadcast_in_dim3A_433 : vector<200x128xi1>, vector<200x128xf32>
    %reduce_max3A_435 = arith.constant dense<0xFF800000> : vector<128xf32>
    %reduce_max3A_436 = vector.multi_reduction <maximumf>, %select_n3A_434, %reduce_max3A_435 [0] : vector<200x128xf32> to vector<128xf32>
    %broadcast_in_dim3A_437 = vector.shape_cast %reduce_max3A_436 : vector<128xf32> to vector<1x128xf32>
    %max3A_438 = arith.maximumf %max3A_362, %broadcast_in_dim3A_437 : vector<1x128xf32>
    %add3A_439 = arith.constant 1 : i32
    %add3A_440 = arith.addi %get3A_90, %add3A_439 : i32
    %eq3A_441 = vector.broadcast %add3A_440 : i32 to vector<200x1xi32>
    %eq3A_442 = arith.cmpi eq, %get3A_425, %eq3A_441 : vector<200x1xi32>
    %jit3A_443 = arith.constant 0xFF800000 : f32
    %broadcast_in_dim3A_444 = vector.shape_cast %eq3A_442 : vector<200x1xi1> to vector<200x1xi1>
    %broadcast_in_dim3A_445 = vector.broadcast %broadcast_in_dim3A_444 : vector<200x1xi1> to vector<200x128xi1>
    %broadcast_in_dim3A_446 = vector.broadcast %jit3A_443 : f32 to vector<200x128xf32>
    %select_n3A_447 = arith.select %broadcast_in_dim3A_445, %add3A_410, %broadcast_in_dim3A_446 : vector<200x128xi1>, vector<200x128xf32>
    %reduce_max3A_448 = arith.constant dense<0xFF800000> : vector<128xf32>
    %reduce_max3A_449 = vector.multi_reduction <maximumf>, %select_n3A_447, %reduce_max3A_448 [0] : vector<200x128xf32> to vector<128xf32>
    %broadcast_in_dim3A_450 = vector.shape_cast %reduce_max3A_449 : vector<128xf32> to vector<1x128xf32>
    %max3A_451 = arith.maximumf %max3A_375, %broadcast_in_dim3A_450 : vector<1x128xf32>
    %add3A_452 = arith.constant 2 : i32
    %add3A_453 = arith.addi %get3A_90, %add3A_452 : i32
    %eq3A_454 = vector.broadcast %add3A_453 : i32 to vector<200x1xi32>
    %eq3A_455 = arith.cmpi eq, %get3A_425, %eq3A_454 : vector<200x1xi32>
    %jit3A_456 = arith.constant 0xFF800000 : f32
    %broadcast_in_dim3A_457 = vector.shape_cast %eq3A_455 : vector<200x1xi1> to vector<200x1xi1>
    %broadcast_in_dim3A_458 = vector.broadcast %broadcast_in_dim3A_457 : vector<200x1xi1> to vector<200x128xi1>
    %broadcast_in_dim3A_459 = vector.broadcast %jit3A_456 : f32 to vector<200x128xf32>
    %select_n3A_460 = arith.select %broadcast_in_dim3A_458, %add3A_410, %broadcast_in_dim3A_459 : vector<200x128xi1>, vector<200x128xf32>
    %reduce_max3A_461 = arith.constant dense<0xFF800000> : vector<128xf32>
    %reduce_max3A_462 = vector.multi_reduction <maximumf>, %select_n3A_460, %reduce_max3A_461 [0] : vector<200x128xf32> to vector<128xf32>
    %broadcast_in_dim3A_463 = vector.shape_cast %reduce_max3A_462 : vector<128xf32> to vector<1x128xf32>
    %max3A_464 = arith.maximumf %max3A_388, %broadcast_in_dim3A_463 : vector<1x128xf32>
    %add3A_465 = arith.constant 3 : i32
    %add3A_466 = arith.addi %get3A_90, %add3A_465 : i32
    %eq3A_467 = vector.broadcast %add3A_466 : i32 to vector<200x1xi32>
    %eq3A_468 = arith.cmpi eq, %get3A_425, %eq3A_467 : vector<200x1xi32>
    %jit3A_469 = arith.constant 0xFF800000 : f32
    %broadcast_in_dim3A_470 = vector.shape_cast %eq3A_468 : vector<200x1xi1> to vector<200x1xi1>
    %broadcast_in_dim3A_471 = vector.broadcast %broadcast_in_dim3A_470 : vector<200x1xi1> to vector<200x128xi1>
    %broadcast_in_dim3A_472 = vector.broadcast %jit3A_469 : f32 to vector<200x128xf32>
    %select_n3A_473 = arith.select %broadcast_in_dim3A_471, %add3A_410, %broadcast_in_dim3A_472 : vector<200x128xi1>, vector<200x128xf32>
    %reduce_max3A_474 = arith.constant dense<0xFF800000> : vector<128xf32>
    %reduce_max3A_475 = vector.multi_reduction <maximumf>, %select_n3A_473, %reduce_max3A_474 [0] : vector<200x128xf32> to vector<128xf32>
    %broadcast_in_dim3A_476 = vector.shape_cast %reduce_max3A_475 : vector<128xf32> to vector<1x128xf32>
    %max3A_477 = arith.maximumf %max3A_401, %broadcast_in_dim3A_476 : vector<1x128xf32>
    %get3A_478 = arith.constant 0 : index
    %get3A_479 = arith.constant 0 : index
    %get3A_480 = vector.load %arg13[%get3A_478, %get3A_479] : memref<8x128xf32, #tpu.memory_space<vmem>>, vector<8x128xf32>
    %add3A_481 = arith.addf %get3A_480, %add3A_417 : vector<8x128xf32>
    %swap3A_482 = arith.constant 0 : index
    %swap3A_483 = arith.constant 0 : index
    %swap3A_484 = vector.load %arg13[%swap3A_482, %swap3A_483] : memref<8x128xf32, #tpu.memory_space<vmem>>, vector<8x128xf32>
    tpu.vector_store %arg13[%swap3A_482, %swap3A_483], %add3A_481 {strides = array<i32>} : memref<8x128xf32, #tpu.memory_space<vmem>>, vector<8x128xf32>,
    %get3A_485 = arith.constant 0 : index
    %get3A_486 = arith.constant 0 : index
    %get3A_487 = vector.load %arg14[%get3A_485, %get3A_486] : memref<8x128xf32, #tpu.memory_space<vmem>>, vector<8x128xf32>
    %add3A_488 = arith.addf %get3A_487, %add3A_422 : vector<8x128xf32>
    %swap3A_489 = arith.constant 0 : index
    %swap3A_490 = arith.constant 0 : index
    %swap3A_491 = vector.load %arg14[%swap3A_489, %swap3A_490] : memref<8x128xf32, #tpu.memory_space<vmem>>, vector<8x128xf32>
    tpu.vector_store %arg14[%swap3A_489, %swap3A_490], %add3A_488 {strides = array<i32>} : memref<8x128xf32, #tpu.memory_space<vmem>>, vector<8x128xf32>,
    %add3A_492 = arith.constant 0 : i32
    %add3A_493 = arith.addi %get3A_90, %add3A_492 : i32
    %min3A = arith.constant 255 : i32
    %min3A_494 = arith.minsi %add3A_493, %min3A : i32
    %get3A_495 = arith.index_cast %min3A_494 : i32 to index
    %get3A_496 = arith.constant 0 : index
    %get3A_497 = vector.load %arg11[%get3A_495, %get3A_496] : memref<256x128xf32, #tpu.memory_space<vmem>>, vector<1x128xf32>
    %max3A_498 = arith.maximumf %get3A_497, %max3A_438 : vector<1x128xf32>
    %swap3A_499 = arith.index_cast %min3A_494 : i32 to index
    %swap3A_500 = arith.constant 0 : index
    %swap3A_501 = vector.load %arg11[%swap3A_499, %swap3A_500] : memref<256x128xf32, #tpu.memory_space<vmem>>, vector<1x128xf32>
    tpu.vector_store %arg11[%swap3A_499, %swap3A_500], %max3A_498 {strides = array<i32>} : memref<256x128xf32, #tpu.memory_space<vmem>>, vector<1x128xf32>,
    %add3A_502 = arith.constant 1 : i32
    %add3A_503 = arith.addi %get3A_90, %add3A_502 : i32
    %min3A_504 = arith.constant 255 : i32
    %min3A_505 = arith.minsi %add3A_503, %min3A_504 : i32
    %get3A_506 = arith.index_cast %min3A_505 : i32 to index
    %get3A_507 = arith.constant 0 : index
    %get3A_508 = vector.load %arg11[%get3A_506, %get3A_507] : memref<256x128xf32, #tpu.memory_space<vmem>>, vector<1x128xf32>
    %max3A_509 = arith.maximumf %get3A_508, %max3A_451 : vector<1x128xf32>
    %swap3A_510 = arith.index_cast %min3A_505 : i32 to index
    %swap3A_511 = arith.constant 0 : index
    %swap3A_512 = vector.load %arg11[%swap3A_510, %swap3A_511] : memref<256x128xf32, #tpu.memory_space<vmem>>, vector<1x128xf32>
    tpu.vector_store %arg11[%swap3A_510, %swap3A_511], %max3A_509 {strides = array<i32>} : memref<256x128xf32, #tpu.memory_space<vmem>>, vector<1x128xf32>,
    %add3A_513 = arith.constant 2 : i32
    %add3A_514 = arith.addi %get3A_90, %add3A_513 : i32
    %min3A_515 = arith.constant 255 : i32
    %min3A_516 = arith.minsi %add3A_514, %min3A_515 : i32
    %get3A_517 = arith.index_cast %min3A_516 : i32 to index
    %get3A_518 = arith.constant 0 : index
    %get3A_519 = vector.load %arg11[%get3A_517, %get3A_518] : memref<256x128xf32, #tpu.memory_space<vmem>>, vector<1x128xf32>
    %max3A_520 = arith.maximumf %get3A_519, %max3A_464 : vector<1x128xf32>
    %swap3A_521 = arith.index_cast %min3A_516 : i32 to index
    %swap3A_522 = arith.constant 0 : index
    %swap3A_523 = vector.load %arg11[%swap3A_521, %swap3A_522] : memref<256x128xf32, #tpu.memory_space<vmem>>, vector<1x128xf32>
    tpu.vector_store %arg11[%swap3A_521, %swap3A_522], %max3A_520 {strides = array<i32>} : memref<256x128xf32, #tpu.memory_space<vmem>>, vector<1x128xf32>,
    %add3A_524 = arith.constant 3 : i32
    %add3A_525 = arith.addi %get3A_90, %add3A_524 : i32
    %min3A_526 = arith.constant 255 : i32
    %min3A_527 = arith.minsi %add3A_525, %min3A_526 : i32
    %get3A_528 = arith.index_cast %min3A_527 : i32 to index
    %get3A_529 = arith.constant 0 : index
    %get3A_530 = vector.load %arg11[%get3A_528, %get3A_529] : memref<256x128xf32, #tpu.memory_space<vmem>>, vector<1x128xf32>
    %max3A_531 = arith.maximumf %get3A_530, %max3A_477 : vector<1x128xf32>
    %swap3A_532 = arith.index_cast %min3A_527 : i32 to index
    %swap3A_533 = arith.constant 0 : index
    %swap3A_534 = vector.load %arg11[%swap3A_532, %swap3A_533] : memref<256x128xf32, #tpu.memory_space<vmem>>, vector<1x128xf32>
    tpu.vector_store %arg11[%swap3A_532, %swap3A_533], %max3A_531 {strides = array<i32>} : memref<256x128xf32, #tpu.memory_space<vmem>>, vector<1x128xf32>,
    %get3A_535 = arith.constant 0 : index
    %get3A_536 = arith.constant 0 : index
    %get3A_537 = vector.load %arg8[%get3A_535, %get3A_536] : memref<1000x1xi32, #tpu.memory_space<vmem>>, vector<1000x1xi32>
    %add3A_538 = arith.constant 4 : i32
    %add3A_539 = arith.addi %get3A_90, %add3A_538 : i32
    %add3A_540 = arith.constant 1 : i32
    %add3A_541 = arith.addi %get3A_92, %add3A_540 : i32
    %while3A = arith.constant 0 : i32
    %while3A_542 = arith.subi %add3A_541, %add3A_539 : i32
    %while3A_543 = arith.addi %add3A_539, %while3A_542 : i32
    %while3A_544 = arith.constant 1 : i32
    %while3A_545 = arith.divsi %while3A_542, %while3A_544 : i32
    %while3A_546 = arith.muli %while3A_545, %while3A_544 : i32
    %while3A_547 = arith.addi %add3A_539, %while3A_546 : i32
    %while3A_548 = arith.constant 1 : i32
    scf.for %while3A_555 = %add3A_539 to %while3A_547 step %while3A_548  : i32 {
      %eq3A_556 = vector.broadcast %while3A_555 : i32 to vector<1000x1xi32>
      %eq3A_557 = arith.cmpi eq, %get3A_537, %eq3A_556 : vector<1000x1xi32>
      %get3A_558 = arith.constant 0 : index
      %get3A_559 = arith.constant 0 : index
      %get3A_560 = vector.load %arg12[%get3A_558, %get3A_559] : memref<1000x128xf32, #tpu.memory_space<vmem>>, vector<1000x128xf32>
      %jit3A_561 = arith.constant 0xFF800000 : f32
      %broadcast_in_dim3A_562 = vector.shape_cast %eq3A_557 : vector<1000x1xi1> to vector<1000x1xi1>
      %broadcast_in_dim3A_563 = vector.broadcast %broadcast_in_dim3A_562 : vector<1000x1xi1> to vector<1000x128xi1>
      %broadcast_in_dim3A_564 = vector.broadcast %jit3A_561 : f32 to vector<1000x128xf32>
      %select_n3A_565 = arith.select %broadcast_in_dim3A_563, %get3A_560, %broadcast_in_dim3A_564 : vector<1000x128xi1>, vector<1000x128xf32>
      %reduce_max3A_566 = arith.constant dense<0xFF800000> : vector<128xf32>
      %reduce_max3A_567 = vector.multi_reduction <maximumf>, %select_n3A_565, %reduce_max3A_566 [0] : vector<1000x128xf32> to vector<128xf32>
      %broadcast_in_dim3A_568 = vector.shape_cast %reduce_max3A_567 : vector<128xf32> to vector<1x128xf32>
      %get3A_569 = arith.index_cast %while3A_555 : i32 to index
      %get3A_570 = arith.constant 0 : index
      %get3A_571 = vector.load %arg11[%get3A_569, %get3A_570] : memref<256x128xf32, #tpu.memory_space<vmem>>, vector<1x128xf32>
      %max3A_572 = arith.maximumf %get3A_571, %broadcast_in_dim3A_568 : vector<1x128xf32>
      %swap3A_573 = arith.index_cast %while3A_555 : i32 to index
      %swap3A_574 = arith.constant 0 : index
      %swap3A_575 = vector.load %arg11[%swap3A_573, %swap3A_574] : memref<256x128xf32, #tpu.memory_space<vmem>>, vector<1x128xf32>
      tpu.vector_store %arg11[%swap3A_573, %swap3A_574], %max3A_572 {strides = array<i32>} : memref<256x128xf32, #tpu.memory_space<vmem>>, vector<1x128xf32>,
    }
    %while3A_549 = arith.constant 1 : i32
    scf.for %while3A_555 = %while3A_547 to %while3A_543 step %while3A_549  : i32 {
      %eq3A_556 = vector.broadcast %while3A_555 : i32 to vector<1000x1xi32>
      %eq3A_557 = arith.cmpi eq, %get3A_537, %eq3A_556 : vector<1000x1xi32>
      %get3A_558 = arith.constant 0 : index
      %get3A_559 = arith.constant 0 : index
      %get3A_560 = vector.load %arg12[%get3A_558, %get3A_559] : memref<1000x128xf32, #tpu.memory_space<vmem>>, vector<1000x128xf32>
      %jit3A_561 = arith.constant 0xFF800000 : f32
      %broadcast_in_dim3A_562 = vector.shape_cast %eq3A_557 : vector<1000x1xi1> to vector<1000x1xi1>
      %broadcast_in_dim3A_563 = vector.broadcast %broadcast_in_dim3A_562 : vector<1000x1xi1> to vector<1000x128xi1>
      %broadcast_in_dim3A_564 = vector.broadcast %jit3A_561 : f32 to vector<1000x128xf32>
      %select_n3A_565 = arith.select %broadcast_in_dim3A_563, %get3A_560, %broadcast_in_dim3A_564 : vector<1000x128xi1>, vector<1000x128xf32>
      %reduce_max3A_566 = arith.constant dense<0xFF800000> : vector<128xf32>
      %reduce_max3A_567 = vector.multi_reduction <maximumf>, %select_n3A_565, %reduce_max3A_566 [0] : vector<1000x128xf32> to vector<128xf32>
      %broadcast_in_dim3A_568 = vector.shape_cast %reduce_max3A_567 : vector<128xf32> to vector<1x128xf32>
      %get3A_569 = arith.index_cast %while3A_555 : i32 to index
      %get3A_570 = arith.constant 0 : index
      %get3A_571 = vector.load %arg11[%get3A_569, %get3A_570] : memref<256x128xf32, #tpu.memory_space<vmem>>, vector<1x128xf32>
      %max3A_572 = arith.maximumf %get3A_571, %broadcast_in_dim3A_568 : vector<1x128xf32>
      %swap3A_573 = arith.index_cast %while3A_555 : i32 to index
      %swap3A_574 = arith.constant 0 : index
      %swap3A_575 = vector.load %arg11[%swap3A_573, %swap3A_574] : memref<256x128xf32, #tpu.memory_space<vmem>>, vector<1x128xf32>
      tpu.vector_store %arg11[%swap3A_573, %swap3A_574], %max3A_572 {strides = array<i32>} : memref<256x128xf32, #tpu.memory_space<vmem>>, vector<1x128xf32>,
    }
    %eq3A_550 = arith.constant 99 : i32
    %eq3A_551 = arith.cmpi eq, %arg0, %eq3A_550 : i32
    %convert_element_type3A_552 = arith.extui %eq3A_551 : i1 to i32
    %cond3A_553 = arith.constant 0 : i32
    %cond3A_554 = arith.cmpi ne, %convert_element_type3A_552, %cond3A_553 : i32
    scf.if %cond3A_554 {
      %get3A_555 = arith.constant 0 : index
      %get3A_556 = arith.constant 0 : index
      %get3A_557 = vector.load %arg13[%get3A_555, %get3A_556] : memref<8x128xf32, #tpu.memory_space<vmem>>, vector<8x128xf32>
      %reduce_sum3A_558 = arith.constant dense<0.000000e+00> : vector<128xf32>
      %reduce_sum3A_559 = vector.multi_reduction <add>, %get3A_557, %reduce_sum3A_558 [0] : vector<8x128xf32> to vector<128xf32>
      %broadcast_in_dim3A_560 = vector.shape_cast %reduce_sum3A_559 : vector<128xf32> to vector<1x128xf32>
      %get3A_561 = arith.constant 0 : index
      %get3A_562 = arith.constant 0 : index
      %get3A_563 = vector.load %arg14[%get3A_561, %get3A_562] : memref<8x128xf32, #tpu.memory_space<vmem>>, vector<8x128xf32>
      %reduce_sum3A_564 = arith.constant dense<0.000000e+00> : vector<128xf32>
      %reduce_sum3A_565 = vector.multi_reduction <add>, %get3A_563, %reduce_sum3A_564 [0] : vector<8x128xf32> to vector<128xf32>
      %broadcast_in_dim3A_566 = vector.shape_cast %reduce_sum3A_565 : vector<128xf32> to vector<1x128xf32>
      %mul3A_567 = arith.constant 9.99999974E-6 : f32
      %mul3A_568 = vector.broadcast %mul3A_567 : f32 to vector<1x128xf32>
      %mul3A_569 = arith.mulf %broadcast_in_dim3A_560, %mul3A_568 : vector<1x128xf32>
      %mul3A_570 = arith.constant 9.99999974E-6 : f32
      %mul3A_571 = vector.broadcast %mul3A_570 : f32 to vector<1x128xf32>
      %mul3A_572 = arith.mulf %broadcast_in_dim3A_566, %mul3A_571 : vector<1x128xf32>
      %mul3A_573 = arith.mulf %mul3A_569, %mul3A_569 : vector<1x128xf32>
      %sub3A = arith.subf %mul3A_572, %mul3A_573 : vector<1x128xf32>
      %get3A_574 = arith.constant 0 : index
      %get3A_575 = arith.constant 0 : index
      %get3A_576 = vector.load %arg6[%get3A_574, %get3A_575] : memref<1x128xf32, #tpu.memory_space<vmem>>, vector<1x128xf32>
      %add3A_577 = arith.constant 9.99999974E-6 : f32
      %add3A_578 = vector.broadcast %add3A_577 : f32 to vector<1x128xf32>
      %add3A_579 = arith.addf %sub3A, %add3A_578 : vector<1x128xf32>
      %rsqrt3A = math.rsqrt %add3A_579 : vector<1x128xf32>
      %mul3A_580 = arith.mulf %get3A_576, %rsqrt3A : vector<1x128xf32>
      %get3A_581 = arith.constant 0 : index
      %get3A_582 = arith.constant 0 : index
      %get3A_583 = vector.load %arg7[%get3A_581, %get3A_582] : memref<1x128xf32, #tpu.memory_space<vmem>>, vector<1x128xf32>
      %mul3A_584 = arith.mulf %mul3A_569, %mul3A_580 : vector<1x128xf32>
      %sub3A_585 = arith.subf %get3A_583, %mul3A_584 : vector<1x128xf32>
      %get3A_586 = arith.constant 0 : index
      %get3A_587 = arith.constant 0 : index
      %get3A_588 = vector.load %arg11[%get3A_586, %get3A_587] : memref<256x128xf32, #tpu.memory_space<vmem>>, vector<256x128xf32>
      %mul3A_589 = vector.broadcast %mul3A_580 : vector<1x128xf32> to vector<256x128xf32>
      %mul3A_590 = arith.mulf %get3A_588, %mul3A_589 : vector<256x128xf32>
      %add3A_591 = vector.broadcast %sub3A_585 : vector<1x128xf32> to vector<256x128xf32>
      %add3A_592 = arith.addf %mul3A_590, %add3A_591 : vector<256x128xf32>
      %max3A_593 = arith.constant 0.000000e+00 : f32
      %max3A_594 = vector.broadcast %max3A_593 : f32 to vector<256x128xf32>
      %max3A_595 = arith.maximumf %add3A_592, %max3A_594 : vector<256x128xf32>
      %swap3A_596 = arith.constant 0 : index
      %swap3A_597 = arith.constant 0 : index
      %swap3A_598 = vector.load %arg9[%swap3A_596, %swap3A_597] : memref<256x128xf32, #tpu.memory_space<vmem>>, vector<256x128xf32>
      tpu.vector_store %arg9[%swap3A_596, %swap3A_597], %max3A_595 {strides = array<i32>} : memref<256x128xf32, #tpu.memory_space<vmem>>, vector<256x128xf32>,
    } else {
    }
    return
  }
  func.func @transform_0(%arg0: i32) -> i32 {
    %c0_i32 = arith.constant 0 : i32
    %c0_i32_0 = arith.constant 0 : i32
    return %c0_i32 : i32
  }
  func.func @transform_1(%arg0: i32) -> i32 {
    %c0_i32 = arith.constant 0 : i32
    %c0_i32_0 = arith.constant 0 : i32
    return %c0_i32 : i32
  }
  func.func @transform_3(%arg0: i32) -> (i32, i32) {
    %c0_i32 = arith.constant 0 : i32
    %c0_i32_0 = arith.constant 0 : i32
    %c0_i32_1 = arith.constant 0 : i32
    return %c0_i32, %c0_i32_0 : i32, i32
  }
  func.func @transform_4(%arg0: i32) -> (i32, i32) {
    %c0_i32 = arith.constant 0 : i32
    %c0_i32_0 = arith.constant 0 : i32
    %c0_i32_1 = arith.constant 0 : i32
    return %c0_i32, %c0_i32_0 : i32, i32
  }
  func.func @transform_5(%arg0: i32) -> (i32, i32) {
    %c0_i32 = arith.constant 0 : i32
    %c0_i32_0 = arith.constant 0 : i32
    %c0_i32_1 = arith.constant 0 : i32
    return %c0_i32, %c0_i32_0 : i32, i32
  }
  func.func @transform_6(%arg0: i32) -> (i32, i32) {
    %c0_i32 = arith.constant 0 : i32
    %c0_i32_0 = arith.constant 0 : i32
    %c0_i32_1 = arith.constant 0 : i32
    return %c0_i32, %c0_i32_0 : i32, i32
  }
  func.func @transform_7(%arg0: i32) -> (i32, i32) {
    %c0_i32 = arith.constant 0 : i32
    %c0_i32_0 = arith.constant 0 : i32
    return %arg0, %c0_i32 : i32, i32
  }
  func.func @transform_8(%arg0: i32) -> (i32, i32) {
    %c0_i32 = arith.constant 0 : i32
    %c0_i32_0 = arith.constant 0 : i32
    %c0_i32_1 = arith.constant 0 : i32
    return %c0_i32, %c0_i32_0 : i32, i32
  }
}

</mosaic_0001>

<sc_bundles>
// kernel: kernel.4.cloned.1.call-start
scs
__scs_entry_jumppad:
0x0: {  	(pc) =	sbr.rel $0x88, $3  }
0x1: {  	(tag) =	ssettag $0x0;
	lr =	simm.s32 $0x1  }
0x2: {  	[smem:$0x3F9B] =	sst lr;
	_ =	strace $0xD0000000  }
0x3: {  	_ = 	snop  }
0x4: {  	_ = 	snop  }
0x5: {  	_ = 	snop  }
0x6: {  	_ = 	snop  }
0x7: {  	_ = 	snop  }
__scs_overlays_trampoline_lowered:
0x8: {  	[smem:$0x3FAA] =	sst s0  }
0x9: {  	[smem:$0x3FAB] =	sst s1  }
0xa: {  	[smem:$0x3FAC] =	sst s2  }
0xb: {  	[smem:$0x3FAD] =	sst s3  }
0xc: {  	[smem:$0x3FAE] =	sst s4  }
0xd: {  	[smem:$0x3FAF] =	sst s5  }
0xe: {  	[smem:$0x3FB0] =	sst s6  }
0xf: {  	[smem:$0x3FB1] =	sst s7  }
0x10: {  	[smem:$0x3FB2] =	sst s8  }
0x11: {  	[smem:$0x3FB3] =	sst s9;
	s0 =	simm.s32 @!p0 $0x0  }
0x12: {  	s1 =	sld [smem:$0x3F99];
	s0 =	simm.s32 @p0 $0x1  }
0x13: {  	[smem:$0x3FB4] =	sst s0;
	s0 =	simm.s32 @!p1 $0x0  }
0x14: {  	s2 =	sld [smem:$0x3F98];
	s0 =	simm.s32 @p1 $0x1  }
0x15: {  	[smem:$0x3FB5] =	sst s0;
	s0 =	simm.s32 @!p2 $0x0  }
0x16: {  	s3 =	sld [smem:$0x3FDB];
	s0 =	simm.s32 @p2 $0x1  }
0x17: {  	s4 =	simm.s32 $0x1BF5;
	[smem:$0x3FB7] =	sst s0  }
0x18: {  	s0 =	sld [smem:$0x3F9A];
	_ =	swait.ge [sflag:s4], $0x0  }
0x19: {  	s7 =	sld [smem:$0x3F9B]  }
0x1a: {  	s8 =	sadd.s32 $0xFFFFE003, lr  }
0x1b: {  	s9 =	sadd.s32 $0xFFFFFEF7, lr;
	s5 =	simm.s32 $0xFFFFFFFF;
	p2 =	slt.u32 s8, $0xFFFFF086  }
0x1c: {  	p1 =	slt.u32 s9, $0xF7A;
	s5 =	simm.s32 @!p2 $0x0  }
0x1d: {  	s5 =	simm.s32 @p1 $0x1;
	p0 =	seq.s32 s7, s2  }
0x1e: {  	s7 =	smul.u32 @!p0 $0xF7A, s2;
	p2 =	seq.s32 @!p0 s5, $0x0  }
0x1f: {  	s9 =	smul.u32 $0xF7A, s1;
	s8 =	simm.s32 @!p0 $0x1BF5;
	p2 =	por !p2, p0  }
0x20: {  	[sflag:s8] =	ssyncset.s32 @!p0 $0xFFFFF086;
	s6 =	sadd.s32 @!p0 s3, s7;
	s7 =	simm.s32 @!p0 $0x108  }
0x21: {  	s3 =	sadd.s32 s3, s9;
	s6 =	sadd.s32 @!p0 $0x88, s6;
	s7 =	simm.s32 @p2 $0x1082  }
0x22: {  	[simem:s7], [sflag:s8] =	dma.local @!p0 [hbm:s6], $0xF7A  }
0x23: {  	s9 =	sor.u32 $0xD0000000, s2;
	s6 =	simm.s32 $0x108;
	_ =	swait.ge @!p0 [sflag:s8], $0x0  }
0x24: {  	s3 =	sadd.s32 $0x88, s3;
	s6 =	simm.s32 @!p1 $0x1082;
	[sflag:s4] =	ssyncset.s32 $0xFFFFF086  }
0x25: {  	[simem:s6], [sflag:s4] =	dma.local [hbm:s3], $0xF7A  }
0x26: {  	[smem:$0x3F9B] =	sst s1;
	(tag) =	ssettag s2;
	_ =	strace s9  }
0x27: {  	s1 =	sld [smem:$0x3FAB]  }
0x28: {  	s2 =	sld [smem:$0x3FAC]  }
0x29: {  	s4 =	sld [smem:$0x3FAE]  }
0x2a: {  	p0 =	seq.s32 s5, $0x0;
	s5 =	sld [smem:$0x3FAF]  }
0x2b: {  	s6 =	sld [smem:$0x3FB0]  }
0x2c: {  	s7 =	sld [smem:$0x3FB1]  }
0x2d: {  	s3 =	simm.s32 $0x108;
	s8 =	sld [smem:$0x3FB2]  }
0x2e: {  	s3 =	simm.s32 @!p0 $0x1082;
	s9 =	sld [smem:$0x3FB3]  }
0x2f: {  	lr =	sadd.s32 s0, s3;
	s0 =	sld [smem:$0x3FAA]  }
0x30: {  	s3 =	sld [smem:$0x3FAD]  }
0x31: {  	[smem:$0x3FB6] =	sst s10  }
0x32: {  	s10 =	sld [smem:$0x3FB4];
	_ =	sdelay $0x3  }
0x33: {  	p0 =	seq.s32 s10, $0x1;
	s10 =	sld [smem:$0x3FB6];
	_ =	sdelay $0x3  }
0x34: {  	[smem:$0x3FB6] =	sst s10  }
0x35: {  	s10 =	sld [smem:$0x3FB5];
	_ =	sdelay $0x3  }
0x36: {  	p1 =	seq.s32 s10, $0x1;
	s10 =	sld [smem:$0x3FB6];
	_ =	sdelay $0x3  }
0x37: {  	[smem:$0x3FB6] =	sst s10  }
0x38: {  	s10 =	sld [smem:$0x3FB7]  }
0x39: {  	_ = 	snop;
	(pc) =	sbr.ind lr, $3  }
0x3a: {  	_ = 	snop  }
0x3b: {  	_ = 	snop  }
0x3c: {  	p2 =	seq.s32 s10, $0x1;
	s10 =	sld [smem:$0x3FB6]  }
0x3d: {  	_ =	shalt  }
0x3e: {  	_ =	shalt  }
0x3f: {  	_ =	shalt  }
0x40: {  	_ =	shalt  }
0x41: {  	_ =	shalt  }
0x42: {  	_ =	shalt  }
0x43: {  	_ =	shalt  }
0x44: {  	_ =	shalt  }
0x45: {  	_ =	shalt  }
0x46: {  	_ =	shalt  }
0x47: {  	_ =	shalt  }
0x48: {  	_ =	shalt  }
0x49: {  	_ =	shalt  }
0x4a: {  	_ =	shalt  }
0x4b: {  	_ =	shalt  }
0x4c: {  	_ =	shalt  }
0x4d: {  	_ =	shalt  }
0x4e: {  	_ =	shalt  }
0x4f: {  	_ =	shalt  }
0x50: {  	_ =	shalt  }
0x51: {  	_ =	shalt  }
0x52: {  	_ =	shalt  }
0x53: {  	_ =	shalt  }
0x54: {  	_ =	shalt  }
0x55: {  	_ =	shalt  }
0x56: {  	_ =	shalt  }
0x57: {  	_ =	shalt  }
0x58: {  	_ =	shalt  }
0x59: {  	_ =	shalt  }
0x5a: {  	_ =	shalt  }
0x5b: {  	_ =	shalt  }
0x5c: {  	_ =	shalt  }
0x5d: {  	_ =	shalt  }
0x5e: {  	_ =	shalt  }
0x5f: {  	_ =	shalt  }
0x60: {  	_ =	shalt  }
0x61: {  	_ =	shalt  }
0x62: {  	_ =	shalt  }
0x63: {  	_ =	shalt  }
0x64: {  	_ =	shalt  }
0x65: {  	_ =	shalt  }
0x66: {  	_ =	shalt  }
0x67: {  	_ =	shalt  }
0x68: {  	_ =	shalt  }
0x69: {  	_ =	shalt  }
0x6a: {  	_ =	shalt  }
0x6b: {  	_ =	shalt  }
0x6c: {  	_ =	shalt  }
0x6d: {  	_ =	shalt  }
0x6e: {  	_ =	shalt  }
0x6f: {  	_ =	shalt  }
0x70: {  	_ =	shalt  }
0x71: {  	_ =	shalt  }
0x72: {  	_ =	shalt  }
0x73: {  	_ =	shalt  }
0x74: {  	_ =	shalt  }
0x75: {  	_ =	shalt  }
0x76: {  	_ =	shalt  }
0x77: {  	_ =	shalt  }
0x78: {  	_ =	shalt  }
0x79: {  	_ =	shalt  }
0x7a: {  	_ =	shalt  }
0x7b: {  	_ =	shalt  }
0x7c: {  	_ =	shalt  }
0x7d: {  	_ =	shalt  }
0x7e: {  	_ =	shalt  }
0x7f: {  	_ =	shalt  }
0x80: {  	_ =	shalt  }
0x81: {  	_ =	shalt  }
0x82: {  	_ =	shalt  }
0x83: {  	_ =	shalt  }
0x84: {  	_ =	shalt  }
0x85: {  	_ =	shalt  }
0x86: {  	_ =	shalt  }
0x87: {  	_ =	shalt  }
.Lfunc_end0:
.L_simem_size_0:
called_computation_lowered:
.L_overlay_start_0:
0x88: {  	s2 =	sld [smem:$0x3FD9]  }
0x89: {  	s3 =	sld [smem:$0x3FFE];
	_ =	sdelay $0x1  }
0x8a: {  	s1 =	srdreg.scid  }
0x8b: {  	s0 =	sand.u32 $0x1, s1  }
0x8c: {  	s17 =	sshll.u32 s0, $0xA;
	s2 =	sadd.s32 s3, s2  }
0x8d: {  	s2 =	sadd.s32 s2, s17  }
0x8e: {  	[smem:$0x3FC2] =	sst s2  }
0x8f: {  	_ = 	snop  }
0x90: {  	s2 =	sld [smem:$0x3FC8]  }
0x91: {  	s18 =	sld [smem:$0x3FD0];
	(tm) =	ssettm $0x1  }
0x92: {  	s4 =	sld [smem:$0x3FFB];
	_ =	sdelay $0x3  }
0x93: {  	_ =	strace s4  }
0x94: {  	s4 =	sld [smem:$0x3FFC];
	_ =	sdelay $0x3  }
0x95: {  	_ =	strace s4  }
0x96: {  	s4 =	sld [smem:$0x3FFD];
	_ =	sdelay $0x3  }
0x97: {  	_ =	strace s4  }
0x98: {  	_ =	strace $0x8FFFFFFF  }
0x99: {  	s19 =	sld [smem:$0x3FDB];
	_ =	sdelay $0x1  }
0x9a: {  	s5 =	simm.s32 $_scs_section_size  }
0x9b: {  	s6 =	simm.s32 $_size__tile_overlayer_lowered;
	s7 =	simm.s32 $_tile_overlayer_lowered  }
0x9c: {  	s22 =	simm.s32 $0x1BFF;
	s21 =	sshll.u32 s7, $0x1;
	s4 =	sadd.s32 s5, s19  }
0x9d: {  	s8 =	simm.s32 $0x0;
	s20 =	sshll.u32 s6, $0x1;
	s6 =	sadd.s32 s21, s4  }
0x9e: {  	[timem:s8], [sflag:s22] =	dma.local [hbm:s6], s20  }
0x9f: {  	_ =	swait.ge [sflag:s22], s20  }
0xa0: {  	s5 =	ssub.s32 $0x0, s20;
	[sflag:s22] =	ssyncset.done $0x0  }
0xa1: {  	[sflag:s22] =	ssyncadd.s32 s5;
	_ =	sdelay $0x1  }
0xa2: {  	s23 =	simm.s32 $0x1B8B  }
0xa3: {  	_ =	swait.ge [sflag:s23], $0x1  }
0xa4: {  	[sflag:s23] =	ssyncset.done $0x0  }
0xa5: {  	s25 =	simm.s32 $0x1B8E;
	s24 =	sld [smem:$0x3FFE];
	[sflag:s23] =	ssyncadd.s32 $0xFFFFFFFF  }
0xa6: {  	s26 =	simm.s32 $execute0_lowered;
	[smem:$0x3FD2] =	sst s25  }
0xa7: {  	s6 =	sshll.u32 s26, $0x1;
	_ =	strace $0x80000046;
	[dreg:$0x1] =	wrdreg $0xFFFFFFFF  }
0xa8: {  	s28 =	simm.s32 $_size_execute0_lowered;
	s4 =	sadd.s32 s4, s6;
	[dreg:$0x0] =	wrdreg $0x0  }
0xa9: {  	s6 =	sshll.u32 s28, $0x1;
	[dreg:$0x2] =	wrdreg s4  }
0xaa: {  	[dreg:$0x3] =	wrdreg s6  }
0xab: {  	[dreg:$0x4] =	wrdreg $0xC0  }
0xac: {  	_ =	task [dreg:s8], $0x5FFFF  }
0xad: {  	[dreg:$0x1] =	wrdreg $0xFFFFFFFF  }
0xae: {  	[dreg:$0x0] =	wrdreg $0x60  }
0xaf: {  	[dreg:$0x2] =	wrdreg s24  }
0xb0: {  	[dreg:$0x3] =	wrdreg s2  }
0xb1: {  	[dreg:$0x4] =	wrdreg s18  }
0xb2: {  	[dreg:$0x5] =	wrdreg $0x18C800  }
0xb3: {  	[dreg:$0x6] =	wrdreg $0x9  }
0xb4: {  	_ =	task.clear_ibuf [dreg:s8], $0x7FFFF;
	_ =	strace $0x90000046  }
0xb5: {  	s29 =	simm.s32 $0x9;
	_ =	strace $0x80000048  }
0xb6: {  	_ =	swait.ge [sflag:s29], $0x1  }
0xb7: {  	[sflag:s29] =	ssyncadd.s32 $0xFFFFFFFF  }
0xb8: {  	_ =	strace $0x90000048  }
0xb9: {  	_ =	sfence  }
0xba: {  	s30 =	sld [smem:$0x0];
	_ =	sdelay $0x2  }
0xbb: {  	s31 =	sshll.u32 s1, $0xD;
	s1 =	sshrl.u32 s1, $0x2  }
0xbc: {  	s3 =	sand.u32 $0x4000, s31;
	s1 =	sadd.s32 s1, s30  }
0xbd: {  	s0 =	sor.u32 s3, s0;
	s1 =	sshll.u32 s1, $0x11  }
0xbe: {  	s0 =	sor.u32 s1, s0  }
0xbf: {  	s0 =	sadd.s32 $0x8F2B, s0  }
0xc0: {  	[sflag:s0] =	ssyncadd.remote.s32 $0x1  }
0xc1: {  	_ =	sfence.sel $0xFFFF  }
0xc2: {  	[dreg:$0x0] =	wrdreg $0xFFFFFFFF;
	(pc) =	sbr.abs _section_cstart, $3  }
0xc3: {  	[dreg:$0x1] =	wrdreg $0xFFFFFFFF  }
0xc4: {  	_ =	task.clear_ibuf [dreg:s8], $0x2FFFF;
	_ =	strace $0x9FFFFFFF  }
0xc5: {  	(tm) =	ssettm $0x7FFFFFFF  }
tec
execute0_lowered:
.L_overlay_start_1:
0x0: {  	(tag) =	ssettag $0x1  }
0x1: {  	s0 =	rddreg [dreg:$0x0]  }
0x2: {  	s4 =	rddreg [dreg:$0x1]  }
0x3: {  	s6 =	rddreg [dreg:$0x2]  }
0x4: {  	s1 =	srdreg.scid;
	s2 =	rddreg [dreg:$0x3]  }
0x5: {  	s5 =	stileid.u32;
	s31 =	rddreg [dreg:$0x4]  }
0x6: {  	p1 =	por $0x0, $0x0;
	s18 =	sand.u32 $0x1, s1;
	s22 =	sshll.u32 s5, $0x1  }
0x7: {  	s1 =	simm.s32 $0x0;
	s0 =	sadd.s32 $0xE00, s0;
	s19 =	sor.u32 s18, s22  }
0x8: {  	p0 =	sne.s32 s5, $0x0;
	[smem:$0x7FF] =	sst s1;
	s3 =	smul.u32 $0xC80, s19  }
0x9: {  	s5 =	simm.s32 $0x2;
	s18 =	ssub.s32 $0x2, s18;
	_ =	strace $0x80000047  }
0xa: {  	[dreg:$0x5] =	wrdreg s0;
	s19 =	smul.u32 $0xC800, s19;
	s8 =	smin.u32 s3, $0x17A20  }
0xb: {  	s22 =	sadd.s32 $0x100, s3;
	s20 =	sadd.s32 $0x180, s3;
	s16 =	sadd.s32 $0x200, s3  }
0xc: {  	s24 =	smin.u32 s3, $0x182A0;
	s25 =	smin.u32 s3, $0x18220;
	s9 =	smin.u32 s3, $0x181A0  }
0xd: {  	s11 =	smin.u32 s3, $0x18120;
	s12 =	smin.u32 s3, $0x180A0;
	s19 =	sadd.s32 s6, s19  }
0xe: {  	s7 =	sshrl.u32 s8, $0x3;
	s10 =	sadd.s32 $0x400, s25;
	s9 =	sadd.s32 $0x480, s9  }
0xf: {  	s26 =	ssub.s32 s3, s8;
	s11 =	sadd.s32 $0x500, s11;
	s30 =	ssub.s32 s22, s8  }
0x10: {  	s13 =	ssub.s32 s20, s8;
	s12 =	sadd.s32 $0x580, s12;
	[dreg:$0xd] =	wrdreg s19  }
0x11: {  	s14 =	ssub.s32 s16, s8;
	s22 =	sshll.u32 s22, $0x4;
	[dreg:$0x7] =	wrdreg s26  }
0x12: {  	s20 =	sshll.u32 s20, $0x4;
	s16 =	sshll.u32 s16, $0x4;
	[dreg:$0x9] =	wrdreg s30  }
0x13: {  	s23 =	sadd.s32 s4, s7;
	s7 =	sadd.s32 $0x280, s3;
	[dreg:$0xa] =	wrdreg s13  }
0x14: {  	s4 =	sadd.s32 $0x380, s24;
	s13 =	smin.u32 s3, $0x18020;
	[dreg:$0xb] =	wrdreg s14  }
0x15: {  	s14 =	smin.u32 s3, $0x17FA0;
	s21 =	ssub.s32 s10, s8;
	[dreg:$0x6] =	wrdreg s23  }
0x16: {  	s24 =	ssub.s32 s9, s8;
	s25 =	ssub.s32 s11, s8;
	[dreg:$0x12] =	wrdreg s21  }
0x17: {  	s26 =	ssub.s32 s12, s8;
	s20 =	sadd.s32 s6, s20;
	[dreg:$0x14] =	wrdreg s24  }
0x18: {  	s16 =	sadd.s32 s6, s16;
	s19 =	sshll.u32 s10, $0x4;
	[dreg:$0x16] =	wrdreg s25  }
0x19: {  	s9 =	sshll.u32 s9, $0x4;
	s23 =	sadd.s32 $0x80, s3;
	[dreg:$0x18] =	wrdreg s26  }
0x1a: {  	s15 =	ssub.s32 s7, s8;
	s13 =	sadd.s32 $0x600, s13;
	[dreg:$0x13] =	wrdreg s20  }
0x1b: {  	s17 =	ssub.s32 s4, s8;
	s14 =	sadd.s32 $0x680, s14;
	[dreg:$0x15] =	wrdreg s16  }
0x1c: {  	s21 =	smin.u32 s3, $0x17E20;
	s7 =	sshll.u32 s7, $0x4;
	[dreg:$0xc] =	wrdreg s15  }
0x1d: {  	s4 =	sshll.u32 s4, $0x4;
	s29 =	ssub.s32 s23, s8;
	[dreg:$0x10] =	wrdreg s17  }
0x1e: {  	s15 =	smin.u32 s3, $0x17F20;
	s17 =	smin.u32 s3, $0x17EA0;
	s30 =	ssub.s32 s14, s8  }
0x1f: {  	s21 =	sadd.s32 $0x800, s21;
	s16 =	sadd.s32 s6, s4;
	[dreg:$0x8] =	wrdreg s29  }
0x20: {  	s15 =	sadd.s32 $0x700, s15;
	s29 =	ssub.s32 s13, s8;
	[dreg:$0x1c] =	wrdreg s30  }
0x21: {  	s17 =	sadd.s32 $0x780, s17;
	s26 =	ssub.s32 s21, s8;
	[dreg:$0x1b] =	wrdreg s16  }
0x22: {  	s30 =	smin.u32 s3, $0x17CA0;
	s13 =	sshll.u32 s13, $0x4;
	[dreg:$0x1a] =	wrdreg s29  }
0x23: {  	s24 =	ssub.s32 s15, s8;
	s25 =	ssub.s32 s17, s8;
	[smem:$0x7F4] =	sst s26  }
0x24: {  	s29 =	smin.u32 s3, $0x17D20;
	s28 =	sadd.s32 $0x980, s30;
	[dreg:$0x1e] =	wrdreg s24  }
0x25: {  	s16 =	sadd.s32 s6, s13;
	s24 =	smin.u32 s3, $0x17DA0;
	[smem:$0x7F3] =	sst s25  }
0x26: {  	s26 =	sadd.s32 $0x900, s29;
	s30 =	ssub.s32 s28, s8;
	[smem:$0x7FB] =	sst s16  }
0x27: {  	s25 =	sadd.s32 $0x880, s24;
	s29 =	ssub.s32 s26, s8;
	[smem:$0x7F7] =	sst s30  }
0x28: {  	s23 =	sshll.u32 s23, $0x4;
	s24 =	ssub.s32 s25, s8;
	[smem:$0x7F6] =	sst s29  }
0x29: {  	s29 =	smin.u32 s3, $0x17C20;
	s13 =	sshll.u32 s25, $0x4;
	s25 =	sshll.u32 s8, $0x4  }
0x2a: {  	[smem:$0x7F5] =	sst s24;
	s24 =	smin.u32 s3, $0x18320;
	s29 =	sadd.s32 $0xA00, s29  }
0x2b: {  	s0 =	sadd.s32 $0x300, s24;
	s24 =	sshrl.u32 s18, $0x1;
	s30 =	ssub.s32 s29, s8  }
0x2c: {  	s18 =	ssub.s32 s18, s24;
	[smem:$0x7F8] =	sst s30;
	s30 =	ssub.s32 s0, s8  }
0x2d: {  	s24 =	sadd.s32 s6, s23;
	s23 =	smin.u32 s3, $0x17B20;
	[dreg:$0xe] =	wrdreg s30  }
0x2e: {  	s0 =	sshll.u32 s0, $0x4;
	[dreg:$0xf] =	wrdreg s24;
	s30 =	sadd.s32 s6, s22  }
0x2f: {  	s22 =	smin.u32 s3, $0x17BA0;
	s23 =	sadd.s32 $0xB00, s23;
	s3 =	smin.u32 s3, $0x17AA0  }
0x30: {  	s24 =	sadd.s32 s6, s7;
	s0 =	sadd.s32 s6, s0;
	[dreg:$0x11] =	wrdreg s30  }
0x31: {  	s20 =	sadd.s32 $0xA80, s22;
	s30 =	sadd.s32 $0xB80, s3;
	[dreg:$0x17] =	wrdreg s24  }
0x32: {  	[dreg:$0x19] =	wrdreg s0;
	s4 =	ssub.s32 s23, s8;
	s0 =	sadd.s32 s6, s19  }
0x33: {  	s22 =	sadd.s32 s6, s9;
	s24 =	sshll.u32 s11, $0x4;
	s11 =	sshll.u32 s12, $0x4  }
0x34: {  	s19 =	sshll.u32 s14, $0x4;
	s14 =	sshll.u32 s26, $0x4;
	s26 =	sshll.u32 s23, $0x4  }
0x35: {  	s23 =	simm.s32 $0x80;
	s7 =	ssub.s32 s20, s8;
	[dreg:$0x1d] =	wrdreg s0  }
0x36: {  	s3 =	ssub.s32 s30, s8;
	[dreg:$0x1f] =	wrdreg s22;
	s10 =	sadd.s32 s6, s24  }
0x37: {  	s12 =	sadd.s32 s6, s11;
	s22 =	sadd.s32 s6, s19;
	s24 =	sshll.u32 s15, $0x4  }
0x38: {  	s11 =	sshll.u32 s17, $0x4;
	s19 =	sadd.s32 s6, s13;
	s16 =	sadd.s32 s6, s14  }
0x39: {  	s15 =	sshll.u32 s28, $0x4;
	s17 =	sshll.u32 s29, $0x4;
	s29 =	sshll.u32 s30, $0x4  }
0x3a: {  	s0 =	sadd.s32 s25, s6;
	s30 =	smax.u32 s18, $0x1;
	[smem:$0x7F9] =	sst s10  }
0x3b: {  	s18 =	simm.s32 $0xCC80;
	s14 =	simm.s32 $0x1;
	[smem:$0x7FA] =	sst s12  }
0x3c: {  	s28 =	sshrl.u32 @!p0 s2, $0x3;
	[smem:$0x7FC] =	sst s22;
	s10 =	sadd.s32 s6, s24  }
0x3d: {  	s24 =	sadd.s32 s6, s11;
	s12 =	sshll.u32 s21, $0x4;
	s25 =	sadd.s32 $0xFFFFFFFF, s30  }
0x3e: {  	s13 =	sadd.s32 s6, s15;
	s21 =	sshll.u32 s20, $0x4;
	p2 =	sne.s32 s25, $0x0  }
.Ltmp0:
0x3f: {  	s11 =	sadd.s32 s6, s26;
	s8 =	sadd.s32 s6, s29;
	(pc) =	sbr.rel @!p2 .LBB2_1-.Ltmp0, $4  }
0x40: {  	s26 =	simm.s32 $0x3;
	s20 =	simm.s32 $0x8C80;
	s15 =	simm.s32 $0x14C80  }
0x41: {  	[smem:$0x7FD] =	sst s10;
	s22 =	sadd.s32 s6, s12;
	s12 =	sadd.s32 s6, s17  }
0x42: {  	s9 =	sadd.s32 s6, s21;
	s6 =	sadd.s32 $0xC000, s0;
	s10 =	simm.s32 $0xC80  }
0x43: {  	s21 =	simm.s32 $0x4C80;
	s17 =	simm.s32 $0x10C80;
	s0 =	rddreg [dreg:$0x5]  }
0x44: {  	s29 =	simm.s32 @!p0 $0x1C03;
	s30 =	simm.s32 @!p0 $0x3  }
0x45: {  	[spmem:s28], [sflag:s29] =	dma.local @!p0 [hbm:s0], $0x1000  }
0x46: {  	_ =	swait.ge @!p0 [sflag:s30], $0x1000  }
0x47: {  	[sflag:s30] =	ssyncset.done @!p0 $0x0  }
0x48: {  	[sflag:s30] =	ssyncadd.s32 @!p0 $0xFFFFF000  }
0x49: {  	[bflag:$0x0] =	sbarrier.arrive $0xFFFF  }
0x4a: {  	s0 =	rddreg [dreg:$0x6]  }
0x4b: {  	[tilespmem:s1], [sflag:$0x3] =	stream.linear.gather [hbm4b:s0+s1], $0xC80, $0x38;
	[tilespmem:$0x19480] =	vst v63  }
0x4c: {  	_ =	swait.ge [sflag:s26], $0xC80  }
0x4d: {  	[sflag:s26] =	ssyncset.done $0x0  }
0x4e: {  	s0 =	rddreg [dreg:$0x7];
	[sflag:s26] =	ssyncadd.s32 $0xFFFFF380  }
0x4f: {  	[tilespmem:s10], [sflag:$0x1] =	stream.indirect.gather [spmem:s2], $0x80, s0, s23, $0xb8;
	[tilespmem:$0x19480] =	vst v63  }
0x50: {  	s31 =	rddreg [dreg:$0x8]  }
0x51: {  	[tilespmem:s21], [sflag:$0x1] =	stream.indirect.gather [spmem:s2], $0x80, s31, s23, $0xb8;
	[tilespmem:$0x19480] =	vst v63  }
0x52: {  	s0 =	rddreg [dreg:$0x9]  }
0x53: {  	[tilespmem:s20], [sflag:$0x1] =	stream.indirect.gather [spmem:s2], $0x80, s0, s23, $0xb8;
	[tilespmem:$0x19480] =	vst v63  }
0x54: {  	s31 =	rddreg [dreg:$0xa]  }
0x55: {  	[tilespmem:s18], [sflag:$0x1] =	stream.indirect.gather [spmem:s2], $0x80, s31, s23, $0xb8;
	[tilespmem:$0x19480] =	vst v63  }
0x56: {  	s0 =	rddreg [dreg:$0xb]  }
0x57: {  	[tilespmem:s17], [sflag:$0x1] =	stream.indirect.gather [spmem:s2], $0x80, s0, s23, $0xb8;
	[tilespmem:$0x19480] =	vst v63  }
0x58: {  	s31 =	rddreg [dreg:$0xc]  }
0x59: {  	[tilespmem:s15], [sflag:$0x1] =	stream.indirect.gather [spmem:s2], $0x80, s31, s23, $0xb8;
	[tilespmem:$0x19480] =	vst v63  }
0x5a: {  	_ =	swait.ge [sflag:s14], $0x4000  }
0x5b: {  	[sflag:s14] =	ssyncset.done $0x0  }
0x5c: {  	s0 =	rddreg [dreg:$0xd];
	[sflag:s14] =	ssyncadd.s32 $0xFFFFC000  }
0x5d: {  	[hbm4b:s0+s1] =	stream.linear.scatter [tilespmem:s10], [sflag:$0x2], $0x4000, $0x38;
	[tilespmem:$0x19480] =	vst v63  }
0x5e: {  	_ =	swait.ge [sflag:s5], $0x4000  }
0x5f: {  	[sflag:s5] =	ssyncset.done $0x0  }
0x60: {  	s0 =	rddreg [dreg:$0xe];
	[sflag:s5] =	ssyncadd.s32 $0xFFFFC000  }
0x61: {  	[tilespmem:s10], [sflag:$0x1] =	stream.indirect.gather [spmem:s2], $0x80, s0, s23, $0xb8;
	[tilespmem:$0x19480] =	vst v63  }
0x62: {  	_ =	swait.ge [sflag:s14], $0x4000  }
0x63: {  	[sflag:s14] =	ssyncset.done $0x0  }
0x64: {  	s0 =	rddreg [dreg:$0xf];
	[sflag:s14] =	ssyncadd.s32 $0xFFFFC000  }
0x65: {  	[hbm4b:s0+s1] =	stream.linear.scatter [tilespmem:s21], [sflag:$0x2], $0x4000, $0x38;
	[tilespmem:$0x19480] =	vst v63  }
0x66: {  	_ =	swait.ge [sflag:s5], $0x4000  }
0x67: {  	[sflag:s5] =	ssyncset.done $0x0  }
0x68: {  	s0 =	rddreg [dreg:$0x10];
	[sflag:s5] =	ssyncadd.s32 $0xFFFFC000  }
0x69: {  	[tilespmem:s21], [sflag:$0x1] =	stream.indirect.gather [spmem:s2], $0x80, s0, s23, $0xb8;
	[tilespmem:$0x19480] =	vst v63  }
0x6a: {  	_ =	swait.ge [sflag:s14], $0x4000  }
0x6b: {  	[sflag:s14] =	ssyncset.done $0x0  }
0x6c: {  	s0 =	rddreg [dreg:$0x11];
	[sflag:s14] =	ssyncadd.s32 $0xFFFFC000  }
0x6d: {  	[hbm4b:s0+s1] =	stream.linear.scatter [tilespmem:s20], [sflag:$0x2], $0x4000, $0x38;
	[tilespmem:$0x19480] =	vst v63  }
0x6e: {  	_ =	swait.ge [sflag:s5], $0x4000  }
0x6f: {  	[sflag:s5] =	ssyncset.done $0x0  }
0x70: {  	s0 =	rddreg [dreg:$0x12];
	[sflag:s5] =	ssyncadd.s32 $0xFFFFC000  }
0x71: {  	[tilespmem:s20], [sflag:$0x1] =	stream.indirect.gather [spmem:s2], $0x80, s0, s23, $0xb8;
	[tilespmem:$0x19480] =	vst v63  }
0x72: {  	_ =	swait.ge [sflag:s14], $0x4000  }
0x73: {  	[sflag:s14] =	ssyncset.done $0x0  }
0x74: {  	s0 =	rddreg [dreg:$0x13];
	[sflag:s14] =	ssyncadd.s32 $0xFFFFC000  }
0x75: {  	[hbm4b:s0+s1] =	stream.linear.scatter [tilespmem:s18], [sflag:$0x2], $0x4000, $0x38;
	[tilespmem:$0x19480] =	vst v63  }
0x76: {  	_ =	swait.ge [sflag:s5], $0x4000  }
0x77: {  	[sflag:s5] =	ssyncset.done $0x0  }
0x78: {  	s0 =	rddreg [dreg:$0x14];
	[sflag:s5] =	ssyncadd.s32 $0xFFFFC000  }
0x79: {  	[tilespmem:s18], [sflag:$0x1] =	stream.indirect.gather [spmem:s2], $0x80, s0, s23, $0xb8;
	[tilespmem:$0x19480] =	vst v63  }
0x7a: {  	_ =	swait.ge [sflag:s14], $0x4000  }
0x7b: {  	[sflag:s14] =	ssyncset.done $0x0  }
0x7c: {  	s0 =	rddreg [dreg:$0x15];
	[sflag:s14] =	ssyncadd.s32 $0xFFFFC000  }
0x7d: {  	[hbm4b:s0+s1] =	stream.linear.scatter [tilespmem:s17], [sflag:$0x2], $0x4000, $0x38;
	[tilespmem:$0x19480] =	vst v63  }
0x7e: {  	_ =	swait.ge [sflag:s5], $0x4000  }
0x7f: {  	[sflag:s5] =	ssyncset.done $0x0  }
0x80: {  	s0 =	rddreg [dreg:$0x16];
	[sflag:s5] =	ssyncadd.s32 $0xFFFFC000  }
0x81: {  	[tilespmem:s17], [sflag:$0x1] =	stream.indirect.gather [spmem:s2], $0x80, s0, s23, $0xb8;
	[tilespmem:$0x19480] =	vst v63  }
0x82: {  	_ =	swait.ge [sflag:s14], $0x4000  }
0x83: {  	[sflag:s14] =	ssyncset.done $0x0  }
0x84: {  	s0 =	rddreg [dreg:$0x17];
	[sflag:s14] =	ssyncadd.s32 $0xFFFFC000  }
0x85: {  	[hbm4b:s0+s1] =	stream.linear.scatter [tilespmem:s15], [sflag:$0x2], $0x4000, $0x38;
	[tilespmem:$0x19480] =	vst v63  }
0x86: {  	_ =	swait.ge [sflag:s5], $0x4000  }
0x87: {  	[sflag:s5] =	ssyncset.done $0x0  }
0x88: {  	s0 =	rddreg [dreg:$0x18];
	[sflag:s5] =	ssyncadd.s32 $0xFFFFC000  }
0x89: {  	[tilespmem:s15], [sflag:$0x1] =	stream.indirect.gather [spmem:s2], $0x80, s0, s23, $0xb8;
	[tilespmem:$0x19480] =	vst v63  }
0x8a: {  	_ =	swait.ge [sflag:s14], $0x4000  }
0x8b: {  	[sflag:s14] =	ssyncset.done $0x0  }
0x8c: {  	s0 =	rddreg [dreg:$0x19];
	[sflag:s14] =	ssyncadd.s32 $0xFFFFC000  }
0x8d: {  	[hbm4b:s0+s1] =	stream.linear.scatter [tilespmem:s10], [sflag:$0x2], $0x4000, $0x38;
	[tilespmem:$0x19480] =	vst v63  }
0x8e: {  	_ =	swait.ge [sflag:s5], $0x4000  }
0x8f: {  	[sflag:s5] =	ssyncset.done $0x0  }
0x90: {  	s0 =	rddreg [dreg:$0x1a];
	[sflag:s5] =	ssyncadd.s32 $0xFFFFC000  }
0x91: {  	[tilespmem:s10], [sflag:$0x1] =	stream.indirect.gather [spmem:s2], $0x80, s0, s23, $0xb8;
	[tilespmem:$0x19480] =	vst v63  }
0x92: {  	_ =	swait.ge [sflag:s14], $0x4000  }
0x93: {  	[sflag:s14] =	ssyncset.done $0x0  }
0x94: {  	s0 =	rddreg [dreg:$0x1b];
	[sflag:s14] =	ssyncadd.s32 $0xFFFFC000  }
0x95: {  	[hbm4b:s0+s1] =	stream.linear.scatter [tilespmem:s21], [sflag:$0x2], $0x4000, $0x38;
	[tilespmem:$0x19480] =	vst v63  }
0x96: {  	_ =	swait.ge [sflag:s5], $0x4000  }
0x97: {  	[sflag:s5] =	ssyncset.done $0x0  }
0x98: {  	s0 =	rddreg [dreg:$0x1c];
	[sflag:s5] =	ssyncadd.s32 $0xFFFFC000  }
0x99: {  	[tilespmem:s21], [sflag:$0x1] =	stream.indirect.gather [spmem:s2], $0x80, s0, s23, $0xb8;
	[tilespmem:$0x19480] =	vst v63  }
0x9a: {  	_ =	swait.ge [sflag:s14], $0x4000  }
0x9b: {  	[sflag:s14] =	ssyncset.done $0x0  }
0x9c: {  	s0 =	rddreg [dreg:$0x1d];
	[sflag:s14] =	ssyncadd.s32 $0xFFFFC000  }
0x9d: {  	[hbm4b:s0+s1] =	stream.linear.scatter [tilespmem:s20], [sflag:$0x2], $0x4000, $0x38;
	[tilespmem:$0x19480] =	vst v63  }
0x9e: {  	_ =	swait.ge [sflag:s5], $0x4000  }
0x9f: {  	[sflag:s5] =	ssyncset.done $0x0  }
0xa0: {  	s0 =	rddreg [dreg:$0x1e];
	[sflag:s5] =	ssyncadd.s32 $0xFFFFC000  }
0xa1: {  	[tilespmem:s20], [sflag:$0x1] =	stream.indirect.gather [spmem:s2], $0x80, s0, s23, $0xb8;
	[tilespmem:$0x19480] =	vst v63  }
0xa2: {  	_ =	swait.ge [sflag:s14], $0x4000  }
0xa3: {  	[sflag:s14] =	ssyncset.done $0x0  }
0xa4: {  	s0 =	rddreg [dreg:$0x1f];
	[sflag:s14] =	ssyncadd.s32 $0xFFFFC000  }
0xa5: {  	[hbm4b:s0+s1] =	stream.linear.scatter [tilespmem:s18], [sflag:$0x2], $0x4000, $0x38;
	[tilespmem:$0x19480] =	vst v63  }
0xa6: {  	_ =	swait.ge [sflag:s5], $0x4000  }
0xa7: {  	s0 =	sld [smem:$0x7F3]  }
0xa8: {  	[sflag:s5] =	ssyncset.done $0x0  }
0xa9: {  	[sflag:s5] =	ssyncadd.s32 $0xFFFFC000  }
0xaa: {  	[tilespmem:s18], [sflag:$0x1] =	stream.indirect.gather [spmem:s2], $0x80, s0, s23, $0xb8;
	[tilespmem:$0x19480] =	vst v63  }
0xab: {  	_ =	swait.ge [sflag:s14], $0x4000  }
0xac: {  	s0 =	sld [smem:$0x7F9]  }
0xad: {  	[sflag:s14] =	ssyncset.done $0x0  }
0xae: {  	[sflag:s14] =	ssyncadd.s32 $0xFFFFC000  }
0xaf: {  	[hbm4b:s0+s1] =	stream.linear.scatter [tilespmem:s17], [sflag:$0x2], $0x4000, $0x38;
	[tilespmem:$0x19480] =	vst v63  }
0xb0: {  	_ =	swait.ge [sflag:s5], $0x4000  }
0xb1: {  	s0 =	sld [smem:$0x7F4]  }
0xb2: {  	[sflag:s5] =	ssyncset.done $0x0  }
0xb3: {  	[sflag:s5] =	ssyncadd.s32 $0xFFFFC000  }
0xb4: {  	[tilespmem:s17], [sflag:$0x1] =	stream.indirect.gather [spmem:s2], $0x80, s0, s23, $0xb8;
	[tilespmem:$0x19480] =	vst v63  }
0xb5: {  	_ =	swait.ge [sflag:s14], $0x4000  }
0xb6: {  	s0 =	sld [smem:$0x7FA]  }
0xb7: {  	[sflag:s14] =	ssyncset.done $0x0  }
0xb8: {  	[sflag:s14] =	ssyncadd.s32 $0xFFFFC000  }
0xb9: {  	[hbm4b:s0+s1] =	stream.linear.scatter [tilespmem:s15], [sflag:$0x2], $0x4000, $0x38;
	[tilespmem:$0x19480] =	vst v63  }
0xba: {  	_ =	swait.ge [sflag:s5], $0x4000  }
0xbb: {  	s0 =	sld [smem:$0x7F5]  }
0xbc: {  	[sflag:s5] =	ssyncset.done $0x0  }
0xbd: {  	[sflag:s5] =	ssyncadd.s32 $0xFFFFC000  }
0xbe: {  	[tilespmem:s15], [sflag:$0x1] =	stream.indirect.gather [spmem:s2], $0x80, s0, s23, $0xb8;
	[tilespmem:$0x19480] =	vst v63  }
0xbf: {  	_ =	swait.ge [sflag:s14], $0x4000  }
0xc0: {  	s0 =	sld [smem:$0x7FB]  }
0xc1: {  	[sflag:s14] =	ssyncset.done $0x0  }
0xc2: {  	[sflag:s14] =	ssyncadd.s32 $0xFFFFC000  }
0xc3: {  	[hbm4b:s0+s1] =	stream.linear.scatter [tilespmem:s10], [sflag:$0x2], $0x4000, $0x38;
	[tilespmem:$0x19480] =	vst v63  }
0xc4: {  	_ =	swait.ge [sflag:s5], $0x4000  }
0xc5: {  	s0 =	sld [smem:$0x7F6]  }
0xc6: {  	[sflag:s5] =	ssyncset.done $0x0  }
0xc7: {  	[sflag:s5] =	ssyncadd.s32 $0xFFFFC000  }
0xc8: {  	[tilespmem:s10], [sflag:$0x1] =	stream.indirect.gather [spmem:s2], $0x80, s0, s23, $0xb8;
	[tilespmem:$0x19480] =	vst v63  }
0xc9: {  	_ =	swait.ge [sflag:s14], $0x4000  }
0xca: {  	s0 =	sld [smem:$0x7FC]  }
0xcb: {  	[sflag:s14] =	ssyncset.done $0x0  }
0xcc: {  	[sflag:s14] =	ssyncadd.s32 $0xFFFFC000  }
0xcd: {  	[hbm4b:s0+s1] =	stream.linear.scatter [tilespmem:s21], [sflag:$0x2], $0x4000, $0x38;
	[tilespmem:$0x19480] =	vst v63  }
0xce: {  	_ =	swait.ge [sflag:s5], $0x4000  }
0xcf: {  	s0 =	sld [smem:$0x7F7]  }
0xd0: {  	[sflag:s5] =	ssyncset.done $0x0  }
0xd1: {  	[sflag:s5] =	ssyncadd.s32 $0xFFFFC000  }
0xd2: {  	[tilespmem:s21], [sflag:$0x1] =	stream.indirect.gather [spmem:s2], $0x80, s0, s23, $0xb8;
	[tilespmem:$0x19480] =	vst v63  }
0xd3: {  	_ =	swait.ge [sflag:s14], $0x4000  }
0xd4: {  	s0 =	sld [smem:$0x7FD]  }
0xd5: {  	[sflag:s14] =	ssyncset.done $0x0  }
0xd6: {  	[sflag:s14] =	ssyncadd.s32 $0xFFFFC000  }
0xd7: {  	[hbm4b:s0+s1] =	stream.linear.scatter [tilespmem:s20], [sflag:$0x2], $0x4000, $0x38;
	[tilespmem:$0x19480] =	vst v63  }
0xd8: {  	_ =	swait.ge [sflag:s5], $0x4000  }
0xd9: {  	s0 =	sld [smem:$0x7F8]  }
0xda: {  	[sflag:s5] =	ssyncset.done $0x0  }
0xdb: {  	[sflag:s5] =	ssyncadd.s32 $0xFFFFC000  }
0xdc: {  	[tilespmem:s20], [sflag:$0x1] =	stream.indirect.gather [spmem:s2], $0x80, s0, s23, $0xb8;
	[tilespmem:$0x19480] =	vst v63  }
0xdd: {  	_ =	swait.ge [sflag:s14], $0x4000  }
0xde: {  	[sflag:s14] =	ssyncset.done $0x0  }
0xdf: {  	[sflag:s14] =	ssyncadd.s32 $0xFFFFC000  }
0xe0: {  	[hbm4b:s24+s1] =	stream.linear.scatter [tilespmem:s18], [sflag:$0x2], $0x4000, $0x38;
	[tilespmem:$0x19480] =	vst v63  }
0xe1: {  	_ =	swait.ge [sflag:s5], $0x4000  }
0xe2: {  	[sflag:s5] =	ssyncset.done $0x0  }
0xe3: {  	[sflag:s5] =	ssyncadd.s32 $0xFFFFC000  }
0xe4: {  	[tilespmem:s18], [sflag:$0x1] =	stream.indirect.gather [spmem:s2], $0x80, s7, s23, $0xb8;
	[tilespmem:$0x19480] =	vst v63  }
0xe5: {  	_ =	swait.ge [sflag:s14], $0x4000  }
0xe6: {  	[sflag:s14] =	ssyncset.done $0x0  }
0xe7: {  	[sflag:s14] =	ssyncadd.s32 $0xFFFFC000  }
0xe8: {  	[hbm4b:s22+s1] =	stream.linear.scatter [tilespmem:s17], [sflag:$0x2], $0x4000, $0x38;
	[tilespmem:$0x19480] =	vst v63  }
0xe9: {  	_ =	swait.ge [sflag:s5], $0x4000  }
0xea: {  	[sflag:s5] =	ssyncset.done $0x0  }
0xeb: {  	[sflag:s5] =	ssyncadd.s32 $0xFFFFC000  }
0xec: {  	[tilespmem:s17], [sflag:$0x1] =	stream.indirect.gather [spmem:s2], $0x80, s4, s23, $0xb8;
	[tilespmem:$0x19480] =	vst v63  }
0xed: {  	_ =	swait.ge [sflag:s14], $0x4000  }
0xee: {  	[sflag:s14] =	ssyncset.done $0x0  }
0xef: {  	[sflag:s14] =	ssyncadd.s32 $0xFFFFC000  }
0xf0: {  	[hbm4b:s19+s1] =	stream.linear.scatter [tilespmem:s15], [sflag:$0x2], $0x4000, $0x38;
	[tilespmem:$0x19480] =	vst v63  }
0xf1: {  	_ =	swait.ge [sflag:s5], $0x4000  }
0xf2: {  	[sflag:s5] =	ssyncset.done $0x0  }
0xf3: {  	[sflag:s5] =	ssyncadd.s32 $0xFFFFC000  }
0xf4: {  	[tilespmem:s15], [sflag:$0x1] =	stream.indirect.gather [spmem:s2], $0x80, s3, s23, $0xb8;
	[tilespmem:$0x19480] =	vst v63  }
0xf5: {  	_ =	swait.ge [sflag:s14], $0x4000  }
0xf6: {  	[sflag:s14] =	ssyncset.done $0x0  }
0xf7: {  	[sflag:s14] =	ssyncadd.s32 $0xFFFFC000  }
0xf8: {  	[hbm4b:s16+s1] =	stream.linear.scatter [tilespmem:s10], [sflag:$0x2], $0x4000, $0x38;
	[tilespmem:$0x19480] =	vst v63  }
0xf9: {  	_ =	swait.ge [sflag:s5], $0x4000  }
0xfa: {  	[sflag:s5] =	ssyncset.done $0x0  }
0xfb: {  	s0 =	simm.s32 $0xC00;
	[sflag:s5] =	ssyncadd.s32 $0xFFFFC000  }
0xfc: {  	[tilespmem:s10], [sflag:$0x1] =	stream.indirect.gather [spmem:s2], $0x80, s0, s23, $0xb8;
	[tilespmem:$0x19480] =	vst v63  }
0xfd: {  	_ =	swait.ge [sflag:s14], $0x4000  }
0xfe: {  	[sflag:s14] =	ssyncset.done $0x0  }
0xff: {  	[sflag:s14] =	ssyncadd.s32 $0xFFFFC000  }
0x100: {  	[hbm4b:s13+s1] =	stream.linear.scatter [tilespmem:s21], [sflag:$0x2], $0x4000, $0x38;
	[tilespmem:$0x19480] =	vst v63  }
0x101: {  	_ =	swait.ge [sflag:s14], $0x4000  }
0x102: {  	[sflag:s14] =	ssyncset.done $0x0  }
0x103: {  	[sflag:s14] =	ssyncadd.s32 $0xFFFFC000  }
0x104: {  	[hbm4b:s12+s1] =	stream.linear.scatter [tilespmem:s20], [sflag:$0x2], $0x4000, $0x38;
	[tilespmem:$0x19480] =	vst v63  }
0x105: {  	_ =	swait.ge [sflag:s14], $0x4000  }
0x106: {  	[sflag:s14] =	ssyncset.done $0x0  }
0x107: {  	[sflag:s14] =	ssyncadd.s32 $0xFFFFC000  }
0x108: {  	[hbm4b:s9+s1] =	stream.linear.scatter [tilespmem:s18], [sflag:$0x2], $0x4000, $0x38;
	[tilespmem:$0x19480] =	vst v63  }
0x109: {  	_ =	swait.ge [sflag:s14], $0x4000  }
0x10a: {  	[sflag:s14] =	ssyncset.done $0x0  }
0x10b: {  	[sflag:s14] =	ssyncadd.s32 $0xFFFFC000  }
0x10c: {  	[hbm4b:s11+s1] =	stream.linear.scatter [tilespmem:s17], [sflag:$0x2], $0x4000, $0x38;
	[tilespmem:$0x19480] =	vst v63  }
0x10d: {  	_ =	swait.ge [sflag:s14], $0x4000  }
0x10e: {  	[sflag:s14] =	ssyncset.done $0x0  }
0x10f: {  	[sflag:s14] =	ssyncadd.s32 $0xFFFFC000  }
0x110: {  	[hbm4b:s8+s1] =	stream.linear.scatter [tilespmem:s15], [sflag:$0x2], $0x4000, $0x38;
	[tilespmem:$0x19480] =	vst v63  }
0x111: {  	_ =	swait.ge [sflag:s14], $0x4000  }
0x112: {  	[sflag:s14] =	ssyncset.done $0x0  }
0x113: {  	[sflag:s14] =	ssyncadd.s32 $0xFFFFC000  }
0x114: {  	[hbm4b:s6+s1] =	stream.linear.scatter [tilespmem:s10], [sflag:$0x2], $0x4000, $0x38;
	[tilespmem:$0x19480] =	vst v63  }
0x115: {  	_ =	swait.ge [sflag:s5], $0x4000  }
0x116: {  	[sflag:s5] =	ssyncset.done $0x0  }
0x117: {  	[sflag:s5] =	ssyncadd.s32 $0xFFFFC000  }
0x118: {  	_ =	swait.ge [sflag:s5], $0x4000  }
0x119: {  	[sflag:s5] =	ssyncset.done $0x0  }
0x11a: {  	[sflag:s5] =	ssyncadd.s32 $0xFFFFC000  }
0x11b: {  	_ =	swait.ge [sflag:s5], $0x4000  }
0x11c: {  	[sflag:s5] =	ssyncset.done $0x0  }
0x11d: {  	[sflag:s5] =	ssyncadd.s32 $0xFFFFC000  }
0x11e: {  	_ =	swait.ge [sflag:s5], $0x4000  }
0x11f: {  	s31 =	sadd.s32 $0xFFFFFFFF, s25;
	[sflag:s5] =	ssyncset.done $0x0  }
0x120: {  	p2 =	sne.s32 s31, $0x0;
	[sflag:s5] =	ssyncadd.s32 $0xFFFFC000  }
.Ltmp1:
0x121: {  	_ =	swait.ge [sflag:s5], $0x4000;
	(pc) =	sbr.rel @!p2 .LBB2_3-.Ltmp1, $4  }
0x122: {  	[sflag:s5] =	ssyncset.done $0x0  }
0x123: {  	[sflag:s5] =	ssyncadd.s32 $0xFFFFC000  }
0x124: {  	_ =	swait.ge [sflag:s5], $0x4000  }
0x125: {  	p1 =	por $0x1, $0x1;
	s0 =	rddreg [dreg:$0x5];
	[sflag:s5] =	ssyncset.done $0x0  }
.LBB2_4:
0x126: {  	[sflag:s5] =	ssyncadd.s32 $0xFFFFC000  }
0x127: {  	[spmem:s28], [sflag:s29] =	dma.local @!p0 [hbm:s0], $0x1000  }
0x128: {  	_ =	swait.ge @!p0 [sflag:s30], $0x1000  }
0x129: {  	[sflag:s30] =	ssyncset.done @!p0 $0x0  }
0x12a: {  	[sflag:s30] =	ssyncadd.s32 @!p0 $0xFFFFF000  }
0x12b: {  	[bflag:$0x0] =	sbarrier.arrive $0xFFFF  }
0x12c: {  	s25 =	rddreg [dreg:$0x6]  }
0x12d: {  	[tilespmem:s1], [sflag:$0x3] =	stream.linear.gather [hbm4b:s25+s1], $0xC80, $0x38;
	[tilespmem:$0x19480] =	vst v63  }
0x12e: {  	_ =	swait.ge [sflag:s26], $0xC80  }
0x12f: {  	[sflag:s26] =	ssyncset.done $0x0  }
0x130: {  	s0 =	rddreg [dreg:$0x7];
	[sflag:s26] =	ssyncadd.s32 $0xFFFFF380  }
0x131: {  	[tilespmem:s10], [sflag:$0x1] =	stream.indirect.gather [spmem:s2], $0x80, s0, s23, $0xb8;
	[tilespmem:$0x19480] =	vst v63  }
0x132: {  	s25 =	rddreg [dreg:$0x8]  }
0x133: {  	[tilespmem:s21], [sflag:$0x1] =	stream.indirect.gather [spmem:s2], $0x80, s25, s23, $0xb8;
	[tilespmem:$0x19480] =	vst v63  }
0x134: {  	s0 =	rddreg [dreg:$0x9]  }
0x135: {  	[tilespmem:s20], [sflag:$0x1] =	stream.indirect.gather [spmem:s2], $0x80, s0, s23, $0xb8;
	[tilespmem:$0x19480] =	vst v63  }
0x136: {  	s25 =	rddreg [dreg:$0xa]  }
0x137: {  	[tilespmem:s18], [sflag:$0x1] =	stream.indirect.gather [spmem:s2], $0x80, s25, s23, $0xb8;
	[tilespmem:$0x19480] =	vst v63  }
0x138: {  	s0 =	rddreg [dreg:$0xb]  }
0x139: {  	[tilespmem:s17], [sflag:$0x1] =	stream.indirect.gather [spmem:s2], $0x80, s0, s23, $0xb8;
	[tilespmem:$0x19480] =	vst v63  }
0x13a: {  	s25 =	rddreg [dreg:$0xc]  }
0x13b: {  	[tilespmem:s15], [sflag:$0x1] =	stream.indirect.gather [spmem:s2], $0x80, s25, s23, $0xb8;
	[tilespmem:$0x19480] =	vst v63  }
0x13c: {  	_ =	swait.ge [sflag:s14], $0x4000  }
0x13d: {  	[sflag:s14] =	ssyncset.done $0x0  }
0x13e: {  	s0 =	rddreg [dreg:$0xd];
	[sflag:s14] =	ssyncadd.s32 $0xFFFFC000  }
0x13f: {  	[hbm4b:s0+s1] =	stream.linear.scatter [tilespmem:s10], [sflag:$0x2], $0x4000, $0x38;
	[tilespmem:$0x19480] =	vst v63  }
0x140: {  	_ =	swait.ge [sflag:s5], $0x4000  }
0x141: {  	[sflag:s5] =	ssyncset.done $0x0  }
0x142: {  	s0 =	rddreg [dreg:$0xe];
	[sflag:s5] =	ssyncadd.s32 $0xFFFFC000  }
0x143: {  	[tilespmem:s10], [sflag:$0x1] =	stream.indirect.gather [spmem:s2], $0x80, s0, s23, $0xb8;
	[tilespmem:$0x19480] =	vst v63  }
0x144: {  	_ =	swait.ge [sflag:s14], $0x4000  }
0x145: {  	[sflag:s14] =	ssyncset.done $0x0  }
0x146: {  	s0 =	rddreg [dreg:$0xf];
	[sflag:s14] =	ssyncadd.s32 $0xFFFFC000  }
0x147: {  	[hbm4b:s0+s1] =	stream.linear.scatter [tilespmem:s21], [sflag:$0x2], $0x4000, $0x38;
	[tilespmem:$0x19480] =	vst v63  }
0x148: {  	_ =	swait.ge [sflag:s5], $0x4000  }
0x149: {  	[sflag:s5] =	ssyncset.done $0x0  }
0x14a: {  	s0 =	rddreg [dreg:$0x10];
	[sflag:s5] =	ssyncadd.s32 $0xFFFFC000  }
0x14b: {  	[tilespmem:s21], [sflag:$0x1] =	stream.indirect.gather [spmem:s2], $0x80, s0, s23, $0xb8;
	[tilespmem:$0x19480] =	vst v63  }
0x14c: {  	_ =	swait.ge [sflag:s14], $0x4000  }
0x14d: {  	[sflag:s14] =	ssyncset.done $0x0  }
0x14e: {  	s0 =	rddreg [dreg:$0x11];
	[sflag:s14] =	ssyncadd.s32 $0xFFFFC000  }
0x14f: {  	[hbm4b:s0+s1] =	stream.linear.scatter [tilespmem:s20], [sflag:$0x2], $0x4000, $0x38;
	[tilespmem:$0x19480] =	vst v63  }
0x150: {  	_ =	swait.ge [sflag:s5], $0x4000  }
0x151: {  	[sflag:s5] =	ssyncset.done $0x0  }
0x152: {  	s0 =	rddreg [dreg:$0x12];
	[sflag:s5] =	ssyncadd.s32 $0xFFFFC000  }
0x153: {  	[tilespmem:s20], [sflag:$0x1] =	stream.indirect.gather [spmem:s2], $0x80, s0, s23, $0xb8;
	[tilespmem:$0x19480] =	vst v63  }
0x154: {  	_ =	swait.ge [sflag:s14], $0x4000  }
0x155: {  	[sflag:s14] =	ssyncset.done $0x0  }
0x156: {  	s0 =	rddreg [dreg:$0x13];
	[sflag:s14] =	ssyncadd.s32 $0xFFFFC000  }
0x157: {  	[hbm4b:s0+s1] =	stream.linear.scatter [tilespmem:s18], [sflag:$0x2], $0x4000, $0x38;
	[tilespmem:$0x19480] =	vst v63  }
0x158: {  	_ =	swait.ge [sflag:s5], $0x4000  }
0x159: {  	[sflag:s5] =	ssyncset.done $0x0  }
0x15a: {  	s0 =	rddreg [dreg:$0x14];
	[sflag:s5] =	ssyncadd.s32 $0xFFFFC000  }
0x15b: {  	[tilespmem:s18], [sflag:$0x1] =	stream.indirect.gather [spmem:s2], $0x80, s0, s23, $0xb8;
	[tilespmem:$0x19480] =	vst v63  }
0x15c: {  	_ =	swait.ge [sflag:s14], $0x4000  }
0x15d: {  	[sflag:s14] =	ssyncset.done $0x0  }
0x15e: {  	s0 =	rddreg [dreg:$0x15];
	[sflag:s14] =	ssyncadd.s32 $0xFFFFC000  }
0x15f: {  	[hbm4b:s0+s1] =	stream.linear.scatter [tilespmem:s17], [sflag:$0x2], $0x4000, $0x38;
	[tilespmem:$0x19480] =	vst v63  }
0x160: {  	_ =	swait.ge [sflag:s5], $0x4000  }
0x161: {  	[sflag:s5] =	ssyncset.done $0x0  }
0x162: {  	s0 =	rddreg [dreg:$0x16];
	[sflag:s5] =	ssyncadd.s32 $0xFFFFC000  }
0x163: {  	[tilespmem:s17], [sflag:$0x1] =	stream.indirect.gather [spmem:s2], $0x80, s0, s23, $0xb8;
	[tilespmem:$0x19480] =	vst v63  }
0x164: {  	_ =	swait.ge [sflag:s14], $0x4000  }
0x165: {  	[sflag:s14] =	ssyncset.done $0x0  }
0x166: {  	s0 =	rddreg [dreg:$0x17];
	[sflag:s14] =	ssyncadd.s32 $0xFFFFC000  }
0x167: {  	[hbm4b:s0+s1] =	stream.linear.scatter [tilespmem:s15], [sflag:$0x2], $0x4000, $0x38;
	[tilespmem:$0x19480] =	vst v63  }
0x168: {  	_ =	swait.ge [sflag:s5], $0x4000  }
0x169: {  	[sflag:s5] =	ssyncset.done $0x0  }
0x16a: {  	s0 =	rddreg [dreg:$0x18];
	[sflag:s5] =	ssyncadd.s32 $0xFFFFC000  }
0x16b: {  	[tilespmem:s15], [sflag:$0x1] =	stream.indirect.gather [spmem:s2], $0x80, s0, s23, $0xb8;
	[tilespmem:$0x19480] =	vst v63  }
0x16c: {  	_ =	swait.ge [sflag:s14], $0x4000  }
0x16d: {  	[sflag:s14] =	ssyncset.done $0x0  }
0x16e: {  	s0 =	rddreg [dreg:$0x19];
	[sflag:s14] =	ssyncadd.s32 $0xFFFFC000  }
0x16f: {  	[hbm4b:s0+s1] =	stream.linear.scatter [tilespmem:s10], [sflag:$0x2], $0x4000, $0x38;
	[tilespmem:$0x19480] =	vst v63  }
0x170: {  	_ =	swait.ge [sflag:s5], $0x4000  }
0x171: {  	[sflag:s5] =	ssyncset.done $0x0  }
0x172: {  	s0 =	rddreg [dreg:$0x1a];
	[sflag:s5] =	ssyncadd.s32 $0xFFFFC000  }
0x173: {  	[tilespmem:s10], [sflag:$0x1] =	stream.indirect.gather [spmem:s2], $0x80, s0, s23, $0xb8;
	[tilespmem:$0x19480] =	vst v63  }
0x174: {  	_ =	swait.ge [sflag:s14], $0x4000  }
0x175: {  	[sflag:s14] =	ssyncset.done $0x0  }
0x176: {  	s0 =	rddreg [dreg:$0x1b];
	[sflag:s14] =	ssyncadd.s32 $0xFFFFC000  }
0x177: {  	[hbm4b:s0+s1] =	stream.linear.scatter [tilespmem:s21], [sflag:$0x2], $0x4000, $0x38;
	[tilespmem:$0x19480] =	vst v63  }
0x178: {  	_ =	swait.ge [sflag:s5], $0x4000  }
0x179: {  	[sflag:s5] =	ssyncset.done $0x0  }
0x17a: {  	s0 =	rddreg [dreg:$0x1c];
	[sflag:s5] =	ssyncadd.s32 $0xFFFFC000  }
0x17b: {  	[tilespmem:s21], [sflag:$0x1] =	stream.indirect.gather [spmem:s2], $0x80, s0, s23, $0xb8;
	[tilespmem:$0x19480] =	vst v63  }
0x17c: {  	_ =	swait.ge [sflag:s14], $0x4000  }
0x17d: {  	[sflag:s14] =	ssyncset.done $0x0  }
0x17e: {  	s0 =	rddreg [dreg:$0x1d];
	[sflag:s14] =	ssyncadd.s32 $0xFFFFC000  }
0x17f: {  	[hbm4b:s0+s1] =	stream.linear.scatter [tilespmem:s20], [sflag:$0x2], $0x4000, $0x38;
	[tilespmem:$0x19480] =	vst v63  }
0x180: {  	_ =	swait.ge [sflag:s5], $0x4000  }
0x181: {  	[sflag:s5] =	ssyncset.done $0x0  }
0x182: {  	s0 =	rddreg [dreg:$0x1e];
	[sflag:s5] =	ssyncadd.s32 $0xFFFFC000  }
0x183: {  	[tilespmem:s20], [sflag:$0x1] =	stream.indirect.gather [spmem:s2], $0x80, s0, s23, $0xb8;
	[tilespmem:$0x19480] =	vst v63  }
0x184: {  	_ =	swait.ge [sflag:s14], $0x4000  }
0x185: {  	[sflag:s14] =	ssyncset.done $0x0  }
0x186: {  	s0 =	rddreg [dreg:$0x1f];
	[sflag:s14] =	ssyncadd.s32 $0xFFFFC000  }
0x187: {  	[hbm4b:s0+s1] =	stream.linear.scatter [tilespmem:s18], [sflag:$0x2], $0x4000, $0x38;
	[tilespmem:$0x19480] =	vst v63  }
0x188: {  	_ =	swait.ge [sflag:s5], $0x4000  }
0x189: {  	s0 =	sld [smem:$0x7F3]  }
0x18a: {  	[sflag:s5] =	ssyncset.done $0x0  }
0x18b: {  	[sflag:s5] =	ssyncadd.s32 $0xFFFFC000  }
0x18c: {  	[tilespmem:s18], [sflag:$0x1] =	stream.indirect.gather [spmem:s2], $0x80, s0, s23, $0xb8;
	[tilespmem:$0x19480] =	vst v63  }
0x18d: {  	_ =	swait.ge [sflag:s14], $0x4000  }
0x18e: {  	s0 =	sld [smem:$0x7F9]  }
0x18f: {  	[sflag:s14] =	ssyncset.done $0x0  }
0x190: {  	[sflag:s14] =	ssyncadd.s32 $0xFFFFC000  }
0x191: {  	[hbm4b:s0+s1] =	stream.linear.scatter [tilespmem:s17], [sflag:$0x2], $0x4000, $0x38;
	[tilespmem:$0x19480] =	vst v63  }
0x192: {  	_ =	swait.ge [sflag:s5], $0x4000  }
0x193: {  	s0 =	sld [smem:$0x7F4]  }
0x194: {  	[sflag:s5] =	ssyncset.done $0x0  }
0x195: {  	[sflag:s5] =	ssyncadd.s32 $0xFFFFC000  }
0x196: {  	[tilespmem:s17], [sflag:$0x1] =	stream.indirect.gather [spmem:s2], $0x80, s0, s23, $0xb8;
	[tilespmem:$0x19480] =	vst v63  }
0x197: {  	_ =	swait.ge [sflag:s14], $0x4000  }
0x198: {  	s0 =	sld [smem:$0x7FA]  }
0x199: {  	[sflag:s14] =	ssyncset.done $0x0  }
0x19a: {  	[sflag:s14] =	ssyncadd.s32 $0xFFFFC000  }
0x19b: {  	[hbm4b:s0+s1] =	stream.linear.scatter [tilespmem:s15], [sflag:$0x2], $0x4000, $0x38;
	[tilespmem:$0x19480] =	vst v63  }
0x19c: {  	_ =	swait.ge [sflag:s5], $0x4000  }
0x19d: {  	s0 =	sld [smem:$0x7F5]  }
0x19e: {  	[sflag:s5] =	ssyncset.done $0x0  }
0x19f: {  	[sflag:s5] =	ssyncadd.s32 $0xFFFFC000  }
0x1a0: {  	[tilespmem:s15], [sflag:$0x1] =	stream.indirect.gather [spmem:s2], $0x80, s0, s23, $0xb8;
	[tilespmem:$0x19480] =	vst v63  }
0x1a1: {  	_ =	swait.ge [sflag:s14], $0x4000  }
0x1a2: {  	s0 =	sld [smem:$0x7FB]  }
0x1a3: {  	[sflag:s14] =	ssyncset.done $0x0  }
0x1a4: {  	[sflag:s14] =	ssyncadd.s32 $0xFFFFC000  }
0x1a5: {  	[hbm4b:s0+s1] =	stream.linear.scatter [tilespmem:s10], [sflag:$0x2], $0x4000, $0x38;
	[tilespmem:$0x19480] =	vst v63  }
0x1a6: {  	_ =	swait.ge [sflag:s5], $0x4000  }
0x1a7: {  	s0 =	sld [smem:$0x7F6]  }
0x1a8: {  	[sflag:s5] =	ssyncset.done $0x0  }
0x1a9: {  	[sflag:s5] =	ssyncadd.s32 $0xFFFFC000  }
0x1aa: {  	[tilespmem:s10], [sflag:$0x1] =	stream.indirect.gather [spmem:s2], $0x80, s0, s23, $0xb8;
	[tilespmem:$0x19480] =	vst v63  }
0x1ab: {  	_ =	swait.ge [sflag:s14], $0x4000  }
0x1ac: {  	s0 =	sld [smem:$0x7FC]  }
0x1ad: {  	[sflag:s14] =	ssyncset.done $0x0  }
0x1ae: {  	[sflag:s14] =	ssyncadd.s32 $0xFFFFC000  }
0x1af: {  	[hbm4b:s0+s1] =	stream.linear.scatter [tilespmem:s21], [sflag:$0x2], $0x4000, $0x38;
	[tilespmem:$0x19480] =	vst v63  }
0x1b0: {  	_ =	swait.ge [sflag:s5], $0x4000  }
0x1b1: {  	s0 =	sld [smem:$0x7F7]  }
0x1b2: {  	[sflag:s5] =	ssyncset.done $0x0  }
0x1b3: {  	[sflag:s5] =	ssyncadd.s32 $0xFFFFC000  }
0x1b4: {  	[tilespmem:s21], [sflag:$0x1] =	stream.indirect.gather [spmem:s2], $0x80, s0, s23, $0xb8;
	[tilespmem:$0x19480] =	vst v63  }
0x1b5: {  	_ =	swait.ge [sflag:s14], $0x4000  }
0x1b6: {  	s0 =	sld [smem:$0x7FD]  }
0x1b7: {  	[sflag:s14] =	ssyncset.done $0x0  }
0x1b8: {  	[sflag:s14] =	ssyncadd.s32 $0xFFFFC000  }
0x1b9: {  	[hbm4b:s0+s1] =	stream.linear.scatter [tilespmem:s20], [sflag:$0x2], $0x4000, $0x38;
	[tilespmem:$0x19480] =	vst v63  }
0x1ba: {  	_ =	swait.ge [sflag:s5], $0x4000  }
0x1bb: {  	s0 =	sld [smem:$0x7F8]  }
0x1bc: {  	[sflag:s5] =	ssyncset.done $0x0  }
0x1bd: {  	[sflag:s5] =	ssyncadd.s32 $0xFFFFC000  }
0x1be: {  	[tilespmem:s20], [sflag:$0x1] =	stream.indirect.gather [spmem:s2], $0x80, s0, s23, $0xb8;
	[tilespmem:$0x19480] =	vst v63  }
0x1bf: {  	_ =	swait.ge [sflag:s14], $0x4000  }
0x1c0: {  	[sflag:s14] =	ssyncset.done $0x0  }
0x1c1: {  	[sflag:s14] =	ssyncadd.s32 $0xFFFFC000  }
0x1c2: {  	[hbm4b:s24+s1] =	stream.linear.scatter [tilespmem:s18], [sflag:$0x2], $0x4000, $0x38;
	[tilespmem:$0x19480] =	vst v63  }
0x1c3: {  	_ =	swait.ge [sflag:s5], $0x4000  }
0x1c4: {  	[sflag:s5] =	ssyncset.done $0x0  }
0x1c5: {  	[sflag:s5] =	ssyncadd.s32 $0xFFFFC000  }
0x1c6: {  	[tilespmem:s18], [sflag:$0x1] =	stream.indirect.gather [spmem:s2], $0x80, s7, s23, $0xb8;
	[tilespmem:$0x19480] =	vst v63  }
0x1c7: {  	_ =	swait.ge [sflag:s14], $0x4000  }
0x1c8: {  	[sflag:s14] =	ssyncset.done $0x0  }
0x1c9: {  	[sflag:s14] =	ssyncadd.s32 $0xFFFFC000  }
0x1ca: {  	[hbm4b:s22+s1] =	stream.linear.scatter [tilespmem:s17], [sflag:$0x2], $0x4000, $0x38;
	[tilespmem:$0x19480] =	vst v63  }
0x1cb: {  	_ =	swait.ge [sflag:s5], $0x4000  }
0x1cc: {  	[sflag:s5] =	ssyncset.done $0x0  }
0x1cd: {  	[sflag:s5] =	ssyncadd.s32 $0xFFFFC000  }
0x1ce: {  	[tilespmem:s17], [sflag:$0x1] =	stream.indirect.gather [spmem:s2], $0x80, s4, s23, $0xb8;
	[tilespmem:$0x19480] =	vst v63  }
0x1cf: {  	_ =	swait.ge [sflag:s14], $0x4000  }
0x1d0: {  	[sflag:s14] =	ssyncset.done $0x0  }
0x1d1: {  	[sflag:s14] =	ssyncadd.s32 $0xFFFFC000  }
0x1d2: {  	[hbm4b:s19+s1] =	stream.linear.scatter [tilespmem:s15], [sflag:$0x2], $0x4000, $0x38;
	[tilespmem:$0x19480] =	vst v63  }
0x1d3: {  	_ =	swait.ge [sflag:s5], $0x4000  }
0x1d4: {  	[sflag:s5] =	ssyncset.done $0x0  }
0x1d5: {  	[sflag:s5] =	ssyncadd.s32 $0xFFFFC000  }
0x1d6: {  	[tilespmem:s15], [sflag:$0x1] =	stream.indirect.gather [spmem:s2], $0x80, s3, s23, $0xb8;
	[tilespmem:$0x19480] =	vst v63  }
0x1d7: {  	_ =	swait.ge [sflag:s14], $0x4000  }
0x1d8: {  	[sflag:s14] =	ssyncset.done $0x0  }
0x1d9: {  	[sflag:s14] =	ssyncadd.s32 $0xFFFFC000  }
0x1da: {  	[hbm4b:s16+s1] =	stream.linear.scatter [tilespmem:s10], [sflag:$0x2], $0x4000, $0x38;
	[tilespmem:$0x19480] =	vst v63  }
0x1db: {  	_ =	swait.ge [sflag:s5], $0x4000  }
0x1dc: {  	[sflag:s5] =	ssyncset.done $0x0  }
0x1dd: {  	s25 =	simm.s32 $0xC00;
	[sflag:s5] =	ssyncadd.s32 $0xFFFFC000  }
0x1de: {  	[tilespmem:s10], [sflag:$0x1] =	stream.indirect.gather [spmem:s2], $0x80, s25, s23, $0xb8;
	[tilespmem:$0x19480] =	vst v63  }
0x1df: {  	_ =	swait.ge [sflag:s14], $0x4000  }
0x1e0: {  	[sflag:s14] =	ssyncset.done $0x0  }
0x1e1: {  	[sflag:s14] =	ssyncadd.s32 $0xFFFFC000  }
0x1e2: {  	[hbm4b:s13+s1] =	stream.linear.scatter [tilespmem:s21], [sflag:$0x2], $0x4000, $0x38;
	[tilespmem:$0x19480] =	vst v63  }
0x1e3: {  	_ =	swait.ge [sflag:s14], $0x4000  }
0x1e4: {  	[sflag:s14] =	ssyncset.done $0x0  }
0x1e5: {  	[sflag:s14] =	ssyncadd.s32 $0xFFFFC000  }
0x1e6: {  	[hbm4b:s12+s1] =	stream.linear.scatter [tilespmem:s20], [sflag:$0x2], $0x4000, $0x38;
	[tilespmem:$0x19480] =	vst v63  }
0x1e7: {  	_ =	swait.ge [sflag:s14], $0x4000  }
0x1e8: {  	[sflag:s14] =	ssyncset.done $0x0  }
0x1e9: {  	[sflag:s14] =	ssyncadd.s32 $0xFFFFC000  }
0x1ea: {  	[hbm4b:s9+s1] =	stream.linear.scatter [tilespmem:s18], [sflag:$0x2], $0x4000, $0x38;
	[tilespmem:$0x19480] =	vst v63  }
0x1eb: {  	_ =	swait.ge [sflag:s14], $0x4000  }
0x1ec: {  	[sflag:s14] =	ssyncset.done $0x0  }
0x1ed: {  	[sflag:s14] =	ssyncadd.s32 $0xFFFFC000  }
0x1ee: {  	[hbm4b:s11+s1] =	stream.linear.scatter [tilespmem:s17], [sflag:$0x2], $0x4000, $0x38;
	[tilespmem:$0x19480] =	vst v63  }
0x1ef: {  	_ =	swait.ge [sflag:s14], $0x4000  }
0x1f0: {  	[sflag:s14] =	ssyncset.done $0x0  }
0x1f1: {  	[sflag:s14] =	ssyncadd.s32 $0xFFFFC000  }
0x1f2: {  	[hbm4b:s8+s1] =	stream.linear.scatter [tilespmem:s15], [sflag:$0x2], $0x4000, $0x38;
	[tilespmem:$0x19480] =	vst v63  }
0x1f3: {  	_ =	swait.ge [sflag:s14], $0x4000  }
0x1f4: {  	[sflag:s14] =	ssyncset.done $0x0  }
0x1f5: {  	[sflag:s14] =	ssyncadd.s32 $0xFFFFC000  }
0x1f6: {  	[hbm4b:s6+s1] =	stream.linear.scatter [tilespmem:s10], [sflag:$0x2], $0x4000, $0x38;
	[tilespmem:$0x19480] =	vst v63  }
0x1f7: {  	_ =	swait.ge [sflag:s5], $0x4000  }
0x1f8: {  	[sflag:s5] =	ssyncset.done $0x0  }
0x1f9: {  	[sflag:s5] =	ssyncadd.s32 $0xFFFFC000  }
0x1fa: {  	_ =	swait.ge [sflag:s5], $0x4000  }
0x1fb: {  	[sflag:s5] =	ssyncset.done $0x0  }
0x1fc: {  	[sflag:s5] =	ssyncadd.s32 $0xFFFFC000  }
0x1fd: {  	_ =	swait.ge [sflag:s5], $0x4000  }
0x1fe: {  	[sflag:s5] =	ssyncset.done $0x0  }
0x1ff: {  	[sflag:s5] =	ssyncadd.s32 $0xFFFFC000  }
0x200: {  	_ =	swait.ge [sflag:s5], $0x4000  }
0x201: {  	s31 =	sadd.s32 $0xFFFFFFFF, s31;
	[sflag:s5] =	ssyncset.done $0x0  }
0x202: {  	p2 =	sne.s32 s31, $0x0;
	[sflag:s5] =	ssyncadd.s32 $0xFFFFC000  }
.Ltmp2:
0x203: {  	_ =	swait.ge [sflag:s5], $0x4000;
	(pc) =	sbr.rel @p2 .LBB2_4-.Ltmp2, $4  }
0x204: {  	[sflag:s5] =	ssyncset.done $0x0  }
0x205: {  	[sflag:s5] =	ssyncadd.s32 $0xFFFFC000  }
0x206: {  	_ =	swait.ge [sflag:s5], $0x4000  }
0x207: {  	s0 =	rddreg [dreg:$0x5];
	[sflag:s5] =	ssyncset.done $0x0  }
0x208: {  	s29 =	simm.s32 $0xC00;
	s31 =	rddreg [dreg:$0x4]  }
.LBB2_6:
0x209: {  	[sflag:s5] =	ssyncadd.s32 @p1 $0xFFFFC000;
	s25 =	simm.s32 @!p0 $0x1C03  }
0x20a: {  	[spmem:s28], [sflag:s25] =	dma.local @!p0 [hbm:s0], $0x1000  }
0x20b: {  	s0 =	simm.s32 @!p0 $0x3  }
0x20c: {  	_ =	swait.ge @!p0 [sflag:s0], $0x1000  }
0x20d: {  	[sflag:s0] =	ssyncset.done @!p0 $0x0  }
0x20e: {  	[sflag:s0] =	ssyncadd.s32 @!p0 $0xFFFFF000  }
0x20f: {  	[bflag:$0x0] =	sbarrier.arrive $0xFFFF  }
0x210: {  	s25 =	rddreg [dreg:$0x6]  }
0x211: {  	[tilespmem:s1], [sflag:$0x3] =	stream.linear.gather [hbm4b:s25+s1], $0xC80, $0x38;
	[tilespmem:$0x19480] =	vst v63  }
0x212: {  	_ =	swait.ge [sflag:s26], $0xC80  }
0x213: {  	[sflag:s26] =	ssyncset.done $0x0  }
0x214: {  	s28 =	rddreg [dreg:$0x7];
	[sflag:s26] =	ssyncadd.s32 $0xFFFFF380  }
0x215: {  	[tilespmem:s10], [sflag:$0x1] =	stream.indirect.gather [spmem:s2], $0x80, s28, s23, $0xb8;
	[tilespmem:$0x19480] =	vst v63  }
0x216: {  	s30 =	rddreg [dreg:$0x8]  }
0x217: {  	[tilespmem:s21], [sflag:$0x1] =	stream.indirect.gather [spmem:s2], $0x80, s30, s23, $0xb8;
	[tilespmem:$0x19480] =	vst v63  }
0x218: {  	s26 =	rddreg [dreg:$0x9]  }
0x219: {  	[tilespmem:s20], [sflag:$0x1] =	stream.indirect.gather [spmem:s2], $0x80, s26, s23, $0xb8;
	[tilespmem:$0x19480] =	vst v63  }
0x21a: {  	s28 =	rddreg [dreg:$0xa]  }
0x21b: {  	[tilespmem:s18], [sflag:$0x1] =	stream.indirect.gather [spmem:s2], $0x80, s28, s23, $0xb8;
	[tilespmem:$0x19480] =	vst v63  }
0x21c: {  	s30 =	rddreg [dreg:$0xb]  }
0x21d: {  	[tilespmem:s17], [sflag:$0x1] =	stream.indirect.gather [spmem:s2], $0x80, s30, s23, $0xb8;
	[tilespmem:$0x19480] =	vst v63  }
0x21e: {  	s26 =	rddreg [dreg:$0xc]  }
0x21f: {  	[tilespmem:s15], [sflag:$0x1] =	stream.indirect.gather [spmem:s2], $0x80, s26, s23, $0xb8;
	[tilespmem:$0x19480] =	vst v63  }
0x220: {  	_ =	swait.ge [sflag:s14], $0x4000  }
0x221: {  	[sflag:s14] =	ssyncset.done $0x0  }
0x222: {  	s28 =	rddreg [dreg:$0xd];
	[sflag:s14] =	ssyncadd.s32 $0xFFFFC000  }
0x223: {  	[hbm4b:s28+s1] =	stream.linear.scatter [tilespmem:s10], [sflag:$0x2], $0x4000, $0x38;
	[tilespmem:$0x19480] =	vst v63  }
0x224: {  	_ =	swait.ge [sflag:s5], $0x4000  }
0x225: {  	[sflag:s5] =	ssyncset.done $0x0  }
0x226: {  	s30 =	rddreg [dreg:$0xe];
	[sflag:s5] =	ssyncadd.s32 $0xFFFFC000  }
0x227: {  	[tilespmem:s10], [sflag:$0x1] =	stream.indirect.gather [spmem:s2], $0x80, s30, s23, $0xb8;
	[tilespmem:$0x19480] =	vst v63  }
0x228: {  	_ =	swait.ge [sflag:s14], $0x4000  }
0x229: {  	[sflag:s14] =	ssyncset.done $0x0  }
0x22a: {  	s25 =	rddreg [dreg:$0xf];
	[sflag:s14] =	ssyncadd.s32 $0xFFFFC000  }
0x22b: {  	[hbm4b:s25+s1] =	stream.linear.scatter [tilespmem:s21], [sflag:$0x2], $0x4000, $0x38;
	[tilespmem:$0x19480] =	vst v63  }
0x22c: {  	_ =	swait.ge [sflag:s5], $0x4000  }
0x22d: {  	[sflag:s5] =	ssyncset.done $0x0  }
0x22e: {  	s26 =	rddreg [dreg:$0x10];
	[sflag:s5] =	ssyncadd.s32 $0xFFFFC000  }
0x22f: {  	[tilespmem:s21], [sflag:$0x1] =	stream.indirect.gather [spmem:s2], $0x80, s26, s23, $0xb8;
	[tilespmem:$0x19480] =	vst v63  }
0x230: {  	_ =	swait.ge [sflag:s14], $0x4000  }
0x231: {  	[sflag:s14] =	ssyncset.done $0x0  }
0x232: {  	s28 =	rddreg [dreg:$0x11];
	[sflag:s14] =	ssyncadd.s32 $0xFFFFC000  }
0x233: {  	[hbm4b:s28+s1] =	stream.linear.scatter [tilespmem:s20], [sflag:$0x2], $0x4000, $0x38;
	[tilespmem:$0x19480] =	vst v63  }
0x234: {  	_ =	swait.ge [sflag:s5], $0x4000  }
0x235: {  	[sflag:s5] =	ssyncset.done $0x0  }
0x236: {  	s30 =	rddreg [dreg:$0x12];
	[sflag:s5] =	ssyncadd.s32 $0xFFFFC000  }
0x237: {  	[tilespmem:s20], [sflag:$0x1] =	stream.indirect.gather [spmem:s2], $0x80, s30, s23, $0xb8;
	[tilespmem:$0x19480] =	vst v63  }
0x238: {  	_ =	swait.ge [sflag:s14], $0x4000  }
0x239: {  	[sflag:s14] =	ssyncset.done $0x0  }
0x23a: {  	s25 =	rddreg [dreg:$0x13];
	[sflag:s14] =	ssyncadd.s32 $0xFFFFC000  }
0x23b: {  	[hbm4b:s25+s1] =	stream.linear.scatter [tilespmem:s18], [sflag:$0x2], $0x4000, $0x38;
	[tilespmem:$0x19480] =	vst v63  }
0x23c: {  	_ =	swait.ge [sflag:s5], $0x4000  }
0x23d: {  	[sflag:s5] =	ssyncset.done $0x0  }
0x23e: {  	s26 =	rddreg [dreg:$0x14];
	[sflag:s5] =	ssyncadd.s32 $0xFFFFC000  }
0x23f: {  	[tilespmem:s18], [sflag:$0x1] =	stream.indirect.gather [spmem:s2], $0x80, s26, s23, $0xb8;
	[tilespmem:$0x19480] =	vst v63  }
0x240: {  	_ =	swait.ge [sflag:s14], $0x4000  }
0x241: {  	[sflag:s14] =	ssyncset.done $0x0  }
0x242: {  	s28 =	rddreg [dreg:$0x15];
	[sflag:s14] =	ssyncadd.s32 $0xFFFFC000  }
0x243: {  	[hbm4b:s28+s1] =	stream.linear.scatter [tilespmem:s17], [sflag:$0x2], $0x4000, $0x38;
	[tilespmem:$0x19480] =	vst v63  }
0x244: {  	_ =	swait.ge [sflag:s5], $0x4000  }
0x245: {  	[sflag:s5] =	ssyncset.done $0x0  }
0x246: {  	s30 =	rddreg [dreg:$0x16];
	[sflag:s5] =	ssyncadd.s32 $0xFFFFC000  }
0x247: {  	[tilespmem:s17], [sflag:$0x1] =	stream.indirect.gather [spmem:s2], $0x80, s30, s23, $0xb8;
	[tilespmem:$0x19480] =	vst v63  }
0x248: {  	_ =	swait.ge [sflag:s14], $0x4000  }
0x249: {  	[sflag:s14] =	ssyncset.done $0x0  }
0x24a: {  	s25 =	rddreg [dreg:$0x17];
	[sflag:s14] =	ssyncadd.s32 $0xFFFFC000  }
0x24b: {  	[hbm4b:s25+s1] =	stream.linear.scatter [tilespmem:s15], [sflag:$0x2], $0x4000, $0x38;
	[tilespmem:$0x19480] =	vst v63  }
0x24c: {  	_ =	swait.ge [sflag:s5], $0x4000  }
0x24d: {  	[sflag:s5] =	ssyncset.done $0x0  }
0x24e: {  	s26 =	rddreg [dreg:$0x18];
	[sflag:s5] =	ssyncadd.s32 $0xFFFFC000  }
0x24f: {  	[tilespmem:s15], [sflag:$0x1] =	stream.indirect.gather [spmem:s2], $0x80, s26, s23, $0xb8;
	[tilespmem:$0x19480] =	vst v63  }
0x250: {  	_ =	swait.ge [sflag:s14], $0x4000  }
0x251: {  	[sflag:s14] =	ssyncset.done $0x0  }
0x252: {  	s28 =	rddreg [dreg:$0x19];
	[sflag:s14] =	ssyncadd.s32 $0xFFFFC000  }
0x253: {  	[hbm4b:s28+s1] =	stream.linear.scatter [tilespmem:s10], [sflag:$0x2], $0x4000, $0x38;
	[tilespmem:$0x19480] =	vst v63  }
0x254: {  	_ =	swait.ge [sflag:s5], $0x4000  }
0x255: {  	[sflag:s5] =	ssyncset.done $0x0  }
0x256: {  	s30 =	rddreg [dreg:$0x1a];
	[sflag:s5] =	ssyncadd.s32 $0xFFFFC000  }
0x257: {  	[tilespmem:s10], [sflag:$0x1] =	stream.indirect.gather [spmem:s2], $0x80, s30, s23, $0xb8;
	[tilespmem:$0x19480] =	vst v63  }
0x258: {  	_ =	swait.ge [sflag:s14], $0x4000  }
0x259: {  	[sflag:s14] =	ssyncset.done $0x0  }
0x25a: {  	s25 =	rddreg [dreg:$0x1b];
	[sflag:s14] =	ssyncadd.s32 $0xFFFFC000  }
0x25b: {  	[hbm4b:s25+s1] =	stream.linear.scatter [tilespmem:s21], [sflag:$0x2], $0x4000, $0x38;
	[tilespmem:$0x19480] =	vst v63  }
0x25c: {  	_ =	swait.ge [sflag:s5], $0x4000  }
0x25d: {  	[sflag:s5] =	ssyncset.done $0x0  }
0x25e: {  	s26 =	rddreg [dreg:$0x1c];
	[sflag:s5] =	ssyncadd.s32 $0xFFFFC000  }
0x25f: {  	[tilespmem:s21], [sflag:$0x1] =	stream.indirect.gather [spmem:s2], $0x80, s26, s23, $0xb8;
	[tilespmem:$0x19480] =	vst v63  }
0x260: {  	_ =	swait.ge [sflag:s14], $0x4000  }
0x261: {  	[sflag:s14] =	ssyncset.done $0x0  }
0x262: {  	s28 =	rddreg [dreg:$0x1d];
	[sflag:s14] =	ssyncadd.s32 $0xFFFFC000  }
0x263: {  	[hbm4b:s28+s1] =	stream.linear.scatter [tilespmem:s20], [sflag:$0x2], $0x4000, $0x38;
	[tilespmem:$0x19480] =	vst v63  }
0x264: {  	_ =	swait.ge [sflag:s5], $0x4000  }
0x265: {  	[sflag:s5] =	ssyncset.done $0x0  }
0x266: {  	s30 =	rddreg [dreg:$0x1e];
	[sflag:s5] =	ssyncadd.s32 $0xFFFFC000  }
0x267: {  	[tilespmem:s20], [sflag:$0x1] =	stream.indirect.gather [spmem:s2], $0x80, s30, s23, $0xb8;
	[tilespmem:$0x19480] =	vst v63  }
0x268: {  	_ =	swait.ge [sflag:s14], $0x4000  }
0x269: {  	[sflag:s14] =	ssyncset.done $0x0  }
0x26a: {  	s25 =	rddreg [dreg:$0x1f];
	[sflag:s14] =	ssyncadd.s32 $0xFFFFC000  }
0x26b: {  	[hbm4b:s25+s1] =	stream.linear.scatter [tilespmem:s18], [sflag:$0x2], $0x4000, $0x38;
	[tilespmem:$0x19480] =	vst v63  }
0x26c: {  	_ =	swait.ge [sflag:s5], $0x4000  }
0x26d: {  	s26 =	sld [smem:$0x7F3]  }
0x26e: {  	[sflag:s5] =	ssyncset.done $0x0  }
0x26f: {  	[sflag:s5] =	ssyncadd.s32 $0xFFFFC000  }
0x270: {  	[tilespmem:s18], [sflag:$0x1] =	stream.indirect.gather [spmem:s2], $0x80, s26, s23, $0xb8;
	[tilespmem:$0x19480] =	vst v63  }
0x271: {  	_ =	swait.ge [sflag:s14], $0x4000  }
0x272: {  	s28 =	sld [smem:$0x7F9]  }
0x273: {  	[sflag:s14] =	ssyncset.done $0x0  }
0x274: {  	[sflag:s14] =	ssyncadd.s32 $0xFFFFC000  }
0x275: {  	[hbm4b:s28+s1] =	stream.linear.scatter [tilespmem:s17], [sflag:$0x2], $0x4000, $0x38;
	[tilespmem:$0x19480] =	vst v63  }
0x276: {  	_ =	swait.ge [sflag:s5], $0x4000  }
0x277: {  	s30 =	sld [smem:$0x7F4]  }
0x278: {  	[sflag:s5] =	ssyncset.done $0x0  }
0x279: {  	[sflag:s5] =	ssyncadd.s32 $0xFFFFC000  }
0x27a: {  	[tilespmem:s17], [sflag:$0x1] =	stream.indirect.gather [spmem:s2], $0x80, s30, s23, $0xb8;
	[tilespmem:$0x19480] =	vst v63  }
0x27b: {  	_ =	swait.ge [sflag:s14], $0x4000  }
0x27c: {  	s25 =	sld [smem:$0x7FA]  }
0x27d: {  	[sflag:s14] =	ssyncset.done $0x0  }
0x27e: {  	[sflag:s14] =	ssyncadd.s32 $0xFFFFC000  }
0x27f: {  	[hbm4b:s25+s1] =	stream.linear.scatter [tilespmem:s15], [sflag:$0x2], $0x4000, $0x38;
	[tilespmem:$0x19480] =	vst v63  }
0x280: {  	_ =	swait.ge [sflag:s5], $0x4000  }
0x281: {  	s26 =	sld [smem:$0x7F5]  }
0x282: {  	[sflag:s5] =	ssyncset.done $0x0  }
0x283: {  	[sflag:s5] =	ssyncadd.s32 $0xFFFFC000  }
0x284: {  	[tilespmem:s15], [sflag:$0x1] =	stream.indirect.gather [spmem:s2], $0x80, s26, s23, $0xb8;
	[tilespmem:$0x19480] =	vst v63  }
0x285: {  	_ =	swait.ge [sflag:s14], $0x4000  }
0x286: {  	s28 =	sld [smem:$0x7FB]  }
0x287: {  	[sflag:s14] =	ssyncset.done $0x0  }
0x288: {  	[sflag:s14] =	ssyncadd.s32 $0xFFFFC000  }
0x289: {  	[hbm4b:s28+s1] =	stream.linear.scatter [tilespmem:s10], [sflag:$0x2], $0x4000, $0x38;
	[tilespmem:$0x19480] =	vst v63  }
0x28a: {  	_ =	swait.ge [sflag:s5], $0x4000  }
0x28b: {  	s30 =	sld [smem:$0x7F6]  }
0x28c: {  	[sflag:s5] =	ssyncset.done $0x0  }
0x28d: {  	[sflag:s5] =	ssyncadd.s32 $0xFFFFC000  }
0x28e: {  	[tilespmem:s10], [sflag:$0x1] =	stream.indirect.gather [spmem:s2], $0x80, s30, s23, $0xb8;
	[tilespmem:$0x19480] =	vst v63  }
0x28f: {  	_ =	swait.ge [sflag:s14], $0x4000  }
0x290: {  	s25 =	sld [smem:$0x7FC]  }
0x291: {  	[sflag:s14] =	ssyncset.done $0x0  }
0x292: {  	[sflag:s14] =	ssyncadd.s32 $0xFFFFC000  }
0x293: {  	[hbm4b:s25+s1] =	stream.linear.scatter [tilespmem:s21], [sflag:$0x2], $0x4000, $0x38;
	[tilespmem:$0x19480] =	vst v63  }
0x294: {  	_ =	swait.ge [sflag:s5], $0x4000  }
0x295: {  	s26 =	sld [smem:$0x7F7]  }
0x296: {  	[sflag:s5] =	ssyncset.done $0x0  }
0x297: {  	[sflag:s5] =	ssyncadd.s32 $0xFFFFC000  }
0x298: {  	[tilespmem:s21], [sflag:$0x1] =	stream.indirect.gather [spmem:s2], $0x80, s26, s23, $0xb8;
	[tilespmem:$0x19480] =	vst v63  }
0x299: {  	_ =	swait.ge [sflag:s14], $0x4000  }
0x29a: {  	s28 =	sld [smem:$0x7FD]  }
0x29b: {  	[sflag:s14] =	ssyncset.done $0x0  }
0x29c: {  	[sflag:s14] =	ssyncadd.s32 $0xFFFFC000  }
0x29d: {  	[hbm4b:s28+s1] =	stream.linear.scatter [tilespmem:s20], [sflag:$0x2], $0x4000, $0x38;
	[tilespmem:$0x19480] =	vst v63  }
0x29e: {  	_ =	swait.ge [sflag:s5], $0x4000  }
0x29f: {  	s30 =	sld [smem:$0x7F8]  }
0x2a0: {  	[sflag:s5] =	ssyncset.done $0x0  }
0x2a1: {  	[sflag:s5] =	ssyncadd.s32 $0xFFFFC000  }
0x2a2: {  	[tilespmem:s20], [sflag:$0x1] =	stream.indirect.gather [spmem:s2], $0x80, s30, s23, $0xb8;
	[tilespmem:$0x19480] =	vst v63  }
0x2a3: {  	_ =	swait.ge [sflag:s14], $0x4000  }
0x2a4: {  	[sflag:s14] =	ssyncset.done $0x0  }
0x2a5: {  	[sflag:s14] =	ssyncadd.s32 $0xFFFFC000  }
0x2a6: {  	[hbm4b:s24+s1] =	stream.linear.scatter [tilespmem:s18], [sflag:$0x2], $0x4000, $0x38;
	[tilespmem:$0x19480] =	vst v63  }
0x2a7: {  	_ =	swait.ge [sflag:s5], $0x4000  }
0x2a8: {  	[sflag:s5] =	ssyncset.done $0x0  }
0x2a9: {  	[sflag:s5] =	ssyncadd.s32 $0xFFFFC000  }
0x2aa: {  	[tilespmem:s18], [sflag:$0x1] =	stream.indirect.gather [spmem:s2], $0x80, s7, s23, $0xb8;
	[tilespmem:$0x19480] =	vst v63  }
0x2ab: {  	_ =	swait.ge [sflag:s14], $0x4000  }
0x2ac: {  	[sflag:s14] =	ssyncset.done $0x0  }
0x2ad: {  	[sflag:s14] =	ssyncadd.s32 $0xFFFFC000  }
0x2ae: {  	[hbm4b:s22+s1] =	stream.linear.scatter [tilespmem:s17], [sflag:$0x2], $0x4000, $0x38;
	[tilespmem:$0x19480] =	vst v63  }
0x2af: {  	_ =	swait.ge [sflag:s5], $0x4000  }
0x2b0: {  	[sflag:s5] =	ssyncset.done $0x0  }
0x2b1: {  	[sflag:s5] =	ssyncadd.s32 $0xFFFFC000  }
0x2b2: {  	[tilespmem:s17], [sflag:$0x1] =	stream.indirect.gather [spmem:s2], $0x80, s4, s23, $0xb8;
	[tilespmem:$0x19480] =	vst v63  }
0x2b3: {  	_ =	swait.ge [sflag:s14], $0x4000  }
0x2b4: {  	[sflag:s14] =	ssyncset.done $0x0  }
0x2b5: {  	[sflag:s14] =	ssyncadd.s32 $0xFFFFC000  }
0x2b6: {  	[hbm4b:s19+s1] =	stream.linear.scatter [tilespmem:s15], [sflag:$0x2], $0x4000, $0x38;
	[tilespmem:$0x19480] =	vst v63  }
0x2b7: {  	_ =	swait.ge [sflag:s5], $0x4000  }
0x2b8: {  	[sflag:s5] =	ssyncset.done $0x0  }
0x2b9: {  	[sflag:s5] =	ssyncadd.s32 $0xFFFFC000  }
0x2ba: {  	[tilespmem:s15], [sflag:$0x1] =	stream.indirect.gather [spmem:s2], $0x80, s3, s23, $0xb8;
	[tilespmem:$0x19480] =	vst v63  }
0x2bb: {  	_ =	swait.ge [sflag:s14], $0x4000  }
0x2bc: {  	[sflag:s14] =	ssyncset.done $0x0  }
0x2bd: {  	[sflag:s14] =	ssyncadd.s32 $0xFFFFC000  }
0x2be: {  	[hbm4b:s16+s1] =	stream.linear.scatter [tilespmem:s10], [sflag:$0x2], $0x4000, $0x38;
	[tilespmem:$0x19480] =	vst v63  }
0x2bf: {  	_ =	swait.ge [sflag:s5], $0x4000  }
0x2c0: {  	[sflag:s5] =	ssyncset.done $0x0  }
0x2c1: {  	[sflag:s5] =	ssyncadd.s32 $0xFFFFC000  }
0x2c2: {  	[tilespmem:s10], [sflag:$0x1] =	stream.indirect.gather [spmem:s2], $0x80, s29, s23, $0xb8;
	[tilespmem:$0x19480] =	vst v63  }
0x2c3: {  	_ =	swait.ge [sflag:s14], $0x4000  }
0x2c4: {  	[sflag:s14] =	ssyncset.done $0x0  }
0x2c5: {  	[sflag:s14] =	ssyncadd.s32 $0xFFFFC000  }
0x2c6: {  	[hbm4b:s13+s1] =	stream.linear.scatter [tilespmem:s21], [sflag:$0x2], $0x4000, $0x38;
	[tilespmem:$0x19480] =	vst v63  }
0x2c7: {  	_ =	swait.ge [sflag:s14], $0x4000  }
0x2c8: {  	[sflag:s14] =	ssyncset.done $0x0  }
0x2c9: {  	[sflag:s14] =	ssyncadd.s32 $0xFFFFC000  }
0x2ca: {  	[hbm4b:s12+s1] =	stream.linear.scatter [tilespmem:s20], [sflag:$0x2], $0x4000, $0x38;
	[tilespmem:$0x19480] =	vst v63  }
0x2cb: {  	_ =	swait.ge [sflag:s14], $0x4000  }
0x2cc: {  	[sflag:s14] =	ssyncset.done $0x0  }
0x2cd: {  	[sflag:s14] =	ssyncadd.s32 $0xFFFFC000  }
0x2ce: {  	[hbm4b:s9+s1] =	stream.linear.scatter [tilespmem:s18], [sflag:$0x2], $0x4000, $0x38;
	[tilespmem:$0x19480] =	vst v63  }
0x2cf: {  	_ =	swait.ge [sflag:s14], $0x4000  }
0x2d0: {  	[sflag:s14] =	ssyncset.done $0x0  }
0x2d1: {  	[sflag:s14] =	ssyncadd.s32 $0xFFFFC000  }
0x2d2: {  	[hbm4b:s11+s1] =	stream.linear.scatter [tilespmem:s17], [sflag:$0x2], $0x4000, $0x38;
	[tilespmem:$0x19480] =	vst v63  }
0x2d3: {  	_ =	swait.ge [sflag:s14], $0x4000  }
0x2d4: {  	[sflag:s14] =	ssyncset.done $0x0  }
0x2d5: {  	[sflag:s14] =	ssyncadd.s32 $0xFFFFC000  }
0x2d6: {  	[hbm4b:s8+s1] =	stream.linear.scatter [tilespmem:s15], [sflag:$0x2], $0x4000, $0x38;
	[tilespmem:$0x19480] =	vst v63  }
0x2d7: {  	_ =	swait.ge [sflag:s14], $0x4000  }
0x2d8: {  	[sflag:s14] =	ssyncset.done $0x0  }
0x2d9: {  	[sflag:s14] =	ssyncadd.s32 $0xFFFFC000  }
0x2da: {  	[hbm4b:s6+s1] =	stream.linear.scatter [tilespmem:s10], [sflag:$0x2], $0x4000, $0x38;
	[tilespmem:$0x19480] =	vst v63  }
0x2db: {  	_ =	swait.ge [sflag:s5], $0x4000  }
0x2dc: {  	[sflag:s5] =	ssyncset.done $0x0  }
0x2dd: {  	[sflag:s5] =	ssyncadd.s32 $0xFFFFC000  }
0x2de: {  	_ =	swait.ge [sflag:s5], $0x4000  }
0x2df: {  	[sflag:s5] =	ssyncset.done $0x0  }
0x2e0: {  	[sflag:s5] =	ssyncadd.s32 $0xFFFFC000  }
0x2e1: {  	_ =	swait.ge [sflag:s5], $0x4000  }
0x2e2: {  	[sflag:s5] =	ssyncset.done $0x0  }
0x2e3: {  	[sflag:s5] =	ssyncadd.s32 $0xFFFFC000  }
0x2e4: {  	_ =	swait.ge [sflag:s5], $0x4000  }
0x2e5: {  	[sflag:s5] =	ssyncset.done $0x0  }
0x2e6: {  	[sflag:s5] =	ssyncadd.s32 $0xFFFFC000  }
0x2e7: {  	_ =	swait.ge [sflag:s5], $0x4000  }
0x2e8: {  	[sflag:s5] =	ssyncset.done $0x0  }
0x2e9: {  	[sflag:s5] =	ssyncadd.s32 $0xFFFFC000  }
0x2ea: {  	_ =	swait.ge [sflag:s5], $0x4000  }
0x2eb: {  	[sflag:s5] =	ssyncset.done $0x0  }
0x2ec: {  	[sflag:s5] =	ssyncadd.s32 $0xFFFFC000  }
0x2ed: {  	_ =	sfence.sel $0x180000  }
0x2ee: {  	[bflag:$0x0] =	sbarrier.arrive $0xFFFF  }
0x2ef: {  	_ =	strace $0x90000047  }
0x2f0: {  	s0 =	sadd.s32 @!p0 $0x100000, s31;
	[bflag:$0x2] =	sbarrier.arrive $0xFFFF  }
0x2f1: {  	[sflag:s0] =	ssyncadd.tile.s32 @!p0 $0x1;
	_ =	shalt  }
.LBB2_1:
.Ltmp3:
0x2f2: {  	(pc) =	sbr.rel .LBB2_6-.Ltmp3, $2  }
0x2f3: {  	_ =	sdelay $0x2  }
0x2f4: {  	s29 =	simm.s32 $0xC00  }
.LBB2_3:
.Ltmp4:
0x2f5: {  	(pc) =	sbr.rel .LBB2_6-.Ltmp4, $2  }
0x2f6: {  	_ =	sdelay $0x2  }
0x2f7: {  	s29 =	simm.s32 $0xC00;
	s31 =	rddreg [dreg:$0x4]  }
.Lfunc_end2:
_tile_overlayer_lowered:
.L_overlay_start_2:
0x2f8: {  	(tag) =	ssettag $0x2  }
0x2f9: {  	s0 =	rddreg [dreg:$0x0];
	s2 =	stileid.u32  }
0x2fa: {  	s1 =	rddreg [dreg:$0x1];
	p0 =	sne.s32 s2, $0x0  }
0x2fb: {  	s3 =	rddreg [dreg:$0x2];
	[bflag:$0x3] =	sbarrier.arrive $0xFFFF;
	s2 =	simm.s32 @!p0 $0x1C03  }
0x2fc: {  	[timem:s3], [sflag:s2] =	dma.local @!p0 [hbm:s0], s1  }
0x2fd: {  	s0 =	simm.s32 @!p0 $0x3  }
0x2fe: {  	_ =	swait.ge @!p0 [sflag:s0], s1  }
0x2ff: {  	s1 =	ssub.s32 @!p0 $0x0, s1;
	[sflag:s0] =	ssyncset.done @!p0 $0x0  }
0x300: {  	[sflag:s0] =	ssyncadd.s32 @!p0 s1  }
0x301: {  	[bflag:$0x3] =	sbarrier.arrive $0xFFFF  }
0x302: {  	_ =	shalt  }

</sc_bundles>
